<compile_context>
chip_gen: v7x
topology: tpu7x:2x2x1
jax: 0.10.2.dev20260603
libtpu: 0.0.44.dev20260713+nightly
codegen_flags: <defaults>
</compile_context>

<pallas_src>
import functools

import jax
import jax.numpy as jnp
from jax import lax
from jax.experimental import pallas as pl
from jax.experimental.pallas import tpu as pltpu
from jax.experimental.pallas import tpu_sc as plsc

NC = 2
NS = 16
NW = NC * NS
LANES = 16
SPLIT = 104
NBUF = 4


def _sc_sums(idx_flat, emb_table, batch, seq, dim):
    b_per_w = batch // NW
    rest = seq - SPLIT
    mesh = plsc.VectorSubcoreMesh(core_axis_name="c", subcore_axis_name="s")

    @functools.partial(
        pl.kernel,
        mesh=mesh,
        compiler_params=pltpu.CompilerParams(use_tc_tiling_on_sc=False),
        out_type=jax.ShapeDtypeStruct((batch, dim), jnp.float32),
        scratch_types=[
            pltpu.VMEM((b_per_w * seq,), jnp.int32),
            pltpu.VMEM((NBUF, SPLIT, dim), jnp.float32),
            pltpu.VMEM((NBUF, rest, dim), jnp.float32),
            pltpu.VMEM((b_per_w, dim), jnp.float32),
        ] + [pltpu.SemaphoreType.DMA] * NBUF,
    )
    def sums_kernel(idx_hbm, table_hbm, out_hbm,
                    idx_v, buf_a, buf_b, acc, *gs):
        wid = lax.axis_index("s") * NC + lax.axis_index("c")
        base = wid * b_per_w
        pltpu.sync_copy(idx_hbm.at[pl.ds(base * seq, b_per_w * seq)], idx_v)

        def gather_pair(item, slot):
            pltpu.async_copy(
                table_hbm.at[idx_v.at[pl.ds(item * seq, SPLIT)]],
                buf_a.at[slot], gs[slot])
            pltpu.async_copy(
                table_hbm.at[idx_v.at[pl.ds(item * seq + SPLIT, rest)]],
                buf_b.at[slot], gs[slot])

        def gather_wait(item, slot):
            pltpu.make_async_copy(
                table_hbm.at[idx_v.at[pl.ds(item * seq, SPLIT)]],
                buf_a.at[slot], gs[slot]).wait()
            pltpu.make_async_copy(
                table_hbm.at[idx_v.at[pl.ds(item * seq + SPLIT, rest)]],
                buf_b.at[slot], gs[slot]).wait()

        def reduce_rows(buf, n, carry):
            def body(r8, c):
                r = pl.multiple_of(r8 * 8, 8)
                a = list(c)
                for u in range(8):
                    a[u % 4] = a[u % 4] + buf[r + u, pl.ds(0, LANES)]
                    a[4 + u % 4] = a[4 + u % 4] + buf[r + u, pl.ds(LANES, LANES)]
                return tuple(a)

            zero = jnp.zeros((LANES,), jnp.float32)
            init = (carry[0], zero, zero, zero, carry[1], zero, zero, zero)
            a = lax.fori_loop(0, n // 8, body, init)
            return ((a[0] + a[1]) + (a[2] + a[3]),
                    (a[4] + a[5]) + (a[6] + a[7]))

        for b in range(NBUF):
            gather_pair(b, b)

        @pl.loop(0, b_per_w, step=NBUF)
        def _(g):
            for b in range(NBUF):
                item = g + b
                gather_wait(item, b)
                zero = jnp.zeros((LANES,), jnp.float32)
                s0, s1 = reduce_rows(buf_a.at[b], SPLIT, (zero, zero))
                s0, s1 = reduce_rows(buf_b.at[b], rest, (s0, s1))
                acc[item, pl.ds(0, LANES)] = s0
                acc[item, pl.ds(LANES, LANES)] = s1

                @pl.when(item + NBUF < b_per_w)
                def _():
                    gather_pair(item + NBUF, b)

        pltpu.sync_copy(acc, out_hbm.at[pl.ds(wid * b_per_w, b_per_w)])

    return sums_kernel(idx_flat, emb_table)


def _tc_head(sums, w_out, b_out, seq):
    batch, dim = sums.shape

    def head_kernel(s_ref, w_ref, b_ref, o_ref):
        bow = s_ref[...] * (1.0 / seq)
        w = w_ref[...]
        t0 = jnp.sum(bow * w[0:1, :], axis=1, keepdims=True) + b_ref[0, 0]
        t1 = jnp.sum(bow * w[1:2, :], axis=1, keepdims=True) + b_ref[0, 1]
        m = jnp.maximum(t0, t1)
        lse = m + jnp.log(jnp.exp(t0 - m) + jnp.exp(t1 - m))
        o_ref[...] = jnp.concatenate([t0 - lse, t1 - lse], axis=1)

    return pl.pallas_call(
        head_kernel,
        out_shape=jax.ShapeDtypeStruct((batch, 2), jnp.float32),
        in_specs=[
            pl.BlockSpec(memory_space=pltpu.VMEM),
            pl.BlockSpec(memory_space=pltpu.VMEM),
            pl.BlockSpec(memory_space=pltpu.SMEM),
        ],
        out_specs=pl.BlockSpec(memory_space=pltpu.VMEM),
    )(sums, w_out, b_out.reshape(1, 2))


def kernel(input, emb_table, W_out, b_out):
    batch, seq = input.shape
    dim = emb_table.shape[1]
    idx = input.astype(jnp.int32).reshape(-1)
    sums = _sc_sums(idx, emb_table, batch, seq, dim)
    return _tc_head(sums, W_out, b_out, seq)

# --- scband reference (transcript-rebuilt; emitter-appended) ---
"""Pipeline reference for scband-bow-model-87213605912675 (READ-ONLY COPY).

The authoritative reference and input builder live on the scoring server;
editing this copy changes nothing except your own understanding.
"""

import jax, jax.numpy as jnp
import numpy as np

VOCAB = 1000000
DIM = 32
BATCH = 4096
SEQ = 200

def setup_inputs(seed: int = 0) -> dict:
    key = jax.random.key(seed)
    k1, k2, k3, k4 = jax.random.split(key, 4)
    # Frozen embedding table (emb_tensor passed to __init__; padding_idx=0 row overwritten by emb_tensor anyway)
    emb_table = jax.random.normal(k1, (VOCAB, DIM), dtype=jnp.float32)
    # nn.Linear(dim, 2) parameters
    bound = 1.0 / np.sqrt(DIM)
    W_out = jax.random.uniform(k2, (2, DIM), dtype=jnp.float32, minval=-bound, maxval=bound)
    b_out = jax.random.uniform(k3, (2,), dtype=jnp.float32, minval=-bound, maxval=bound)
    inp = jax.random.randint(k4, (BATCH, SEQ), 0, VOCAB, dtype=jnp.int64)
    return {"input": inp, "emb_table": emb_table, "W_out": W_out, "b_out": b_out}

def reference(input, emb_table, W_out, b_out):
    # embedding lookup: gather rows of the table
    embedded = jnp.take(emb_table, input, axis=0)          # [B, S, D]
    # bag-of-words: mean over sequence dimension (final value of `bow` in torch code)
    bow = embedded.mean(axis=1)                            # [B, D]
    # Linear head + log_softmax (the dead LSTM code in the original forward is
    # unreachable/broken; the working computation is the BoW -> Linear path)
    tag_space = bow @ W_out.T + b_out                      # [B, 2]
    return jax.nn.log_softmax(tag_space, axis=-1)

if __name__ == "__main__":
    import jax
    _d = setup_inputs()
    print(jax.jit(kernel)(*tuple(_d.values())))

</pallas_src>

<mosaic_0001>
#map = affine_map<(d0, d1) -> (0)>
#map1 = affine_map<(d0, d1) -> (0, 0)>
module attributes {stable_mosaic.version = 14 : i64} {
  func.func @sums_kernel(%arg0: i32, %arg1: i32, %arg2: memref<819200xi32, #tpu.memory_space<hbm>>, %arg3: memref<1000000x32xf32, #tpu.memory_space<hbm>>, %arg4: memref<4096x32xf32, #tpu.memory_space<hbm>>, %arg5: memref<25600xi32, #tpu.memory_space<vmem>>, %arg6: memref<4x104x32xf32, #tpu.memory_space<vmem>>, %arg7: memref<4x96x32xf32, #tpu.memory_space<vmem>>, %arg8: memref<128x32xf32, #tpu.memory_space<vmem>>, %arg9: memref<!tpu.dma_semaphore, #tpu.memory_space<semaphore_mem>>, %arg10: memref<!tpu.dma_semaphore, #tpu.memory_space<semaphore_mem>>, %arg11: memref<!tpu.dma_semaphore, #tpu.memory_space<semaphore_mem>>, %arg12: memref<!tpu.dma_semaphore, #tpu.memory_space<semaphore_mem>>) attributes {dimension_semantics = [#tpu.dimension_semantics<core_parallel>, #tpu.dimension_semantics<subcore_parallel>], iteration_bounds = array<i64: 2, 16>, scalar_prefetch = 0 : i64, scratch_operands = 8 : i64, tpu.core_type = #tpu.core_type<sc_vector_subcore>, window_params = [{transform_indices = #map}, {transform_indices = #map1}, {transform_indices = #map1}]} {
    %mul3A = arith.constant 2 : i32
    %mul3A_0 = arith.muli %arg1, %mul3A : i32
    %add3A = arith.addi %mul3A_0, %arg0 : i32
    %mul3A_1 = arith.constant 128 : i32
    %mul3A_2 = arith.muli %add3A, %mul3A_1 : i32
    %mul3A_3 = arith.constant 200 : i32
    %mul3A_4 = arith.muli %mul3A_2, %mul3A_3 : i32
    "tpu.region"() ({
      %run_scoped3A = tpu.sem_alloc : memref<!tpu.dma_semaphore, #tpu.memory_space<semaphore_mem>>
      %dma_start3A_90 = tpu.memref_slice %arg2[%mul3A_4] : memref<819200xi32, #tpu.memory_space<hbm>> -> memref<25600xi32, #tpu.memory_space<hbm>>
      %dma_start3A_91 = tpu.memref_slice %arg2[%mul3A_4] : memref<819200xi32, #tpu.memory_space<hbm>> -> memref<25600xi32, #tpu.memory_space<hbm>>
      tpu.enqueue_dma source(%dma_start3A_91 : memref<25600xi32, #tpu.memory_space<hbm>>) target(%arg5 : memref<25600xi32, #tpu.memory_space<vmem>>) target_semaphore(%run_scoped3A : memref<!tpu.dma_semaphore, #tpu.memory_space<semaphore_mem>>)
      %dma_wait3A = tpu.memref_slice %arg2[%mul3A_4] : memref<819200xi32, #tpu.memory_space<hbm>> -> memref<25600xi32, #tpu.memory_space<hbm>>
      %dma_wait3A_92 = tpu.memref_slice %arg2[%mul3A_4] : memref<819200xi32, #tpu.memory_space<hbm>> -> memref<25600xi32, #tpu.memory_space<hbm>>
      tpu.wait_dma2 semaphore(%run_scoped3A : memref<!tpu.dma_semaphore, #tpu.memory_space<semaphore_mem>>) src(%dma_wait3A_92 : memref<25600xi32, #tpu.memory_space<hbm>>) dst(%arg5 : memref<25600xi32, #tpu.memory_space<vmem>>)
      tpu.yield
    }) : () -> ()
    %dma_start3A = arith.constant 0 : i32
    %dma_start3A_5 = arith.constant 0 : i32
    %dma_start3A_6 = arith.constant 0 : i32
    %dma_start3A_7 = tpu.memref_slice %arg6[%dma_start3A, %dma_start3A_5, %dma_start3A_6] : memref<4x104x32xf32, #tpu.memory_space<vmem>> -> memref<1x104x32xf32, #tpu.memory_space<vmem>>
    %dma_start3A_8 = tpu.memref_squeeze %dma_start3A_7 : memref<1x104x32xf32, #tpu.memory_space<vmem>> -> memref<104x32xf32, #tpu.memory_space<vmem>>
    %dma_start3A_9 = arith.constant 0 : i32
    %dma_start3A_10 = tpu.memref_slice %arg5[%dma_start3A_9] : memref<25600xi32, #tpu.memory_space<vmem>> -> memref<104xi32, #tpu.memory_space<vmem>>
    %dma_start3A_11 = arith.constant 0 : i32
    %dma_start3A_12 = arith.constant 0 : i32
    %dma_start3A_13 = tpu.memref_slice %arg3[%dma_start3A_11, %dma_start3A_12] : memref<1000000x32xf32, #tpu.memory_space<hbm>> -> memref<1000000x32xf32, #tpu.memory_space<hbm>>
    tpu.enqueue_indirect_dma source(%dma_start3A_13 : memref<1000000x32xf32, #tpu.memory_space<hbm>>) target(%dma_start3A_8 : memref<104x32xf32, #tpu.memory_space<vmem>>) offsets(%dma_start3A_10 : memref<104xi32, #tpu.memory_space<vmem>>) semaphore(%arg9 : memref<!tpu.dma_semaphore, #tpu.memory_space<semaphore_mem>>)
    %dma_start3A_14 = arith.constant 0 : i32
    %dma_start3A_15 = arith.constant 0 : i32
    %dma_start3A_16 = arith.constant 0 : i32
    %dma_start3A_17 = tpu.memref_slice %arg7[%dma_start3A_14, %dma_start3A_15, %dma_start3A_16] : memref<4x96x32xf32, #tpu.memory_space<vmem>> -> memref<1x96x32xf32, #tpu.memory_space<vmem>>
    %dma_start3A_18 = tpu.memref_squeeze %dma_start3A_17 : memref<1x96x32xf32, #tpu.memory_space<vmem>> -> memref<96x32xf32, #tpu.memory_space<vmem>>
    %dma_start3A_19 = arith.constant 104 : i32
    %dma_start3A_20 = tpu.memref_slice %arg5[%dma_start3A_19] : memref<25600xi32, #tpu.memory_space<vmem>> -> memref<96xi32, #tpu.memory_space<vmem>>
    %dma_start3A_21 = arith.constant 0 : i32
    %dma_start3A_22 = arith.constant 0 : i32
    %dma_start3A_23 = tpu.memref_slice %arg3[%dma_start3A_21, %dma_start3A_22] : memref<1000000x32xf32, #tpu.memory_space<hbm>> -> memref<1000000x32xf32, #tpu.memory_space<hbm>>
    tpu.enqueue_indirect_dma source(%dma_start3A_23 : memref<1000000x32xf32, #tpu.memory_space<hbm>>) target(%dma_start3A_18 : memref<96x32xf32, #tpu.memory_space<vmem>>) offsets(%dma_start3A_20 : memref<96xi32, #tpu.memory_space<vmem>>) semaphore(%arg9 : memref<!tpu.dma_semaphore, #tpu.memory_space<semaphore_mem>>)
    %dma_start3A_24 = arith.constant 1 : i32
    %dma_start3A_25 = arith.constant 0 : i32
    %dma_start3A_26 = arith.constant 0 : i32
    %dma_start3A_27 = tpu.memref_slice %arg6[%dma_start3A_24, %dma_start3A_25, %dma_start3A_26] : memref<4x104x32xf32, #tpu.memory_space<vmem>> -> memref<1x104x32xf32, #tpu.memory_space<vmem>>
    %dma_start3A_28 = tpu.memref_squeeze %dma_start3A_27 : memref<1x104x32xf32, #tpu.memory_space<vmem>> -> memref<104x32xf32, #tpu.memory_space<vmem>>
    %dma_start3A_29 = arith.constant 200 : i32
    %dma_start3A_30 = tpu.memref_slice %arg5[%dma_start3A_29] : memref<25600xi32, #tpu.memory_space<vmem>> -> memref<104xi32, #tpu.memory_space<vmem>>
    %dma_start3A_31 = arith.constant 0 : i32
    %dma_start3A_32 = arith.constant 0 : i32
    %dma_start3A_33 = tpu.memref_slice %arg3[%dma_start3A_31, %dma_start3A_32] : memref<1000000x32xf32, #tpu.memory_space<hbm>> -> memref<1000000x32xf32, #tpu.memory_space<hbm>>
    tpu.enqueue_indirect_dma source(%dma_start3A_33 : memref<1000000x32xf32, #tpu.memory_space<hbm>>) target(%dma_start3A_28 : memref<104x32xf32, #tpu.memory_space<vmem>>) offsets(%dma_start3A_30 : memref<104xi32, #tpu.memory_space<vmem>>) semaphore(%arg10 : memref<!tpu.dma_semaphore, #tpu.memory_space<semaphore_mem>>)
    %dma_start3A_34 = arith.constant 1 : i32
    %dma_start3A_35 = arith.constant 0 : i32
    %dma_start3A_36 = arith.constant 0 : i32
    %dma_start3A_37 = tpu.memref_slice %arg7[%dma_start3A_34, %dma_start3A_35, %dma_start3A_36] : memref<4x96x32xf32, #tpu.memory_space<vmem>> -> memref<1x96x32xf32, #tpu.memory_space<vmem>>
    %dma_start3A_38 = tpu.memref_squeeze %dma_start3A_37 : memref<1x96x32xf32, #tpu.memory_space<vmem>> -> memref<96x32xf32, #tpu.memory_space<vmem>>
    %dma_start3A_39 = arith.constant 304 : i32
    %dma_start3A_40 = tpu.memref_slice %arg5[%dma_start3A_39] : memref<25600xi32, #tpu.memory_space<vmem>> -> memref<96xi32, #tpu.memory_space<vmem>>
    %dma_start3A_41 = arith.constant 0 : i32
    %dma_start3A_42 = arith.constant 0 : i32
    %dma_start3A_43 = tpu.memref_slice %arg3[%dma_start3A_41, %dma_start3A_42] : memref<1000000x32xf32, #tpu.memory_space<hbm>> -> memref<1000000x32xf32, #tpu.memory_space<hbm>>
    tpu.enqueue_indirect_dma source(%dma_start3A_43 : memref<1000000x32xf32, #tpu.memory_space<hbm>>) target(%dma_start3A_38 : memref<96x32xf32, #tpu.memory_space<vmem>>) offsets(%dma_start3A_40 : memref<96xi32, #tpu.memory_space<vmem>>) semaphore(%arg10 : memref<!tpu.dma_semaphore, #tpu.memory_space<semaphore_mem>>)
    %dma_start3A_44 = arith.constant 2 : i32
    %dma_start3A_45 = arith.constant 0 : i32
    %dma_start3A_46 = arith.constant 0 : i32
    %dma_start3A_47 = tpu.memref_slice %arg6[%dma_start3A_44, %dma_start3A_45, %dma_start3A_46] : memref<4x104x32xf32, #tpu.memory_space<vmem>> -> memref<1x104x32xf32, #tpu.memory_space<vmem>>
    %dma_start3A_48 = tpu.memref_squeeze %dma_start3A_47 : memref<1x104x32xf32, #tpu.memory_space<vmem>> -> memref<104x32xf32, #tpu.memory_space<vmem>>
    %dma_start3A_49 = arith.constant 400 : i32
    %dma_start3A_50 = tpu.memref_slice %arg5[%dma_start3A_49] : memref<25600xi32, #tpu.memory_space<vmem>> -> memref<104xi32, #tpu.memory_space<vmem>>
    %dma_start3A_51 = arith.constant 0 : i32
    %dma_start3A_52 = arith.constant 0 : i32
    %dma_start3A_53 = tpu.memref_slice %arg3[%dma_start3A_51, %dma_start3A_52] : memref<1000000x32xf32, #tpu.memory_space<hbm>> -> memref<1000000x32xf32, #tpu.memory_space<hbm>>
    tpu.enqueue_indirect_dma source(%dma_start3A_53 : memref<1000000x32xf32, #tpu.memory_space<hbm>>) target(%dma_start3A_48 : memref<104x32xf32, #tpu.memory_space<vmem>>) offsets(%dma_start3A_50 : memref<104xi32, #tpu.memory_space<vmem>>) semaphore(%arg11 : memref<!tpu.dma_semaphore, #tpu.memory_space<semaphore_mem>>)
    %dma_start3A_54 = arith.constant 2 : i32
    %dma_start3A_55 = arith.constant 0 : i32
    %dma_start3A_56 = arith.constant 0 : i32
    %dma_start3A_57 = tpu.memref_slice %arg7[%dma_start3A_54, %dma_start3A_55, %dma_start3A_56] : memref<4x96x32xf32, #tpu.memory_space<vmem>> -> memref<1x96x32xf32, #tpu.memory_space<vmem>>
    %dma_start3A_58 = tpu.memref_squeeze %dma_start3A_57 : memref<1x96x32xf32, #tpu.memory_space<vmem>> -> memref<96x32xf32, #tpu.memory_space<vmem>>
    %dma_start3A_59 = arith.constant 504 : i32
    %dma_start3A_60 = tpu.memref_slice %arg5[%dma_start3A_59] : memref<25600xi32, #tpu.memory_space<vmem>> -> memref<96xi32, #tpu.memory_space<vmem>>
    %dma_start3A_61 = arith.constant 0 : i32
    %dma_start3A_62 = arith.constant 0 : i32
    %dma_start3A_63 = tpu.memref_slice %arg3[%dma_start3A_61, %dma_start3A_62] : memref<1000000x32xf32, #tpu.memory_space<hbm>> -> memref<1000000x32xf32, #tpu.memory_space<hbm>>
    tpu.enqueue_indirect_dma source(%dma_start3A_63 : memref<1000000x32xf32, #tpu.memory_space<hbm>>) target(%dma_start3A_58 : memref<96x32xf32, #tpu.memory_space<vmem>>) offsets(%dma_start3A_60 : memref<96xi32, #tpu.memory_space<vmem>>) semaphore(%arg11 : memref<!tpu.dma_semaphore, #tpu.memory_space<semaphore_mem>>)
    %dma_start3A_64 = arith.constant 3 : i32
    %dma_start3A_65 = arith.constant 0 : i32
    %dma_start3A_66 = arith.constant 0 : i32
    %dma_start3A_67 = tpu.memref_slice %arg6[%dma_start3A_64, %dma_start3A_65, %dma_start3A_66] : memref<4x104x32xf32, #tpu.memory_space<vmem>> -> memref<1x104x32xf32, #tpu.memory_space<vmem>>
    %dma_start3A_68 = tpu.memref_squeeze %dma_start3A_67 : memref<1x104x32xf32, #tpu.memory_space<vmem>> -> memref<104x32xf32, #tpu.memory_space<vmem>>
    %dma_start3A_69 = arith.constant 600 : i32
    %dma_start3A_70 = tpu.memref_slice %arg5[%dma_start3A_69] : memref<25600xi32, #tpu.memory_space<vmem>> -> memref<104xi32, #tpu.memory_space<vmem>>
    %dma_start3A_71 = arith.constant 0 : i32
    %dma_start3A_72 = arith.constant 0 : i32
    %dma_start3A_73 = tpu.memref_slice %arg3[%dma_start3A_71, %dma_start3A_72] : memref<1000000x32xf32, #tpu.memory_space<hbm>> -> memref<1000000x32xf32, #tpu.memory_space<hbm>>
    tpu.enqueue_indirect_dma source(%dma_start3A_73 : memref<1000000x32xf32, #tpu.memory_space<hbm>>) target(%dma_start3A_68 : memref<104x32xf32, #tpu.memory_space<vmem>>) offsets(%dma_start3A_70 : memref<104xi32, #tpu.memory_space<vmem>>) semaphore(%arg12 : memref<!tpu.dma_semaphore, #tpu.memory_space<semaphore_mem>>)
    %dma_start3A_74 = arith.constant 3 : i32
    %dma_start3A_75 = arith.constant 0 : i32
    %dma_start3A_76 = arith.constant 0 : i32
    %dma_start3A_77 = tpu.memref_slice %arg7[%dma_start3A_74, %dma_start3A_75, %dma_start3A_76] : memref<4x96x32xf32, #tpu.memory_space<vmem>> -> memref<1x96x32xf32, #tpu.memory_space<vmem>>
    %dma_start3A_78 = tpu.memref_squeeze %dma_start3A_77 : memref<1x96x32xf32, #tpu.memory_space<vmem>> -> memref<96x32xf32, #tpu.memory_space<vmem>>
    %dma_start3A_79 = arith.constant 704 : i32
    %dma_start3A_80 = tpu.memref_slice %arg5[%dma_start3A_79] : memref<25600xi32, #tpu.memory_space<vmem>> -> memref<96xi32, #tpu.memory_space<vmem>>
    %dma_start3A_81 = arith.constant 0 : i32
    %dma_start3A_82 = arith.constant 0 : i32
    %dma_start3A_83 = tpu.memref_slice %arg3[%dma_start3A_81, %dma_start3A_82] : memref<1000000x32xf32, #tpu.memory_space<hbm>> -> memref<1000000x32xf32, #tpu.memory_space<hbm>>
    tpu.enqueue_indirect_dma source(%dma_start3A_83 : memref<1000000x32xf32, #tpu.memory_space<hbm>>) target(%dma_start3A_78 : memref<96x32xf32, #tpu.memory_space<vmem>>) offsets(%dma_start3A_80 : memref<96xi32, #tpu.memory_space<vmem>>) semaphore(%arg12 : memref<!tpu.dma_semaphore, #tpu.memory_space<semaphore_mem>>)
    %scan3A = arith.constant 0 : i32
    %scan3A_84 = arith.constant 32 : i32
    %scan3A_85 = arith.addi %scan3A, %scan3A_84 : i32
    %scan3A_86 = arith.constant 1 : i32
    scf.for %scan3A_90 = %scan3A to %scan3A_85 step %scan3A_86  : i32 {
      %mul3A_91 = arith.constant 4 : i32
      %mul3A_92 = arith.muli %scan3A_90, %mul3A_91 : i32
      %add3A_93 = arith.constant 0 : i32
      %add3A_94 = arith.addi %add3A_93, %mul3A_92 : i32
      %add3A_95 = arith.constant 0 : i32
      %add3A_96 = arith.addi %add3A_94, %add3A_95 : i32
      %mul3A_97 = arith.constant 200 : i32
      %mul3A_98 = arith.muli %add3A_96, %mul3A_97 : i32
      %dma_wait3A = arith.constant 0 : i32
      %dma_wait3A_99 = arith.constant 0 : i32
      %dma_wait3A_100 = arith.constant 0 : i32
      %dma_wait3A_101 = tpu.memref_slice %arg6[%dma_wait3A, %dma_wait3A_99, %dma_wait3A_100] : memref<4x104x32xf32, #tpu.memory_space<vmem>> -> memref<1x104x32xf32, #tpu.memory_space<vmem>>
      %dma_wait3A_102 = tpu.memref_squeeze %dma_wait3A_101 : memref<1x104x32xf32, #tpu.memory_space<vmem>> -> memref<104x32xf32, #tpu.memory_space<vmem>>
      %dma_wait3A_103 = tpu.memref_slice %arg5[%mul3A_98] : memref<25600xi32, #tpu.memory_space<vmem>> -> memref<104xi32, #tpu.memory_space<vmem>>
      %dma_wait3A_104 = arith.constant 0 : i32
      %dma_wait3A_105 = arith.constant 0 : i32
      %dma_wait3A_106 = tpu.memref_slice %arg3[%dma_wait3A_104, %dma_wait3A_105] : memref<1000000x32xf32, #tpu.memory_space<hbm>> -> memref<1000000x32xf32, #tpu.memory_space<hbm>>
      tpu.wait_indirect_dma semaphore(%arg9 : memref<!tpu.dma_semaphore, #tpu.memory_space<semaphore_mem>>) src(%dma_wait3A_106 : memref<1000000x32xf32, #tpu.memory_space<hbm>>) dst(%dma_wait3A_102 : memref<104x32xf32, #tpu.memory_space<vmem>>)
      %mul3A_107 = arith.constant 200 : i32
      %mul3A_108 = arith.muli %add3A_96, %mul3A_107 : i32
      %add3A_109 = arith.constant 104 : i32
      %add3A_110 = arith.addi %mul3A_108, %add3A_109 : i32
      %dma_wait3A_111 = arith.constant 0 : i32
      %dma_wait3A_112 = arith.constant 0 : i32
      %dma_wait3A_113 = arith.constant 0 : i32
      %dma_wait3A_114 = tpu.memref_slice %arg7[%dma_wait3A_111, %dma_wait3A_112, %dma_wait3A_113] : memref<4x96x32xf32, #tpu.memory_space<vmem>> -> memref<1x96x32xf32, #tpu.memory_space<vmem>>
      %dma_wait3A_115 = tpu.memref_squeeze %dma_wait3A_114 : memref<1x96x32xf32, #tpu.memory_space<vmem>> -> memref<96x32xf32, #tpu.memory_space<vmem>>
      %dma_wait3A_116 = tpu.memref_slice %arg5[%add3A_110] : memref<25600xi32, #tpu.memory_space<vmem>> -> memref<96xi32, #tpu.memory_space<vmem>>
      %dma_wait3A_117 = arith.constant 0 : i32
      %dma_wait3A_118 = arith.constant 0 : i32
      %dma_wait3A_119 = tpu.memref_slice %arg3[%dma_wait3A_117, %dma_wait3A_118] : memref<1000000x32xf32, #tpu.memory_space<hbm>> -> memref<1000000x32xf32, #tpu.memory_space<hbm>>
      tpu.wait_indirect_dma semaphore(%arg9 : memref<!tpu.dma_semaphore, #tpu.memory_space<semaphore_mem>>) src(%dma_wait3A_119 : memref<1000000x32xf32, #tpu.memory_space<hbm>>) dst(%dma_wait3A_115 : memref<96x32xf32, #tpu.memory_space<vmem>>)
      %broadcast_in_dim3A = arith.constant 0.000000e+00 : f32
      %broadcast_in_dim3A_120 = vector.broadcast %broadcast_in_dim3A : f32 to vector<16xf32>
      %broadcast_in_dim3A_121 = arith.constant 0.000000e+00 : f32
      %broadcast_in_dim3A_122 = vector.broadcast %broadcast_in_dim3A_121 : f32 to vector<16xf32>
      %scan3A_123 = arith.constant 0 : i32
      %scan3A_124 = arith.constant 0 : i32
      %scan3A_125 = arith.constant 13 : i32
      %scan3A_126 = arith.addi %scan3A_124, %scan3A_125 : i32
      %scan3A_127 = arith.constant 1 : i32
      %scan3A_128:8 = scf.for %scan3A_389 = %scan3A_124 to %scan3A_126 step %scan3A_127 iter_args(%scan3A_390 = %broadcast_in_dim3A_120, %scan3A_391 = %broadcast_in_dim3A_122, %scan3A_392 = %broadcast_in_dim3A_122, %scan3A_393 = %broadcast_in_dim3A_122, %scan3A_394 = %broadcast_in_dim3A_120, %scan3A_395 = %broadcast_in_dim3A_122, %scan3A_396 = %broadcast_in_dim3A_122, %scan3A_397 = %broadcast_in_dim3A_122) -> (vector<16xf32>, vector<16xf32>, vector<16xf32>, vector<16xf32>, vector<16xf32>, vector<16xf32>, vector<16xf32>, vector<16xf32>)  : i32 {
        %mul3A_398 = arith.constant 8 : i32
        %mul3A_399 = arith.muli %scan3A_389, %mul3A_398 : i32
        %multiple_of3A = tpu.assume_multiple %mul3A_399, 8 : i32
        %add3A_400 = arith.constant 0 : i32
        %add3A_401 = arith.addi %multiple_of3A, %add3A_400 : i32
        %get3A = arith.constant 0 : i32
        %get3A_402 = arith.constant 0 : i32
        %get3A_403 = tpu.memref_slice %arg6[%scan3A_123, %get3A, %get3A_402] : memref<4x104x32xf32, #tpu.memory_space<vmem>> -> memref<1x104x32xf32, #tpu.memory_space<vmem>>
        %get3A_404 = tpu.memref_squeeze %get3A_403 : memref<1x104x32xf32, #tpu.memory_space<vmem>> -> memref<104x32xf32, #tpu.memory_space<vmem>>
        %get3A_405 = arith.index_cast %add3A_401 : i32 to index
        %get3A_406 = arith.constant 0 : index
        %get3A_407 = tpu.vector_load %get3A_404[%get3A_405, %get3A_406] {strides = array<i32>} : memref<104x32xf32, #tpu.memory_space<vmem>>, vector<1x16xf32>,
        %get3A_408 = vector.shape_cast %get3A_407 : vector<1x16xf32> to vector<16xf32>
        %add3A_409 = arith.addf %scan3A_390, %get3A_408 : vector<16xf32>
        %add3A_410 = arith.constant 0 : i32
        %add3A_411 = arith.addi %multiple_of3A, %add3A_410 : i32
        %get3A_412 = arith.constant 0 : i32
        %get3A_413 = arith.constant 0 : i32
        %get3A_414 = tpu.memref_slice %arg6[%scan3A_123, %get3A_412, %get3A_413] : memref<4x104x32xf32, #tpu.memory_space<vmem>> -> memref<1x104x32xf32, #tpu.memory_space<vmem>>
        %get3A_415 = tpu.memref_squeeze %get3A_414 : memref<1x104x32xf32, #tpu.memory_space<vmem>> -> memref<104x32xf32, #tpu.memory_space<vmem>>
        %get3A_416 = arith.index_cast %add3A_411 : i32 to index
        %get3A_417 = arith.constant 16 : index
        %get3A_418 = tpu.vector_load %get3A_415[%get3A_416, %get3A_417] {strides = array<i32>} : memref<104x32xf32, #tpu.memory_space<vmem>>, vector<1x16xf32>,
        %get3A_419 = vector.shape_cast %get3A_418 : vector<1x16xf32> to vector<16xf32>
        %add3A_420 = arith.addf %scan3A_394, %get3A_419 : vector<16xf32>
        %add3A_421 = arith.constant 1 : i32
        %add3A_422 = arith.addi %multiple_of3A, %add3A_421 : i32
        %get3A_423 = arith.constant 0 : i32
        %get3A_424 = arith.constant 0 : i32
        %get3A_425 = tpu.memref_slice %arg6[%scan3A_123, %get3A_423, %get3A_424] : memref<4x104x32xf32, #tpu.memory_space<vmem>> -> memref<1x104x32xf32, #tpu.memory_space<vmem>>
        %get3A_426 = tpu.memref_squeeze %get3A_425 : memref<1x104x32xf32, #tpu.memory_space<vmem>> -> memref<104x32xf32, #tpu.memory_space<vmem>>
        %get3A_427 = arith.index_cast %add3A_422 : i32 to index
        %get3A_428 = arith.constant 0 : index
        %get3A_429 = tpu.vector_load %get3A_426[%get3A_427, %get3A_428] {strides = array<i32>} : memref<104x32xf32, #tpu.memory_space<vmem>>, vector<1x16xf32>,
        %get3A_430 = vector.shape_cast %get3A_429 : vector<1x16xf32> to vector<16xf32>
        %add3A_431 = arith.addf %scan3A_391, %get3A_430 : vector<16xf32>
        %add3A_432 = arith.constant 1 : i32
        %add3A_433 = arith.addi %multiple_of3A, %add3A_432 : i32
        %get3A_434 = arith.constant 0 : i32
        %get3A_435 = arith.constant 0 : i32
        %get3A_436 = tpu.memref_slice %arg6[%scan3A_123, %get3A_434, %get3A_435] : memref<4x104x32xf32, #tpu.memory_space<vmem>> -> memref<1x104x32xf32, #tpu.memory_space<vmem>>
        %get3A_437 = tpu.memref_squeeze %get3A_436 : memref<1x104x32xf32, #tpu.memory_space<vmem>> -> memref<104x32xf32, #tpu.memory_space<vmem>>
        %get3A_438 = arith.index_cast %add3A_433 : i32 to index
        %get3A_439 = arith.constant 16 : index
        %get3A_440 = tpu.vector_load %get3A_437[%get3A_438, %get3A_439] {strides = array<i32>} : memref<104x32xf32, #tpu.memory_space<vmem>>, vector<1x16xf32>,
        %get3A_441 = vector.shape_cast %get3A_440 : vector<1x16xf32> to vector<16xf32>
        %add3A_442 = arith.addf %scan3A_395, %get3A_441 : vector<16xf32>
        %add3A_443 = arith.constant 2 : i32
        %add3A_444 = arith.addi %multiple_of3A, %add3A_443 : i32
        %get3A_445 = arith.constant 0 : i32
        %get3A_446 = arith.constant 0 : i32
        %get3A_447 = tpu.memref_slice %arg6[%scan3A_123, %get3A_445, %get3A_446] : memref<4x104x32xf32, #tpu.memory_space<vmem>> -> memref<1x104x32xf32, #tpu.memory_space<vmem>>
        %get3A_448 = tpu.memref_squeeze %get3A_447 : memref<1x104x32xf32, #tpu.memory_space<vmem>> -> memref<104x32xf32, #tpu.memory_space<vmem>>
        %get3A_449 = arith.index_cast %add3A_444 : i32 to index
        %get3A_450 = arith.constant 0 : index
        %get3A_451 = tpu.vector_load %get3A_448[%get3A_449, %get3A_450] {strides = array<i32>} : memref<104x32xf32, #tpu.memory_space<vmem>>, vector<1x16xf32>,
        %get3A_452 = vector.shape_cast %get3A_451 : vector<1x16xf32> to vector<16xf32>
        %add3A_453 = arith.addf %scan3A_392, %get3A_452 : vector<16xf32>
        %add3A_454 = arith.constant 2 : i32
        %add3A_455 = arith.addi %multiple_of3A, %add3A_454 : i32
        %get3A_456 = arith.constant 0 : i32
        %get3A_457 = arith.constant 0 : i32
        %get3A_458 = tpu.memref_slice %arg6[%scan3A_123, %get3A_456, %get3A_457] : memref<4x104x32xf32, #tpu.memory_space<vmem>> -> memref<1x104x32xf32, #tpu.memory_space<vmem>>
        %get3A_459 = tpu.memref_squeeze %get3A_458 : memref<1x104x32xf32, #tpu.memory_space<vmem>> -> memref<104x32xf32, #tpu.memory_space<vmem>>
        %get3A_460 = arith.index_cast %add3A_455 : i32 to index
        %get3A_461 = arith.constant 16 : index
        %get3A_462 = tpu.vector_load %get3A_459[%get3A_460, %get3A_461] {strides = array<i32>} : memref<104x32xf32, #tpu.memory_space<vmem>>, vector<1x16xf32>,
        %get3A_463 = vector.shape_cast %get3A_462 : vector<1x16xf32> to vector<16xf32>
        %add3A_464 = arith.addf %scan3A_396, %get3A_463 : vector<16xf32>
        %add3A_465 = arith.constant 3 : i32
        %add3A_466 = arith.addi %multiple_of3A, %add3A_465 : i32
        %get3A_467 = arith.constant 0 : i32
        %get3A_468 = arith.constant 0 : i32
        %get3A_469 = tpu.memref_slice %arg6[%scan3A_123, %get3A_467, %get3A_468] : memref<4x104x32xf32, #tpu.memory_space<vmem>> -> memref<1x104x32xf32, #tpu.memory_space<vmem>>
        %get3A_470 = tpu.memref_squeeze %get3A_469 : memref<1x104x32xf32, #tpu.memory_space<vmem>> -> memref<104x32xf32, #tpu.memory_space<vmem>>
        %get3A_471 = arith.index_cast %add3A_466 : i32 to index
        %get3A_472 = arith.constant 0 : index
        %get3A_473 = tpu.vector_load %get3A_470[%get3A_471, %get3A_472] {strides = array<i32>} : memref<104x32xf32, #tpu.memory_space<vmem>>, vector<1x16xf32>,
        %get3A_474 = vector.shape_cast %get3A_473 : vector<1x16xf32> to vector<16xf32>
        %add3A_475 = arith.addf %scan3A_393, %get3A_474 : vector<16xf32>
        %add3A_476 = arith.constant 3 : i32
        %add3A_477 = arith.addi %multiple_of3A, %add3A_476 : i32
        %get3A_478 = arith.constant 0 : i32
        %get3A_479 = arith.constant 0 : i32
        %get3A_480 = tpu.memref_slice %arg6[%scan3A_123, %get3A_478, %get3A_479] : memref<4x104x32xf32, #tpu.memory_space<vmem>> -> memref<1x104x32xf32, #tpu.memory_space<vmem>>
        %get3A_481 = tpu.memref_squeeze %get3A_480 : memref<1x104x32xf32, #tpu.memory_space<vmem>> -> memref<104x32xf32, #tpu.memory_space<vmem>>
        %get3A_482 = arith.index_cast %add3A_477 : i32 to index
        %get3A_483 = arith.constant 16 : index
        %get3A_484 = tpu.vector_load %get3A_481[%get3A_482, %get3A_483] {strides = array<i32>} : memref<104x32xf32, #tpu.memory_space<vmem>>, vector<1x16xf32>,
        %get3A_485 = vector.shape_cast %get3A_484 : vector<1x16xf32> to vector<16xf32>
        %add3A_486 = arith.addf %scan3A_397, %get3A_485 : vector<16xf32>
        %add3A_487 = arith.constant 4 : i32
        %add3A_488 = arith.addi %multiple_of3A, %add3A_487 : i32
        %get3A_489 = arith.constant 0 : i32
        %get3A_490 = arith.constant 0 : i32
        %get3A_491 = tpu.memref_slice %arg6[%scan3A_123, %get3A_489, %get3A_490] : memref<4x104x32xf32, #tpu.memory_space<vmem>> -> memref<1x104x32xf32, #tpu.memory_space<vmem>>
        %get3A_492 = tpu.memref_squeeze %get3A_491 : memref<1x104x32xf32, #tpu.memory_space<vmem>> -> memref<104x32xf32, #tpu.memory_space<vmem>>
        %get3A_493 = arith.index_cast %add3A_488 : i32 to index
        %get3A_494 = arith.constant 0 : index
        %get3A_495 = tpu.vector_load %get3A_492[%get3A_493, %get3A_494] {strides = array<i32>} : memref<104x32xf32, #tpu.memory_space<vmem>>, vector<1x16xf32>,
        %get3A_496 = vector.shape_cast %get3A_495 : vector<1x16xf32> to vector<16xf32>
        %add3A_497 = arith.addf %add3A_409, %get3A_496 : vector<16xf32>
        %add3A_498 = arith.constant 4 : i32
        %add3A_499 = arith.addi %multiple_of3A, %add3A_498 : i32
        %get3A_500 = arith.constant 0 : i32
        %get3A_501 = arith.constant 0 : i32
        %get3A_502 = tpu.memref_slice %arg6[%scan3A_123, %get3A_500, %get3A_501] : memref<4x104x32xf32, #tpu.memory_space<vmem>> -> memref<1x104x32xf32, #tpu.memory_space<vmem>>
        %get3A_503 = tpu.memref_squeeze %get3A_502 : memref<1x104x32xf32, #tpu.memory_space<vmem>> -> memref<104x32xf32, #tpu.memory_space<vmem>>
        %get3A_504 = arith.index_cast %add3A_499 : i32 to index
        %get3A_505 = arith.constant 16 : index
        %get3A_506 = tpu.vector_load %get3A_503[%get3A_504, %get3A_505] {strides = array<i32>} : memref<104x32xf32, #tpu.memory_space<vmem>>, vector<1x16xf32>,
        %get3A_507 = vector.shape_cast %get3A_506 : vector<1x16xf32> to vector<16xf32>
        %add3A_508 = arith.addf %add3A_420, %get3A_507 : vector<16xf32>
        %add3A_509 = arith.constant 5 : i32
        %add3A_510 = arith.addi %multiple_of3A, %add3A_509 : i32
        %get3A_511 = arith.constant 0 : i32
        %get3A_512 = arith.constant 0 : i32
        %get3A_513 = tpu.memref_slice %arg6[%scan3A_123, %get3A_511, %get3A_512] : memref<4x104x32xf32, #tpu.memory_space<vmem>> -> memref<1x104x32xf32, #tpu.memory_space<vmem>>
        %get3A_514 = tpu.memref_squeeze %get3A_513 : memref<1x104x32xf32, #tpu.memory_space<vmem>> -> memref<104x32xf32, #tpu.memory_space<vmem>>
        %get3A_515 = arith.index_cast %add3A_510 : i32 to index
        %get3A_516 = arith.constant 0 : index
        %get3A_517 = tpu.vector_load %get3A_514[%get3A_515, %get3A_516] {strides = array<i32>} : memref<104x32xf32, #tpu.memory_space<vmem>>, vector<1x16xf32>,
        %get3A_518 = vector.shape_cast %get3A_517 : vector<1x16xf32> to vector<16xf32>
        %add3A_519 = arith.addf %add3A_431, %get3A_518 : vector<16xf32>
        %add3A_520 = arith.constant 5 : i32
        %add3A_521 = arith.addi %multiple_of3A, %add3A_520 : i32
        %get3A_522 = arith.constant 0 : i32
        %get3A_523 = arith.constant 0 : i32
        %get3A_524 = tpu.memref_slice %arg6[%scan3A_123, %get3A_522, %get3A_523] : memref<4x104x32xf32, #tpu.memory_space<vmem>> -> memref<1x104x32xf32, #tpu.memory_space<vmem>>
        %get3A_525 = tpu.memref_squeeze %get3A_524 : memref<1x104x32xf32, #tpu.memory_space<vmem>> -> memref<104x32xf32, #tpu.memory_space<vmem>>
        %get3A_526 = arith.index_cast %add3A_521 : i32 to index
        %get3A_527 = arith.constant 16 : index
        %get3A_528 = tpu.vector_load %get3A_525[%get3A_526, %get3A_527] {strides = array<i32>} : memref<104x32xf32, #tpu.memory_space<vmem>>, vector<1x16xf32>,
        %get3A_529 = vector.shape_cast %get3A_528 : vector<1x16xf32> to vector<16xf32>
        %add3A_530 = arith.addf %add3A_442, %get3A_529 : vector<16xf32>
        %add3A_531 = arith.constant 6 : i32
        %add3A_532 = arith.addi %multiple_of3A, %add3A_531 : i32
        %get3A_533 = arith.constant 0 : i32
        %get3A_534 = arith.constant 0 : i32
        %get3A_535 = tpu.memref_slice %arg6[%scan3A_123, %get3A_533, %get3A_534] : memref<4x104x32xf32, #tpu.memory_space<vmem>> -> memref<1x104x32xf32, #tpu.memory_space<vmem>>
        %get3A_536 = tpu.memref_squeeze %get3A_535 : memref<1x104x32xf32, #tpu.memory_space<vmem>> -> memref<104x32xf32, #tpu.memory_space<vmem>>
        %get3A_537 = arith.index_cast %add3A_532 : i32 to index
        %get3A_538 = arith.constant 0 : index
        %get3A_539 = tpu.vector_load %get3A_536[%get3A_537, %get3A_538] {strides = array<i32>} : memref<104x32xf32, #tpu.memory_space<vmem>>, vector<1x16xf32>,
        %get3A_540 = vector.shape_cast %get3A_539 : vector<1x16xf32> to vector<16xf32>
        %add3A_541 = arith.addf %add3A_453, %get3A_540 : vector<16xf32>
        %add3A_542 = arith.constant 6 : i32
        %add3A_543 = arith.addi %multiple_of3A, %add3A_542 : i32
        %get3A_544 = arith.constant 0 : i32
        %get3A_545 = arith.constant 0 : i32
        %get3A_546 = tpu.memref_slice %arg6[%scan3A_123, %get3A_544, %get3A_545] : memref<4x104x32xf32, #tpu.memory_space<vmem>> -> memref<1x104x32xf32, #tpu.memory_space<vmem>>
        %get3A_547 = tpu.memref_squeeze %get3A_546 : memref<1x104x32xf32, #tpu.memory_space<vmem>> -> memref<104x32xf32, #tpu.memory_space<vmem>>
        %get3A_548 = arith.index_cast %add3A_543 : i32 to index
        %get3A_549 = arith.constant 16 : index
        %get3A_550 = tpu.vector_load %get3A_547[%get3A_548, %get3A_549] {strides = array<i32>} : memref<104x32xf32, #tpu.memory_space<vmem>>, vector<1x16xf32>,
        %get3A_551 = vector.shape_cast %get3A_550 : vector<1x16xf32> to vector<16xf32>
        %add3A_552 = arith.addf %add3A_464, %get3A_551 : vector<16xf32>
        %add3A_553 = arith.constant 7 : i32
        %add3A_554 = arith.addi %multiple_of3A, %add3A_553 : i32
        %get3A_555 = arith.constant 0 : i32
        %get3A_556 = arith.constant 0 : i32
        %get3A_557 = tpu.memref_slice %arg6[%scan3A_123, %get3A_555, %get3A_556] : memref<4x104x32xf32, #tpu.memory_space<vmem>> -> memref<1x104x32xf32, #tpu.memory_space<vmem>>
        %get3A_558 = tpu.memref_squeeze %get3A_557 : memref<1x104x32xf32, #tpu.memory_space<vmem>> -> memref<104x32xf32, #tpu.memory_space<vmem>>
        %get3A_559 = arith.index_cast %add3A_554 : i32 to index
        %get3A_560 = arith.constant 0 : index
        %get3A_561 = tpu.vector_load %get3A_558[%get3A_559, %get3A_560] {strides = array<i32>} : memref<104x32xf32, #tpu.memory_space<vmem>>, vector<1x16xf32>,
        %get3A_562 = vector.shape_cast %get3A_561 : vector<1x16xf32> to vector<16xf32>
        %add3A_563 = arith.addf %add3A_475, %get3A_562 : vector<16xf32>
        %add3A_564 = arith.constant 7 : i32
        %add3A_565 = arith.addi %multiple_of3A, %add3A_564 : i32
        %get3A_566 = arith.constant 0 : i32
        %get3A_567 = arith.constant 0 : i32
        %get3A_568 = tpu.memref_slice %arg6[%scan3A_123, %get3A_566, %get3A_567] : memref<4x104x32xf32, #tpu.memory_space<vmem>> -> memref<1x104x32xf32, #tpu.memory_space<vmem>>
        %get3A_569 = tpu.memref_squeeze %get3A_568 : memref<1x104x32xf32, #tpu.memory_space<vmem>> -> memref<104x32xf32, #tpu.memory_space<vmem>>
        %get3A_570 = arith.index_cast %add3A_565 : i32 to index
        %get3A_571 = arith.constant 16 : index
        %get3A_572 = tpu.vector_load %get3A_569[%get3A_570, %get3A_571] {strides = array<i32>} : memref<104x32xf32, #tpu.memory_space<vmem>>, vector<1x16xf32>,
        %get3A_573 = vector.shape_cast %get3A_572 : vector<1x16xf32> to vector<16xf32>
        %add3A_574 = arith.addf %add3A_486, %get3A_573 : vector<16xf32>
        scf.yield %add3A_497, %add3A_519, %add3A_541, %add3A_563, %add3A_508, %add3A_530, %add3A_552, %add3A_574 : vector<16xf32>, vector<16xf32>, vector<16xf32>, vector<16xf32>, vector<16xf32>, vector<16xf32>, vector<16xf32>, vector<16xf32>
      }
      %scan3A_129 = arith.constant 13 : i32
      %add3A_130 = arith.addf %scan3A_128#0, %scan3A_128#1 : vector<16xf32>
      %add3A_131 = arith.addf %scan3A_128#2, %scan3A_128#3 : vector<16xf32>
      %add3A_132 = arith.addf %add3A_130, %add3A_131 : vector<16xf32>
      %add3A_133 = arith.addf %scan3A_128#4, %scan3A_128#5 : vector<16xf32>
      %add3A_134 = arith.addf %scan3A_128#6, %scan3A_128#7 : vector<16xf32>
      %add3A_135 = arith.addf %add3A_133, %add3A_134 : vector<16xf32>
      %broadcast_in_dim3A_136 = arith.constant 0.000000e+00 : f32
      %broadcast_in_dim3A_137 = vector.broadcast %broadcast_in_dim3A_136 : f32 to vector<16xf32>
      %scan3A_138 = arith.constant 0 : i32
      %scan3A_139 = arith.constant 0 : i32
      %scan3A_140 = arith.constant 12 : i32
      %scan3A_141 = arith.addi %scan3A_139, %scan3A_140 : i32
      %scan3A_142 = arith.constant 1 : i32
      %scan3A_143:8 = scf.for %scan3A_389 = %scan3A_139 to %scan3A_141 step %scan3A_142 iter_args(%scan3A_390 = %add3A_132, %scan3A_391 = %broadcast_in_dim3A_137, %scan3A_392 = %broadcast_in_dim3A_137, %scan3A_393 = %broadcast_in_dim3A_137, %scan3A_394 = %add3A_135, %scan3A_395 = %broadcast_in_dim3A_137, %scan3A_396 = %broadcast_in_dim3A_137, %scan3A_397 = %broadcast_in_dim3A_137) -> (vector<16xf32>, vector<16xf32>, vector<16xf32>, vector<16xf32>, vector<16xf32>, vector<16xf32>, vector<16xf32>, vector<16xf32>)  : i32 {
        %mul3A_398 = arith.constant 8 : i32
        %mul3A_399 = arith.muli %scan3A_389, %mul3A_398 : i32
        %multiple_of3A = tpu.assume_multiple %mul3A_399, 8 : i32
        %add3A_400 = arith.constant 0 : i32
        %add3A_401 = arith.addi %multiple_of3A, %add3A_400 : i32
        %get3A = arith.constant 0 : i32
        %get3A_402 = arith.constant 0 : i32
        %get3A_403 = tpu.memref_slice %arg7[%scan3A_138, %get3A, %get3A_402] : memref<4x96x32xf32, #tpu.memory_space<vmem>> -> memref<1x96x32xf32, #tpu.memory_space<vmem>>
        %get3A_404 = tpu.memref_squeeze %get3A_403 : memref<1x96x32xf32, #tpu.memory_space<vmem>> -> memref<96x32xf32, #tpu.memory_space<vmem>>
        %get3A_405 = arith.index_cast %add3A_401 : i32 to index
        %get3A_406 = arith.constant 0 : index
        %get3A_407 = tpu.vector_load %get3A_404[%get3A_405, %get3A_406] {strides = array<i32>} : memref<96x32xf32, #tpu.memory_space<vmem>>, vector<1x16xf32>,
        %get3A_408 = vector.shape_cast %get3A_407 : vector<1x16xf32> to vector<16xf32>
        %add3A_409 = arith.addf %scan3A_390, %get3A_408 : vector<16xf32>
        %add3A_410 = arith.constant 0 : i32
        %add3A_411 = arith.addi %multiple_of3A, %add3A_410 : i32
        %get3A_412 = arith.constant 0 : i32
        %get3A_413 = arith.constant 0 : i32
        %get3A_414 = tpu.memref_slice %arg7[%scan3A_138, %get3A_412, %get3A_413] : memref<4x96x32xf32, #tpu.memory_space<vmem>> -> memref<1x96x32xf32, #tpu.memory_space<vmem>>
        %get3A_415 = tpu.memref_squeeze %get3A_414 : memref<1x96x32xf32, #tpu.memory_space<vmem>> -> memref<96x32xf32, #tpu.memory_space<vmem>>
        %get3A_416 = arith.index_cast %add3A_411 : i32 to index
        %get3A_417 = arith.constant 16 : index
        %get3A_418 = tpu.vector_load %get3A_415[%get3A_416, %get3A_417] {strides = array<i32>} : memref<96x32xf32, #tpu.memory_space<vmem>>, vector<1x16xf32>,
        %get3A_419 = vector.shape_cast %get3A_418 : vector<1x16xf32> to vector<16xf32>
        %add3A_420 = arith.addf %scan3A_394, %get3A_419 : vector<16xf32>
        %add3A_421 = arith.constant 1 : i32
        %add3A_422 = arith.addi %multiple_of3A, %add3A_421 : i32
        %get3A_423 = arith.constant 0 : i32
        %get3A_424 = arith.constant 0 : i32
        %get3A_425 = tpu.memref_slice %arg7[%scan3A_138, %get3A_423, %get3A_424] : memref<4x96x32xf32, #tpu.memory_space<vmem>> -> memref<1x96x32xf32, #tpu.memory_space<vmem>>
        %get3A_426 = tpu.memref_squeeze %get3A_425 : memref<1x96x32xf32, #tpu.memory_space<vmem>> -> memref<96x32xf32, #tpu.memory_space<vmem>>
        %get3A_427 = arith.index_cast %add3A_422 : i32 to index
        %get3A_428 = arith.constant 0 : index
        %get3A_429 = tpu.vector_load %get3A_426[%get3A_427, %get3A_428] {strides = array<i32>} : memref<96x32xf32, #tpu.memory_space<vmem>>, vector<1x16xf32>,
        %get3A_430 = vector.shape_cast %get3A_429 : vector<1x16xf32> to vector<16xf32>
        %add3A_431 = arith.addf %scan3A_391, %get3A_430 : vector<16xf32>
        %add3A_432 = arith.constant 1 : i32
        %add3A_433 = arith.addi %multiple_of3A, %add3A_432 : i32
        %get3A_434 = arith.constant 0 : i32
        %get3A_435 = arith.constant 0 : i32
        %get3A_436 = tpu.memref_slice %arg7[%scan3A_138, %get3A_434, %get3A_435] : memref<4x96x32xf32, #tpu.memory_space<vmem>> -> memref<1x96x32xf32, #tpu.memory_space<vmem>>
        %get3A_437 = tpu.memref_squeeze %get3A_436 : memref<1x96x32xf32, #tpu.memory_space<vmem>> -> memref<96x32xf32, #tpu.memory_space<vmem>>
        %get3A_438 = arith.index_cast %add3A_433 : i32 to index
        %get3A_439 = arith.constant 16 : index
        %get3A_440 = tpu.vector_load %get3A_437[%get3A_438, %get3A_439] {strides = array<i32>} : memref<96x32xf32, #tpu.memory_space<vmem>>, vector<1x16xf32>,
        %get3A_441 = vector.shape_cast %get3A_440 : vector<1x16xf32> to vector<16xf32>
        %add3A_442 = arith.addf %scan3A_395, %get3A_441 : vector<16xf32>
        %add3A_443 = arith.constant 2 : i32
        %add3A_444 = arith.addi %multiple_of3A, %add3A_443 : i32
        %get3A_445 = arith.constant 0 : i32
        %get3A_446 = arith.constant 0 : i32
        %get3A_447 = tpu.memref_slice %arg7[%scan3A_138, %get3A_445, %get3A_446] : memref<4x96x32xf32, #tpu.memory_space<vmem>> -> memref<1x96x32xf32, #tpu.memory_space<vmem>>
        %get3A_448 = tpu.memref_squeeze %get3A_447 : memref<1x96x32xf32, #tpu.memory_space<vmem>> -> memref<96x32xf32, #tpu.memory_space<vmem>>
        %get3A_449 = arith.index_cast %add3A_444 : i32 to index
        %get3A_450 = arith.constant 0 : index
        %get3A_451 = tpu.vector_load %get3A_448[%get3A_449, %get3A_450] {strides = array<i32>} : memref<96x32xf32, #tpu.memory_space<vmem>>, vector<1x16xf32>,
        %get3A_452 = vector.shape_cast %get3A_451 : vector<1x16xf32> to vector<16xf32>
        %add3A_453 = arith.addf %scan3A_392, %get3A_452 : vector<16xf32>
        %add3A_454 = arith.constant 2 : i32
        %add3A_455 = arith.addi %multiple_of3A, %add3A_454 : i32
        %get3A_456 = arith.constant 0 : i32
        %get3A_457 = arith.constant 0 : i32
        %get3A_458 = tpu.memref_slice %arg7[%scan3A_138, %get3A_456, %get3A_457] : memref<4x96x32xf32, #tpu.memory_space<vmem>> -> memref<1x96x32xf32, #tpu.memory_space<vmem>>
        %get3A_459 = tpu.memref_squeeze %get3A_458 : memref<1x96x32xf32, #tpu.memory_space<vmem>> -> memref<96x32xf32, #tpu.memory_space<vmem>>
        %get3A_460 = arith.index_cast %add3A_455 : i32 to index
        %get3A_461 = arith.constant 16 : index
        %get3A_462 = tpu.vector_load %get3A_459[%get3A_460, %get3A_461] {strides = array<i32>} : memref<96x32xf32, #tpu.memory_space<vmem>>, vector<1x16xf32>,
        %get3A_463 = vector.shape_cast %get3A_462 : vector<1x16xf32> to vector<16xf32>
        %add3A_464 = arith.addf %scan3A_396, %get3A_463 : vector<16xf32>
        %add3A_465 = arith.constant 3 : i32
        %add3A_466 = arith.addi %multiple_of3A, %add3A_465 : i32
        %get3A_467 = arith.constant 0 : i32
        %get3A_468 = arith.constant 0 : i32
        %get3A_469 = tpu.memref_slice %arg7[%scan3A_138, %get3A_467, %get3A_468] : memref<4x96x32xf32, #tpu.memory_space<vmem>> -> memref<1x96x32xf32, #tpu.memory_space<vmem>>
        %get3A_470 = tpu.memref_squeeze %get3A_469 : memref<1x96x32xf32, #tpu.memory_space<vmem>> -> memref<96x32xf32, #tpu.memory_space<vmem>>
        %get3A_471 = arith.index_cast %add3A_466 : i32 to index
        %get3A_472 = arith.constant 0 : index
        %get3A_473 = tpu.vector_load %get3A_470[%get3A_471, %get3A_472] {strides = array<i32>} : memref<96x32xf32, #tpu.memory_space<vmem>>, vector<1x16xf32>,
        %get3A_474 = vector.shape_cast %get3A_473 : vector<1x16xf32> to vector<16xf32>
        %add3A_475 = arith.addf %scan3A_393, %get3A_474 : vector<16xf32>
        %add3A_476 = arith.constant 3 : i32
        %add3A_477 = arith.addi %multiple_of3A, %add3A_476 : i32
        %get3A_478 = arith.constant 0 : i32
        %get3A_479 = arith.constant 0 : i32
        %get3A_480 = tpu.memref_slice %arg7[%scan3A_138, %get3A_478, %get3A_479] : memref<4x96x32xf32, #tpu.memory_space<vmem>> -> memref<1x96x32xf32, #tpu.memory_space<vmem>>
        %get3A_481 = tpu.memref_squeeze %get3A_480 : memref<1x96x32xf32, #tpu.memory_space<vmem>> -> memref<96x32xf32, #tpu.memory_space<vmem>>
        %get3A_482 = arith.index_cast %add3A_477 : i32 to index
        %get3A_483 = arith.constant 16 : index
        %get3A_484 = tpu.vector_load %get3A_481[%get3A_482, %get3A_483] {strides = array<i32>} : memref<96x32xf32, #tpu.memory_space<vmem>>, vector<1x16xf32>,
        %get3A_485 = vector.shape_cast %get3A_484 : vector<1x16xf32> to vector<16xf32>
        %add3A_486 = arith.addf %scan3A_397, %get3A_485 : vector<16xf32>
        %add3A_487 = arith.constant 4 : i32
        %add3A_488 = arith.addi %multiple_of3A, %add3A_487 : i32
        %get3A_489 = arith.constant 0 : i32
        %get3A_490 = arith.constant 0 : i32
        %get3A_491 = tpu.memref_slice %arg7[%scan3A_138, %get3A_489, %get3A_490] : memref<4x96x32xf32, #tpu.memory_space<vmem>> -> memref<1x96x32xf32, #tpu.memory_space<vmem>>
        %get3A_492 = tpu.memref_squeeze %get3A_491 : memref<1x96x32xf32, #tpu.memory_space<vmem>> -> memref<96x32xf32, #tpu.memory_space<vmem>>
        %get3A_493 = arith.index_cast %add3A_488 : i32 to index
        %get3A_494 = arith.constant 0 : index
        %get3A_495 = tpu.vector_load %get3A_492[%get3A_493, %get3A_494] {strides = array<i32>} : memref<96x32xf32, #tpu.memory_space<vmem>>, vector<1x16xf32>,
        %get3A_496 = vector.shape_cast %get3A_495 : vector<1x16xf32> to vector<16xf32>
        %add3A_497 = arith.addf %add3A_409, %get3A_496 : vector<16xf32>
        %add3A_498 = arith.constant 4 : i32
        %add3A_499 = arith.addi %multiple_of3A, %add3A_498 : i32
        %get3A_500 = arith.constant 0 : i32
        %get3A_501 = arith.constant 0 : i32
        %get3A_502 = tpu.memref_slice %arg7[%scan3A_138, %get3A_500, %get3A_501] : memref<4x96x32xf32, #tpu.memory_space<vmem>> -> memref<1x96x32xf32, #tpu.memory_space<vmem>>
        %get3A_503 = tpu.memref_squeeze %get3A_502 : memref<1x96x32xf32, #tpu.memory_space<vmem>> -> memref<96x32xf32, #tpu.memory_space<vmem>>
        %get3A_504 = arith.index_cast %add3A_499 : i32 to index
        %get3A_505 = arith.constant 16 : index
        %get3A_506 = tpu.vector_load %get3A_503[%get3A_504, %get3A_505] {strides = array<i32>} : memref<96x32xf32, #tpu.memory_space<vmem>>, vector<1x16xf32>,
        %get3A_507 = vector.shape_cast %get3A_506 : vector<1x16xf32> to vector<16xf32>
        %add3A_508 = arith.addf %add3A_420, %get3A_507 : vector<16xf32>
        %add3A_509 = arith.constant 5 : i32
        %add3A_510 = arith.addi %multiple_of3A, %add3A_509 : i32
        %get3A_511 = arith.constant 0 : i32
        %get3A_512 = arith.constant 0 : i32
        %get3A_513 = tpu.memref_slice %arg7[%scan3A_138, %get3A_511, %get3A_512] : memref<4x96x32xf32, #tpu.memory_space<vmem>> -> memref<1x96x32xf32, #tpu.memory_space<vmem>>
        %get3A_514 = tpu.memref_squeeze %get3A_513 : memref<1x96x32xf32, #tpu.memory_space<vmem>> -> memref<96x32xf32, #tpu.memory_space<vmem>>
        %get3A_515 = arith.index_cast %add3A_510 : i32 to index
        %get3A_516 = arith.constant 0 : index
        %get3A_517 = tpu.vector_load %get3A_514[%get3A_515, %get3A_516] {strides = array<i32>} : memref<96x32xf32, #tpu.memory_space<vmem>>, vector<1x16xf32>,
        %get3A_518 = vector.shape_cast %get3A_517 : vector<1x16xf32> to vector<16xf32>
        %add3A_519 = arith.addf %add3A_431, %get3A_518 : vector<16xf32>
        %add3A_520 = arith.constant 5 : i32
        %add3A_521 = arith.addi %multiple_of3A, %add3A_520 : i32
        %get3A_522 = arith.constant 0 : i32
        %get3A_523 = arith.constant 0 : i32
        %get3A_524 = tpu.memref_slice %arg7[%scan3A_138, %get3A_522, %get3A_523] : memref<4x96x32xf32, #tpu.memory_space<vmem>> -> memref<1x96x32xf32, #tpu.memory_space<vmem>>
        %get3A_525 = tpu.memref_squeeze %get3A_524 : memref<1x96x32xf32, #tpu.memory_space<vmem>> -> memref<96x32xf32, #tpu.memory_space<vmem>>
        %get3A_526 = arith.index_cast %add3A_521 : i32 to index
        %get3A_527 = arith.constant 16 : index
        %get3A_528 = tpu.vector_load %get3A_525[%get3A_526, %get3A_527] {strides = array<i32>} : memref<96x32xf32, #tpu.memory_space<vmem>>, vector<1x16xf32>,
        %get3A_529 = vector.shape_cast %get3A_528 : vector<1x16xf32> to vector<16xf32>
        %add3A_530 = arith.addf %add3A_442, %get3A_529 : vector<16xf32>
        %add3A_531 = arith.constant 6 : i32
        %add3A_532 = arith.addi %multiple_of3A, %add3A_531 : i32
        %get3A_533 = arith.constant 0 : i32
        %get3A_534 = arith.constant 0 : i32
        %get3A_535 = tpu.memref_slice %arg7[%scan3A_138, %get3A_533, %get3A_534] : memref<4x96x32xf32, #tpu.memory_space<vmem>> -> memref<1x96x32xf32, #tpu.memory_space<vmem>>
        %get3A_536 = tpu.memref_squeeze %get3A_535 : memref<1x96x32xf32, #tpu.memory_space<vmem>> -> memref<96x32xf32, #tpu.memory_space<vmem>>
        %get3A_537 = arith.index_cast %add3A_532 : i32 to index
        %get3A_538 = arith.constant 0 : index
        %get3A_539 = tpu.vector_load %get3A_536[%get3A_537, %get3A_538] {strides = array<i32>} : memref<96x32xf32, #tpu.memory_space<vmem>>, vector<1x16xf32>,
        %get3A_540 = vector.shape_cast %get3A_539 : vector<1x16xf32> to vector<16xf32>
        %add3A_541 = arith.addf %add3A_453, %get3A_540 : vector<16xf32>
        %add3A_542 = arith.constant 6 : i32
        %add3A_543 = arith.addi %multiple_of3A, %add3A_542 : i32
        %get3A_544 = arith.constant 0 : i32
        %get3A_545 = arith.constant 0 : i32
        %get3A_546 = tpu.memref_slice %arg7[%scan3A_138, %get3A_544, %get3A_545] : memref<4x96x32xf32, #tpu.memory_space<vmem>> -> memref<1x96x32xf32, #tpu.memory_space<vmem>>
        %get3A_547 = tpu.memref_squeeze %get3A_546 : memref<1x96x32xf32, #tpu.memory_space<vmem>> -> memref<96x32xf32, #tpu.memory_space<vmem>>
        %get3A_548 = arith.index_cast %add3A_543 : i32 to index
        %get3A_549 = arith.constant 16 : index
        %get3A_550 = tpu.vector_load %get3A_547[%get3A_548, %get3A_549] {strides = array<i32>} : memref<96x32xf32, #tpu.memory_space<vmem>>, vector<1x16xf32>,
        %get3A_551 = vector.shape_cast %get3A_550 : vector<1x16xf32> to vector<16xf32>
        %add3A_552 = arith.addf %add3A_464, %get3A_551 : vector<16xf32>
        %add3A_553 = arith.constant 7 : i32
        %add3A_554 = arith.addi %multiple_of3A, %add3A_553 : i32
        %get3A_555 = arith.constant 0 : i32
        %get3A_556 = arith.constant 0 : i32
        %get3A_557 = tpu.memref_slice %arg7[%scan3A_138, %get3A_555, %get3A_556] : memref<4x96x32xf32, #tpu.memory_space<vmem>> -> memref<1x96x32xf32, #tpu.memory_space<vmem>>
        %get3A_558 = tpu.memref_squeeze %get3A_557 : memref<1x96x32xf32, #tpu.memory_space<vmem>> -> memref<96x32xf32, #tpu.memory_space<vmem>>
        %get3A_559 = arith.index_cast %add3A_554 : i32 to index
        %get3A_560 = arith.constant 0 : index
        %get3A_561 = tpu.vector_load %get3A_558[%get3A_559, %get3A_560] {strides = array<i32>} : memref<96x32xf32, #tpu.memory_space<vmem>>, vector<1x16xf32>,
        %get3A_562 = vector.shape_cast %get3A_561 : vector<1x16xf32> to vector<16xf32>
        %add3A_563 = arith.addf %add3A_475, %get3A_562 : vector<16xf32>
        %add3A_564 = arith.constant 7 : i32
        %add3A_565 = arith.addi %multiple_of3A, %add3A_564 : i32
        %get3A_566 = arith.constant 0 : i32
        %get3A_567 = arith.constant 0 : i32
        %get3A_568 = tpu.memref_slice %arg7[%scan3A_138, %get3A_566, %get3A_567] : memref<4x96x32xf32, #tpu.memory_space<vmem>> -> memref<1x96x32xf32, #tpu.memory_space<vmem>>
        %get3A_569 = tpu.memref_squeeze %get3A_568 : memref<1x96x32xf32, #tpu.memory_space<vmem>> -> memref<96x32xf32, #tpu.memory_space<vmem>>
        %get3A_570 = arith.index_cast %add3A_565 : i32 to index
        %get3A_571 = arith.constant 16 : index
        %get3A_572 = tpu.vector_load %get3A_569[%get3A_570, %get3A_571] {strides = array<i32>} : memref<96x32xf32, #tpu.memory_space<vmem>>, vector<1x16xf32>,
        %get3A_573 = vector.shape_cast %get3A_572 : vector<1x16xf32> to vector<16xf32>
        %add3A_574 = arith.addf %add3A_486, %get3A_573 : vector<16xf32>
        scf.yield %add3A_497, %add3A_519, %add3A_541, %add3A_563, %add3A_508, %add3A_530, %add3A_552, %add3A_574 : vector<16xf32>, vector<16xf32>, vector<16xf32>, vector<16xf32>, vector<16xf32>, vector<16xf32>, vector<16xf32>, vector<16xf32>
      }
      %scan3A_144 = arith.constant 12 : i32
      %add3A_145 = arith.addf %scan3A_143#0, %scan3A_143#1 : vector<16xf32>
      %add3A_146 = arith.addf %scan3A_143#2, %scan3A_143#3 : vector<16xf32>
      %add3A_147 = arith.addf %add3A_145, %add3A_146 : vector<16xf32>
      %add3A_148 = arith.addf %scan3A_143#4, %scan3A_143#5 : vector<16xf32>
      %add3A_149 = arith.addf %scan3A_143#6, %scan3A_143#7 : vector<16xf32>
      %add3A_150 = arith.addf %add3A_148, %add3A_149 : vector<16xf32>
      %swap3A = arith.index_cast %add3A_96 : i32 to index
      %swap3A_151 = arith.constant 0 : index
      %swap3A_152 = tpu.vector_load %arg8[%swap3A, %swap3A_151] {strides = array<i32>} : memref<128x32xf32, #tpu.memory_space<vmem>>, vector<1x16xf32>,
      %swap3A_153 = vector.shape_cast %swap3A_152 : vector<1x16xf32> to vector<16xf32>
      %swap3A_154 = vector.shape_cast %add3A_147 : vector<16xf32> to vector<1x16xf32>
      tpu.vector_store %arg8[%swap3A, %swap3A_151], %swap3A_154 {strides = array<i32>} : memref<128x32xf32, #tpu.memory_space<vmem>>, vector<1x16xf32>,
      %swap3A_155 = arith.index_cast %add3A_96 : i32 to index
      %swap3A_156 = arith.constant 16 : index
      %swap3A_157 = tpu.vector_load %arg8[%swap3A_155, %swap3A_156] {strides = array<i32>} : memref<128x32xf32, #tpu.memory_space<vmem>>, vector<1x16xf32>,
      %swap3A_158 = vector.shape_cast %swap3A_157 : vector<1x16xf32> to vector<16xf32>
      %swap3A_159 = vector.shape_cast %add3A_150 : vector<16xf32> to vector<1x16xf32>
      tpu.vector_store %arg8[%swap3A_155, %swap3A_156], %swap3A_159 {strides = array<i32>} : memref<128x32xf32, #tpu.memory_space<vmem>>, vector<1x16xf32>,
      %add3A_160 = arith.constant 4 : i32
      %add3A_161 = arith.addi %add3A_96, %add3A_160 : i32
      %lt3A = arith.constant 128 : i32
      %lt3A_162 = arith.cmpi slt, %add3A_161, %lt3A : i32
      %convert_element_type3A = arith.extui %lt3A_162 : i1 to i32
      %cond3A = arith.constant 0 : i32
      %cond3A_163 = arith.cmpi ne, %convert_element_type3A, %cond3A : i32
      scf.if %cond3A_163 {
        %add3A_389 = arith.constant 4 : i32
        %add3A_390 = arith.addi %add3A_96, %add3A_389 : i32
        %mul3A_391 = arith.constant 200 : i32
        %mul3A_392 = arith.muli %add3A_390, %mul3A_391 : i32
        %dma_start3A_393 = arith.constant 0 : i32
        %dma_start3A_394 = arith.constant 0 : i32
        %dma_start3A_395 = arith.constant 0 : i32
        %dma_start3A_396 = tpu.memref_slice %arg6[%dma_start3A_393, %dma_start3A_394, %dma_start3A_395] : memref<4x104x32xf32, #tpu.memory_space<vmem>> -> memref<1x104x32xf32, #tpu.memory_space<vmem>>
        %dma_start3A_397 = tpu.memref_squeeze %dma_start3A_396 : memref<1x104x32xf32, #tpu.memory_space<vmem>> -> memref<104x32xf32, #tpu.memory_space<vmem>>
        %dma_start3A_398 = tpu.memref_slice %arg5[%mul3A_392] : memref<25600xi32, #tpu.memory_space<vmem>> -> memref<104xi32, #tpu.memory_space<vmem>>
        %dma_start3A_399 = arith.constant 0 : i32
        %dma_start3A_400 = arith.constant 0 : i32
        %dma_start3A_401 = tpu.memref_slice %arg3[%dma_start3A_399, %dma_start3A_400] : memref<1000000x32xf32, #tpu.memory_space<hbm>> -> memref<1000000x32xf32, #tpu.memory_space<hbm>>
        tpu.enqueue_indirect_dma source(%dma_start3A_401 : memref<1000000x32xf32, #tpu.memory_space<hbm>>) target(%dma_start3A_397 : memref<104x32xf32, #tpu.memory_space<vmem>>) offsets(%dma_start3A_398 : memref<104xi32, #tpu.memory_space<vmem>>) semaphore(%arg9 : memref<!tpu.dma_semaphore, #tpu.memory_space<semaphore_mem>>)
        %mul3A_402 = arith.constant 200 : i32
        %mul3A_403 = arith.muli %add3A_390, %mul3A_402 : i32
        %add3A_404 = arith.constant 104 : i32
        %add3A_405 = arith.addi %mul3A_403, %add3A_404 : i32
        %dma_start3A_406 = arith.constant 0 : i32
        %dma_start3A_407 = arith.constant 0 : i32
        %dma_start3A_408 = arith.constant 0 : i32
        %dma_start3A_409 = tpu.memref_slice %arg7[%dma_start3A_406, %dma_start3A_407, %dma_start3A_408] : memref<4x96x32xf32, #tpu.memory_space<vmem>> -> memref<1x96x32xf32, #tpu.memory_space<vmem>>
        %dma_start3A_410 = tpu.memref_squeeze %dma_start3A_409 : memref<1x96x32xf32, #tpu.memory_space<vmem>> -> memref<96x32xf32, #tpu.memory_space<vmem>>
        %dma_start3A_411 = tpu.memref_slice %arg5[%add3A_405] : memref<25600xi32, #tpu.memory_space<vmem>> -> memref<96xi32, #tpu.memory_space<vmem>>
        %dma_start3A_412 = arith.constant 0 : i32
        %dma_start3A_413 = arith.constant 0 : i32
        %dma_start3A_414 = tpu.memref_slice %arg3[%dma_start3A_412, %dma_start3A_413] : memref<1000000x32xf32, #tpu.memory_space<hbm>> -> memref<1000000x32xf32, #tpu.memory_space<hbm>>
        tpu.enqueue_indirect_dma source(%dma_start3A_414 : memref<1000000x32xf32, #tpu.memory_space<hbm>>) target(%dma_start3A_410 : memref<96x32xf32, #tpu.memory_space<vmem>>) offsets(%dma_start3A_411 : memref<96xi32, #tpu.memory_space<vmem>>) semaphore(%arg9 : memref<!tpu.dma_semaphore, #tpu.memory_space<semaphore_mem>>)
      } else {
      }
      %add3A_164 = arith.constant 1 : i32
      %add3A_165 = arith.addi %add3A_94, %add3A_164 : i32
      %mul3A_166 = arith.constant 200 : i32
      %mul3A_167 = arith.muli %add3A_165, %mul3A_166 : i32
      %dma_wait3A_168 = arith.constant 1 : i32
      %dma_wait3A_169 = arith.constant 0 : i32
      %dma_wait3A_170 = arith.constant 0 : i32
      %dma_wait3A_171 = tpu.memref_slice %arg6[%dma_wait3A_168, %dma_wait3A_169, %dma_wait3A_170] : memref<4x104x32xf32, #tpu.memory_space<vmem>> -> memref<1x104x32xf32, #tpu.memory_space<vmem>>
      %dma_wait3A_172 = tpu.memref_squeeze %dma_wait3A_171 : memref<1x104x32xf32, #tpu.memory_space<vmem>> -> memref<104x32xf32, #tpu.memory_space<vmem>>
      %dma_wait3A_173 = tpu.memref_slice %arg5[%mul3A_167] : memref<25600xi32, #tpu.memory_space<vmem>> -> memref<104xi32, #tpu.memory_space<vmem>>
      %dma_wait3A_174 = arith.constant 0 : i32
      %dma_wait3A_175 = arith.constant 0 : i32
      %dma_wait3A_176 = tpu.memref_slice %arg3[%dma_wait3A_174, %dma_wait3A_175] : memref<1000000x32xf32, #tpu.memory_space<hbm>> -> memref<1000000x32xf32, #tpu.memory_space<hbm>>
      tpu.wait_indirect_dma semaphore(%arg10 : memref<!tpu.dma_semaphore, #tpu.memory_space<semaphore_mem>>) src(%dma_wait3A_176 : memref<1000000x32xf32, #tpu.memory_space<hbm>>) dst(%dma_wait3A_172 : memref<104x32xf32, #tpu.memory_space<vmem>>)
      %mul3A_177 = arith.constant 200 : i32
      %mul3A_178 = arith.muli %add3A_165, %mul3A_177 : i32
      %add3A_179 = arith.constant 104 : i32
      %add3A_180 = arith.addi %mul3A_178, %add3A_179 : i32
      %dma_wait3A_181 = arith.constant 1 : i32
      %dma_wait3A_182 = arith.constant 0 : i32
      %dma_wait3A_183 = arith.constant 0 : i32
      %dma_wait3A_184 = tpu.memref_slice %arg7[%dma_wait3A_181, %dma_wait3A_182, %dma_wait3A_183] : memref<4x96x32xf32, #tpu.memory_space<vmem>> -> memref<1x96x32xf32, #tpu.memory_space<vmem>>
      %dma_wait3A_185 = tpu.memref_squeeze %dma_wait3A_184 : memref<1x96x32xf32, #tpu.memory_space<vmem>> -> memref<96x32xf32, #tpu.memory_space<vmem>>
      %dma_wait3A_186 = tpu.memref_slice %arg5[%add3A_180] : memref<25600xi32, #tpu.memory_space<vmem>> -> memref<96xi32, #tpu.memory_space<vmem>>
      %dma_wait3A_187 = arith.constant 0 : i32
      %dma_wait3A_188 = arith.constant 0 : i32
      %dma_wait3A_189 = tpu.memref_slice %arg3[%dma_wait3A_187, %dma_wait3A_188] : memref<1000000x32xf32, #tpu.memory_space<hbm>> -> memref<1000000x32xf32, #tpu.memory_space<hbm>>
      tpu.wait_indirect_dma semaphore(%arg10 : memref<!tpu.dma_semaphore, #tpu.memory_space<semaphore_mem>>) src(%dma_wait3A_189 : memref<1000000x32xf32, #tpu.memory_space<hbm>>) dst(%dma_wait3A_185 : memref<96x32xf32, #tpu.memory_space<vmem>>)
      %broadcast_in_dim3A_190 = arith.constant 0.000000e+00 : f32
      %broadcast_in_dim3A_191 = vector.broadcast %broadcast_in_dim3A_190 : f32 to vector<16xf32>
      %broadcast_in_dim3A_192 = arith.constant 0.000000e+00 : f32
      %broadcast_in_dim3A_193 = vector.broadcast %broadcast_in_dim3A_192 : f32 to vector<16xf32>
      %scan3A_194 = arith.constant 1 : i32
      %scan3A_195 = arith.constant 0 : i32
      %scan3A_196 = arith.constant 13 : i32
      %scan3A_197 = arith.addi %scan3A_195, %scan3A_196 : i32
      %scan3A_198 = arith.constant 1 : i32
      %scan3A_199:8 = scf.for %scan3A_389 = %scan3A_195 to %scan3A_197 step %scan3A_198 iter_args(%scan3A_390 = %broadcast_in_dim3A_191, %scan3A_391 = %broadcast_in_dim3A_193, %scan3A_392 = %broadcast_in_dim3A_193, %scan3A_393 = %broadcast_in_dim3A_193, %scan3A_394 = %broadcast_in_dim3A_191, %scan3A_395 = %broadcast_in_dim3A_193, %scan3A_396 = %broadcast_in_dim3A_193, %scan3A_397 = %broadcast_in_dim3A_193) -> (vector<16xf32>, vector<16xf32>, vector<16xf32>, vector<16xf32>, vector<16xf32>, vector<16xf32>, vector<16xf32>, vector<16xf32>)  : i32 {
        %mul3A_398 = arith.constant 8 : i32
        %mul3A_399 = arith.muli %scan3A_389, %mul3A_398 : i32
        %multiple_of3A = tpu.assume_multiple %mul3A_399, 8 : i32
        %add3A_400 = arith.constant 0 : i32
        %add3A_401 = arith.addi %multiple_of3A, %add3A_400 : i32
        %get3A = arith.constant 0 : i32
        %get3A_402 = arith.constant 0 : i32
        %get3A_403 = tpu.memref_slice %arg6[%scan3A_194, %get3A, %get3A_402] : memref<4x104x32xf32, #tpu.memory_space<vmem>> -> memref<1x104x32xf32, #tpu.memory_space<vmem>>
        %get3A_404 = tpu.memref_squeeze %get3A_403 : memref<1x104x32xf32, #tpu.memory_space<vmem>> -> memref<104x32xf32, #tpu.memory_space<vmem>>
        %get3A_405 = arith.index_cast %add3A_401 : i32 to index
        %get3A_406 = arith.constant 0 : index
        %get3A_407 = tpu.vector_load %get3A_404[%get3A_405, %get3A_406] {strides = array<i32>} : memref<104x32xf32, #tpu.memory_space<vmem>>, vector<1x16xf32>,
        %get3A_408 = vector.shape_cast %get3A_407 : vector<1x16xf32> to vector<16xf32>
        %add3A_409 = arith.addf %scan3A_390, %get3A_408 : vector<16xf32>
        %add3A_410 = arith.constant 0 : i32
        %add3A_411 = arith.addi %multiple_of3A, %add3A_410 : i32
        %get3A_412 = arith.constant 0 : i32
        %get3A_413 = arith.constant 0 : i32
        %get3A_414 = tpu.memref_slice %arg6[%scan3A_194, %get3A_412, %get3A_413] : memref<4x104x32xf32, #tpu.memory_space<vmem>> -> memref<1x104x32xf32, #tpu.memory_space<vmem>>
        %get3A_415 = tpu.memref_squeeze %get3A_414 : memref<1x104x32xf32, #tpu.memory_space<vmem>> -> memref<104x32xf32, #tpu.memory_space<vmem>>
        %get3A_416 = arith.index_cast %add3A_411 : i32 to index
        %get3A_417 = arith.constant 16 : index
        %get3A_418 = tpu.vector_load %get3A_415[%get3A_416, %get3A_417] {strides = array<i32>} : memref<104x32xf32, #tpu.memory_space<vmem>>, vector<1x16xf32>,
        %get3A_419 = vector.shape_cast %get3A_418 : vector<1x16xf32> to vector<16xf32>
        %add3A_420 = arith.addf %scan3A_394, %get3A_419 : vector<16xf32>
        %add3A_421 = arith.constant 1 : i32
        %add3A_422 = arith.addi %multiple_of3A, %add3A_421 : i32
        %get3A_423 = arith.constant 0 : i32
        %get3A_424 = arith.constant 0 : i32
        %get3A_425 = tpu.memref_slice %arg6[%scan3A_194, %get3A_423, %get3A_424] : memref<4x104x32xf32, #tpu.memory_space<vmem>> -> memref<1x104x32xf32, #tpu.memory_space<vmem>>
        %get3A_426 = tpu.memref_squeeze %get3A_425 : memref<1x104x32xf32, #tpu.memory_space<vmem>> -> memref<104x32xf32, #tpu.memory_space<vmem>>
        %get3A_427 = arith.index_cast %add3A_422 : i32 to index
        %get3A_428 = arith.constant 0 : index
        %get3A_429 = tpu.vector_load %get3A_426[%get3A_427, %get3A_428] {strides = array<i32>} : memref<104x32xf32, #tpu.memory_space<vmem>>, vector<1x16xf32>,
        %get3A_430 = vector.shape_cast %get3A_429 : vector<1x16xf32> to vector<16xf32>
        %add3A_431 = arith.addf %scan3A_391, %get3A_430 : vector<16xf32>
        %add3A_432 = arith.constant 1 : i32
        %add3A_433 = arith.addi %multiple_of3A, %add3A_432 : i32
        %get3A_434 = arith.constant 0 : i32
        %get3A_435 = arith.constant 0 : i32
        %get3A_436 = tpu.memref_slice %arg6[%scan3A_194, %get3A_434, %get3A_435] : memref<4x104x32xf32, #tpu.memory_space<vmem>> -> memref<1x104x32xf32, #tpu.memory_space<vmem>>
        %get3A_437 = tpu.memref_squeeze %get3A_436 : memref<1x104x32xf32, #tpu.memory_space<vmem>> -> memref<104x32xf32, #tpu.memory_space<vmem>>
        %get3A_438 = arith.index_cast %add3A_433 : i32 to index
        %get3A_439 = arith.constant 16 : index
        %get3A_440 = tpu.vector_load %get3A_437[%get3A_438, %get3A_439] {strides = array<i32>} : memref<104x32xf32, #tpu.memory_space<vmem>>, vector<1x16xf32>,
        %get3A_441 = vector.shape_cast %get3A_440 : vector<1x16xf32> to vector<16xf32>
        %add3A_442 = arith.addf %scan3A_395, %get3A_441 : vector<16xf32>
        %add3A_443 = arith.constant 2 : i32
        %add3A_444 = arith.addi %multiple_of3A, %add3A_443 : i32
        %get3A_445 = arith.constant 0 : i32
        %get3A_446 = arith.constant 0 : i32
        %get3A_447 = tpu.memref_slice %arg6[%scan3A_194, %get3A_445, %get3A_446] : memref<4x104x32xf32, #tpu.memory_space<vmem>> -> memref<1x104x32xf32, #tpu.memory_space<vmem>>
        %get3A_448 = tpu.memref_squeeze %get3A_447 : memref<1x104x32xf32, #tpu.memory_space<vmem>> -> memref<104x32xf32, #tpu.memory_space<vmem>>
        %get3A_449 = arith.index_cast %add3A_444 : i32 to index
        %get3A_450 = arith.constant 0 : index
        %get3A_451 = tpu.vector_load %get3A_448[%get3A_449, %get3A_450] {strides = array<i32>} : memref<104x32xf32, #tpu.memory_space<vmem>>, vector<1x16xf32>,
        %get3A_452 = vector.shape_cast %get3A_451 : vector<1x16xf32> to vector<16xf32>
        %add3A_453 = arith.addf %scan3A_392, %get3A_452 : vector<16xf32>
        %add3A_454 = arith.constant 2 : i32
        %add3A_455 = arith.addi %multiple_of3A, %add3A_454 : i32
        %get3A_456 = arith.constant 0 : i32
        %get3A_457 = arith.constant 0 : i32
        %get3A_458 = tpu.memref_slice %arg6[%scan3A_194, %get3A_456, %get3A_457] : memref<4x104x32xf32, #tpu.memory_space<vmem>> -> memref<1x104x32xf32, #tpu.memory_space<vmem>>
        %get3A_459 = tpu.memref_squeeze %get3A_458 : memref<1x104x32xf32, #tpu.memory_space<vmem>> -> memref<104x32xf32, #tpu.memory_space<vmem>>
        %get3A_460 = arith.index_cast %add3A_455 : i32 to index
        %get3A_461 = arith.constant 16 : index
        %get3A_462 = tpu.vector_load %get3A_459[%get3A_460, %get3A_461] {strides = array<i32>} : memref<104x32xf32, #tpu.memory_space<vmem>>, vector<1x16xf32>,
        %get3A_463 = vector.shape_cast %get3A_462 : vector<1x16xf32> to vector<16xf32>
        %add3A_464 = arith.addf %scan3A_396, %get3A_463 : vector<16xf32>
        %add3A_465 = arith.constant 3 : i32
        %add3A_466 = arith.addi %multiple_of3A, %add3A_465 : i32
        %get3A_467 = arith.constant 0 : i32
        %get3A_468 = arith.constant 0 : i32
        %get3A_469 = tpu.memref_slice %arg6[%scan3A_194, %get3A_467, %get3A_468] : memref<4x104x32xf32, #tpu.memory_space<vmem>> -> memref<1x104x32xf32, #tpu.memory_space<vmem>>
        %get3A_470 = tpu.memref_squeeze %get3A_469 : memref<1x104x32xf32, #tpu.memory_space<vmem>> -> memref<104x32xf32, #tpu.memory_space<vmem>>
        %get3A_471 = arith.index_cast %add3A_466 : i32 to index
        %get3A_472 = arith.constant 0 : index
        %get3A_473 = tpu.vector_load %get3A_470[%get3A_471, %get3A_472] {strides = array<i32>} : memref<104x32xf32, #tpu.memory_space<vmem>>, vector<1x16xf32>,
        %get3A_474 = vector.shape_cast %get3A_473 : vector<1x16xf32> to vector<16xf32>
        %add3A_475 = arith.addf %scan3A_393, %get3A_474 : vector<16xf32>
        %add3A_476 = arith.constant 3 : i32
        %add3A_477 = arith.addi %multiple_of3A, %add3A_476 : i32
        %get3A_478 = arith.constant 0 : i32
        %get3A_479 = arith.constant 0 : i32
        %get3A_480 = tpu.memref_slice %arg6[%scan3A_194, %get3A_478, %get3A_479] : memref<4x104x32xf32, #tpu.memory_space<vmem>> -> memref<1x104x32xf32, #tpu.memory_space<vmem>>
        %get3A_481 = tpu.memref_squeeze %get3A_480 : memref<1x104x32xf32, #tpu.memory_space<vmem>> -> memref<104x32xf32, #tpu.memory_space<vmem>>
        %get3A_482 = arith.index_cast %add3A_477 : i32 to index
        %get3A_483 = arith.constant 16 : index
        %get3A_484 = tpu.vector_load %get3A_481[%get3A_482, %get3A_483] {strides = array<i32>} : memref<104x32xf32, #tpu.memory_space<vmem>>, vector<1x16xf32>,
        %get3A_485 = vector.shape_cast %get3A_484 : vector<1x16xf32> to vector<16xf32>
        %add3A_486 = arith.addf %scan3A_397, %get3A_485 : vector<16xf32>
        %add3A_487 = arith.constant 4 : i32
        %add3A_488 = arith.addi %multiple_of3A, %add3A_487 : i32
        %get3A_489 = arith.constant 0 : i32
        %get3A_490 = arith.constant 0 : i32
        %get3A_491 = tpu.memref_slice %arg6[%scan3A_194, %get3A_489, %get3A_490] : memref<4x104x32xf32, #tpu.memory_space<vmem>> -> memref<1x104x32xf32, #tpu.memory_space<vmem>>
        %get3A_492 = tpu.memref_squeeze %get3A_491 : memref<1x104x32xf32, #tpu.memory_space<vmem>> -> memref<104x32xf32, #tpu.memory_space<vmem>>
        %get3A_493 = arith.index_cast %add3A_488 : i32 to index
        %get3A_494 = arith.constant 0 : index
        %get3A_495 = tpu.vector_load %get3A_492[%get3A_493, %get3A_494] {strides = array<i32>} : memref<104x32xf32, #tpu.memory_space<vmem>>, vector<1x16xf32>,
        %get3A_496 = vector.shape_cast %get3A_495 : vector<1x16xf32> to vector<16xf32>
        %add3A_497 = arith.addf %add3A_409, %get3A_496 : vector<16xf32>
        %add3A_498 = arith.constant 4 : i32
        %add3A_499 = arith.addi %multiple_of3A, %add3A_498 : i32
        %get3A_500 = arith.constant 0 : i32
        %get3A_501 = arith.constant 0 : i32
        %get3A_502 = tpu.memref_slice %arg6[%scan3A_194, %get3A_500, %get3A_501] : memref<4x104x32xf32, #tpu.memory_space<vmem>> -> memref<1x104x32xf32, #tpu.memory_space<vmem>>
        %get3A_503 = tpu.memref_squeeze %get3A_502 : memref<1x104x32xf32, #tpu.memory_space<vmem>> -> memref<104x32xf32, #tpu.memory_space<vmem>>
        %get3A_504 = arith.index_cast %add3A_499 : i32 to index
        %get3A_505 = arith.constant 16 : index
        %get3A_506 = tpu.vector_load %get3A_503[%get3A_504, %get3A_505] {strides = array<i32>} : memref<104x32xf32, #tpu.memory_space<vmem>>, vector<1x16xf32>,
        %get3A_507 = vector.shape_cast %get3A_506 : vector<1x16xf32> to vector<16xf32>
        %add3A_508 = arith.addf %add3A_420, %get3A_507 : vector<16xf32>
        %add3A_509 = arith.constant 5 : i32
        %add3A_510 = arith.addi %multiple_of3A, %add3A_509 : i32
        %get3A_511 = arith.constant 0 : i32
        %get3A_512 = arith.constant 0 : i32
        %get3A_513 = tpu.memref_slice %arg6[%scan3A_194, %get3A_511, %get3A_512] : memref<4x104x32xf32, #tpu.memory_space<vmem>> -> memref<1x104x32xf32, #tpu.memory_space<vmem>>
        %get3A_514 = tpu.memref_squeeze %get3A_513 : memref<1x104x32xf32, #tpu.memory_space<vmem>> -> memref<104x32xf32, #tpu.memory_space<vmem>>
        %get3A_515 = arith.index_cast %add3A_510 : i32 to index
        %get3A_516 = arith.constant 0 : index
        %get3A_517 = tpu.vector_load %get3A_514[%get3A_515, %get3A_516] {strides = array<i32>} : memref<104x32xf32, #tpu.memory_space<vmem>>, vector<1x16xf32>,
        %get3A_518 = vector.shape_cast %get3A_517 : vector<1x16xf32> to vector<16xf32>
        %add3A_519 = arith.addf %add3A_431, %get3A_518 : vector<16xf32>
        %add3A_520 = arith.constant 5 : i32
        %add3A_521 = arith.addi %multiple_of3A, %add3A_520 : i32
        %get3A_522 = arith.constant 0 : i32
        %get3A_523 = arith.constant 0 : i32
        %get3A_524 = tpu.memref_slice %arg6[%scan3A_194, %get3A_522, %get3A_523] : memref<4x104x32xf32, #tpu.memory_space<vmem>> -> memref<1x104x32xf32, #tpu.memory_space<vmem>>
        %get3A_525 = tpu.memref_squeeze %get3A_524 : memref<1x104x32xf32, #tpu.memory_space<vmem>> -> memref<104x32xf32, #tpu.memory_space<vmem>>
        %get3A_526 = arith.index_cast %add3A_521 : i32 to index
        %get3A_527 = arith.constant 16 : index
        %get3A_528 = tpu.vector_load %get3A_525[%get3A_526, %get3A_527] {strides = array<i32>} : memref<104x32xf32, #tpu.memory_space<vmem>>, vector<1x16xf32>,
        %get3A_529 = vector.shape_cast %get3A_528 : vector<1x16xf32> to vector<16xf32>
        %add3A_530 = arith.addf %add3A_442, %get3A_529 : vector<16xf32>
        %add3A_531 = arith.constant 6 : i32
        %add3A_532 = arith.addi %multiple_of3A, %add3A_531 : i32
        %get3A_533 = arith.constant 0 : i32
        %get3A_534 = arith.constant 0 : i32
        %get3A_535 = tpu.memref_slice %arg6[%scan3A_194, %get3A_533, %get3A_534] : memref<4x104x32xf32, #tpu.memory_space<vmem>> -> memref<1x104x32xf32, #tpu.memory_space<vmem>>
        %get3A_536 = tpu.memref_squeeze %get3A_535 : memref<1x104x32xf32, #tpu.memory_space<vmem>> -> memref<104x32xf32, #tpu.memory_space<vmem>>
        %get3A_537 = arith.index_cast %add3A_532 : i32 to index
        %get3A_538 = arith.constant 0 : index
        %get3A_539 = tpu.vector_load %get3A_536[%get3A_537, %get3A_538] {strides = array<i32>} : memref<104x32xf32, #tpu.memory_space<vmem>>, vector<1x16xf32>,
        %get3A_540 = vector.shape_cast %get3A_539 : vector<1x16xf32> to vector<16xf32>
        %add3A_541 = arith.addf %add3A_453, %get3A_540 : vector<16xf32>
        %add3A_542 = arith.constant 6 : i32
        %add3A_543 = arith.addi %multiple_of3A, %add3A_542 : i32
        %get3A_544 = arith.constant 0 : i32
        %get3A_545 = arith.constant 0 : i32
        %get3A_546 = tpu.memref_slice %arg6[%scan3A_194, %get3A_544, %get3A_545] : memref<4x104x32xf32, #tpu.memory_space<vmem>> -> memref<1x104x32xf32, #tpu.memory_space<vmem>>
        %get3A_547 = tpu.memref_squeeze %get3A_546 : memref<1x104x32xf32, #tpu.memory_space<vmem>> -> memref<104x32xf32, #tpu.memory_space<vmem>>
        %get3A_548 = arith.index_cast %add3A_543 : i32 to index
        %get3A_549 = arith.constant 16 : index
        %get3A_550 = tpu.vector_load %get3A_547[%get3A_548, %get3A_549] {strides = array<i32>} : memref<104x32xf32, #tpu.memory_space<vmem>>, vector<1x16xf32>,
        %get3A_551 = vector.shape_cast %get3A_550 : vector<1x16xf32> to vector<16xf32>
        %add3A_552 = arith.addf %add3A_464, %get3A_551 : vector<16xf32>
        %add3A_553 = arith.constant 7 : i32
        %add3A_554 = arith.addi %multiple_of3A, %add3A_553 : i32
        %get3A_555 = arith.constant 0 : i32
        %get3A_556 = arith.constant 0 : i32
        %get3A_557 = tpu.memref_slice %arg6[%scan3A_194, %get3A_555, %get3A_556] : memref<4x104x32xf32, #tpu.memory_space<vmem>> -> memref<1x104x32xf32, #tpu.memory_space<vmem>>
        %get3A_558 = tpu.memref_squeeze %get3A_557 : memref<1x104x32xf32, #tpu.memory_space<vmem>> -> memref<104x32xf32, #tpu.memory_space<vmem>>
        %get3A_559 = arith.index_cast %add3A_554 : i32 to index
        %get3A_560 = arith.constant 0 : index
        %get3A_561 = tpu.vector_load %get3A_558[%get3A_559, %get3A_560] {strides = array<i32>} : memref<104x32xf32, #tpu.memory_space<vmem>>, vector<1x16xf32>,
        %get3A_562 = vector.shape_cast %get3A_561 : vector<1x16xf32> to vector<16xf32>
        %add3A_563 = arith.addf %add3A_475, %get3A_562 : vector<16xf32>
        %add3A_564 = arith.constant 7 : i32
        %add3A_565 = arith.addi %multiple_of3A, %add3A_564 : i32
        %get3A_566 = arith.constant 0 : i32
        %get3A_567 = arith.constant 0 : i32
        %get3A_568 = tpu.memref_slice %arg6[%scan3A_194, %get3A_566, %get3A_567] : memref<4x104x32xf32, #tpu.memory_space<vmem>> -> memref<1x104x32xf32, #tpu.memory_space<vmem>>
        %get3A_569 = tpu.memref_squeeze %get3A_568 : memref<1x104x32xf32, #tpu.memory_space<vmem>> -> memref<104x32xf32, #tpu.memory_space<vmem>>
        %get3A_570 = arith.index_cast %add3A_565 : i32 to index
        %get3A_571 = arith.constant 16 : index
        %get3A_572 = tpu.vector_load %get3A_569[%get3A_570, %get3A_571] {strides = array<i32>} : memref<104x32xf32, #tpu.memory_space<vmem>>, vector<1x16xf32>,
        %get3A_573 = vector.shape_cast %get3A_572 : vector<1x16xf32> to vector<16xf32>
        %add3A_574 = arith.addf %add3A_486, %get3A_573 : vector<16xf32>
        scf.yield %add3A_497, %add3A_519, %add3A_541, %add3A_563, %add3A_508, %add3A_530, %add3A_552, %add3A_574 : vector<16xf32>, vector<16xf32>, vector<16xf32>, vector<16xf32>, vector<16xf32>, vector<16xf32>, vector<16xf32>, vector<16xf32>
      }
      %scan3A_200 = arith.constant 13 : i32
      %add3A_201 = arith.addf %scan3A_199#0, %scan3A_199#1 : vector<16xf32>
      %add3A_202 = arith.addf %scan3A_199#2, %scan3A_199#3 : vector<16xf32>
      %add3A_203 = arith.addf %add3A_201, %add3A_202 : vector<16xf32>
      %add3A_204 = arith.addf %scan3A_199#4, %scan3A_199#5 : vector<16xf32>
      %add3A_205 = arith.addf %scan3A_199#6, %scan3A_199#7 : vector<16xf32>
      %add3A_206 = arith.addf %add3A_204, %add3A_205 : vector<16xf32>
      %broadcast_in_dim3A_207 = arith.constant 0.000000e+00 : f32
      %broadcast_in_dim3A_208 = vector.broadcast %broadcast_in_dim3A_207 : f32 to vector<16xf32>
      %scan3A_209 = arith.constant 1 : i32
      %scan3A_210 = arith.constant 0 : i32
      %scan3A_211 = arith.constant 12 : i32
      %scan3A_212 = arith.addi %scan3A_210, %scan3A_211 : i32
      %scan3A_213 = arith.constant 1 : i32
      %scan3A_214:8 = scf.for %scan3A_389 = %scan3A_210 to %scan3A_212 step %scan3A_213 iter_args(%scan3A_390 = %add3A_203, %scan3A_391 = %broadcast_in_dim3A_208, %scan3A_392 = %broadcast_in_dim3A_208, %scan3A_393 = %broadcast_in_dim3A_208, %scan3A_394 = %add3A_206, %scan3A_395 = %broadcast_in_dim3A_208, %scan3A_396 = %broadcast_in_dim3A_208, %scan3A_397 = %broadcast_in_dim3A_208) -> (vector<16xf32>, vector<16xf32>, vector<16xf32>, vector<16xf32>, vector<16xf32>, vector<16xf32>, vector<16xf32>, vector<16xf32>)  : i32 {
        %mul3A_398 = arith.constant 8 : i32
        %mul3A_399 = arith.muli %scan3A_389, %mul3A_398 : i32
        %multiple_of3A = tpu.assume_multiple %mul3A_399, 8 : i32
        %add3A_400 = arith.constant 0 : i32
        %add3A_401 = arith.addi %multiple_of3A, %add3A_400 : i32
        %get3A = arith.constant 0 : i32
        %get3A_402 = arith.constant 0 : i32
        %get3A_403 = tpu.memref_slice %arg7[%scan3A_209, %get3A, %get3A_402] : memref<4x96x32xf32, #tpu.memory_space<vmem>> -> memref<1x96x32xf32, #tpu.memory_space<vmem>>
        %get3A_404 = tpu.memref_squeeze %get3A_403 : memref<1x96x32xf32, #tpu.memory_space<vmem>> -> memref<96x32xf32, #tpu.memory_space<vmem>>
        %get3A_405 = arith.index_cast %add3A_401 : i32 to index
        %get3A_406 = arith.constant 0 : index
        %get3A_407 = tpu.vector_load %get3A_404[%get3A_405, %get3A_406] {strides = array<i32>} : memref<96x32xf32, #tpu.memory_space<vmem>>, vector<1x16xf32>,
        %get3A_408 = vector.shape_cast %get3A_407 : vector<1x16xf32> to vector<16xf32>
        %add3A_409 = arith.addf %scan3A_390, %get3A_408 : vector<16xf32>
        %add3A_410 = arith.constant 0 : i32
        %add3A_411 = arith.addi %multiple_of3A, %add3A_410 : i32
        %get3A_412 = arith.constant 0 : i32
        %get3A_413 = arith.constant 0 : i32
        %get3A_414 = tpu.memref_slice %arg7[%scan3A_209, %get3A_412, %get3A_413] : memref<4x96x32xf32, #tpu.memory_space<vmem>> -> memref<1x96x32xf32, #tpu.memory_space<vmem>>
        %get3A_415 = tpu.memref_squeeze %get3A_414 : memref<1x96x32xf32, #tpu.memory_space<vmem>> -> memref<96x32xf32, #tpu.memory_space<vmem>>
        %get3A_416 = arith.index_cast %add3A_411 : i32 to index
        %get3A_417 = arith.constant 16 : index
        %get3A_418 = tpu.vector_load %get3A_415[%get3A_416, %get3A_417] {strides = array<i32>} : memref<96x32xf32, #tpu.memory_space<vmem>>, vector<1x16xf32>,
        %get3A_419 = vector.shape_cast %get3A_418 : vector<1x16xf32> to vector<16xf32>
        %add3A_420 = arith.addf %scan3A_394, %get3A_419 : vector<16xf32>
        %add3A_421 = arith.constant 1 : i32
        %add3A_422 = arith.addi %multiple_of3A, %add3A_421 : i32
        %get3A_423 = arith.constant 0 : i32
        %get3A_424 = arith.constant 0 : i32
        %get3A_425 = tpu.memref_slice %arg7[%scan3A_209, %get3A_423, %get3A_424] : memref<4x96x32xf32, #tpu.memory_space<vmem>> -> memref<1x96x32xf32, #tpu.memory_space<vmem>>
        %get3A_426 = tpu.memref_squeeze %get3A_425 : memref<1x96x32xf32, #tpu.memory_space<vmem>> -> memref<96x32xf32, #tpu.memory_space<vmem>>
        %get3A_427 = arith.index_cast %add3A_422 : i32 to index
        %get3A_428 = arith.constant 0 : index
        %get3A_429 = tpu.vector_load %get3A_426[%get3A_427, %get3A_428] {strides = array<i32>} : memref<96x32xf32, #tpu.memory_space<vmem>>, vector<1x16xf32>,
        %get3A_430 = vector.shape_cast %get3A_429 : vector<1x16xf32> to vector<16xf32>
        %add3A_431 = arith.addf %scan3A_391, %get3A_430 : vector<16xf32>
        %add3A_432 = arith.constant 1 : i32
        %add3A_433 = arith.addi %multiple_of3A, %add3A_432 : i32
        %get3A_434 = arith.constant 0 : i32
        %get3A_435 = arith.constant 0 : i32
        %get3A_436 = tpu.memref_slice %arg7[%scan3A_209, %get3A_434, %get3A_435] : memref<4x96x32xf32, #tpu.memory_space<vmem>> -> memref<1x96x32xf32, #tpu.memory_space<vmem>>
        %get3A_437 = tpu.memref_squeeze %get3A_436 : memref<1x96x32xf32, #tpu.memory_space<vmem>> -> memref<96x32xf32, #tpu.memory_space<vmem>>
        %get3A_438 = arith.index_cast %add3A_433 : i32 to index
        %get3A_439 = arith.constant 16 : index
        %get3A_440 = tpu.vector_load %get3A_437[%get3A_438, %get3A_439] {strides = array<i32>} : memref<96x32xf32, #tpu.memory_space<vmem>>, vector<1x16xf32>,
        %get3A_441 = vector.shape_cast %get3A_440 : vector<1x16xf32> to vector<16xf32>
        %add3A_442 = arith.addf %scan3A_395, %get3A_441 : vector<16xf32>
        %add3A_443 = arith.constant 2 : i32
        %add3A_444 = arith.addi %multiple_of3A, %add3A_443 : i32
        %get3A_445 = arith.constant 0 : i32
        %get3A_446 = arith.constant 0 : i32
        %get3A_447 = tpu.memref_slice %arg7[%scan3A_209, %get3A_445, %get3A_446] : memref<4x96x32xf32, #tpu.memory_space<vmem>> -> memref<1x96x32xf32, #tpu.memory_space<vmem>>
        %get3A_448 = tpu.memref_squeeze %get3A_447 : memref<1x96x32xf32, #tpu.memory_space<vmem>> -> memref<96x32xf32, #tpu.memory_space<vmem>>
        %get3A_449 = arith.index_cast %add3A_444 : i32 to index
        %get3A_450 = arith.constant 0 : index
        %get3A_451 = tpu.vector_load %get3A_448[%get3A_449, %get3A_450] {strides = array<i32>} : memref<96x32xf32, #tpu.memory_space<vmem>>, vector<1x16xf32>,
        %get3A_452 = vector.shape_cast %get3A_451 : vector<1x16xf32> to vector<16xf32>
        %add3A_453 = arith.addf %scan3A_392, %get3A_452 : vector<16xf32>
        %add3A_454 = arith.constant 2 : i32
        %add3A_455 = arith.addi %multiple_of3A, %add3A_454 : i32
        %get3A_456 = arith.constant 0 : i32
        %get3A_457 = arith.constant 0 : i32
        %get3A_458 = tpu.memref_slice %arg7[%scan3A_209, %get3A_456, %get3A_457] : memref<4x96x32xf32, #tpu.memory_space<vmem>> -> memref<1x96x32xf32, #tpu.memory_space<vmem>>
        %get3A_459 = tpu.memref_squeeze %get3A_458 : memref<1x96x32xf32, #tpu.memory_space<vmem>> -> memref<96x32xf32, #tpu.memory_space<vmem>>
        %get3A_460 = arith.index_cast %add3A_455 : i32 to index
        %get3A_461 = arith.constant 16 : index
        %get3A_462 = tpu.vector_load %get3A_459[%get3A_460, %get3A_461] {strides = array<i32>} : memref<96x32xf32, #tpu.memory_space<vmem>>, vector<1x16xf32>,
        %get3A_463 = vector.shape_cast %get3A_462 : vector<1x16xf32> to vector<16xf32>
        %add3A_464 = arith.addf %scan3A_396, %get3A_463 : vector<16xf32>
        %add3A_465 = arith.constant 3 : i32
        %add3A_466 = arith.addi %multiple_of3A, %add3A_465 : i32
        %get3A_467 = arith.constant 0 : i32
        %get3A_468 = arith.constant 0 : i32
        %get3A_469 = tpu.memref_slice %arg7[%scan3A_209, %get3A_467, %get3A_468] : memref<4x96x32xf32, #tpu.memory_space<vmem>> -> memref<1x96x32xf32, #tpu.memory_space<vmem>>
        %get3A_470 = tpu.memref_squeeze %get3A_469 : memref<1x96x32xf32, #tpu.memory_space<vmem>> -> memref<96x32xf32, #tpu.memory_space<vmem>>
        %get3A_471 = arith.index_cast %add3A_466 : i32 to index
        %get3A_472 = arith.constant 0 : index
        %get3A_473 = tpu.vector_load %get3A_470[%get3A_471, %get3A_472] {strides = array<i32>} : memref<96x32xf32, #tpu.memory_space<vmem>>, vector<1x16xf32>,
        %get3A_474 = vector.shape_cast %get3A_473 : vector<1x16xf32> to vector<16xf32>
        %add3A_475 = arith.addf %scan3A_393, %get3A_474 : vector<16xf32>
        %add3A_476 = arith.constant 3 : i32
        %add3A_477 = arith.addi %multiple_of3A, %add3A_476 : i32
        %get3A_478 = arith.constant 0 : i32
        %get3A_479 = arith.constant 0 : i32
        %get3A_480 = tpu.memref_slice %arg7[%scan3A_209, %get3A_478, %get3A_479] : memref<4x96x32xf32, #tpu.memory_space<vmem>> -> memref<1x96x32xf32, #tpu.memory_space<vmem>>
        %get3A_481 = tpu.memref_squeeze %get3A_480 : memref<1x96x32xf32, #tpu.memory_space<vmem>> -> memref<96x32xf32, #tpu.memory_space<vmem>>
        %get3A_482 = arith.index_cast %add3A_477 : i32 to index
        %get3A_483 = arith.constant 16 : index
        %get3A_484 = tpu.vector_load %get3A_481[%get3A_482, %get3A_483] {strides = array<i32>} : memref<96x32xf32, #tpu.memory_space<vmem>>, vector<1x16xf32>,
        %get3A_485 = vector.shape_cast %get3A_484 : vector<1x16xf32> to vector<16xf32>
        %add3A_486 = arith.addf %scan3A_397, %get3A_485 : vector<16xf32>
        %add3A_487 = arith.constant 4 : i32
        %add3A_488 = arith.addi %multiple_of3A, %add3A_487 : i32
        %get3A_489 = arith.constant 0 : i32
        %get3A_490 = arith.constant 0 : i32
        %get3A_491 = tpu.memref_slice %arg7[%scan3A_209, %get3A_489, %get3A_490] : memref<4x96x32xf32, #tpu.memory_space<vmem>> -> memref<1x96x32xf32, #tpu.memory_space<vmem>>
        %get3A_492 = tpu.memref_squeeze %get3A_491 : memref<1x96x32xf32, #tpu.memory_space<vmem>> -> memref<96x32xf32, #tpu.memory_space<vmem>>
        %get3A_493 = arith.index_cast %add3A_488 : i32 to index
        %get3A_494 = arith.constant 0 : index
        %get3A_495 = tpu.vector_load %get3A_492[%get3A_493, %get3A_494] {strides = array<i32>} : memref<96x32xf32, #tpu.memory_space<vmem>>, vector<1x16xf32>,
        %get3A_496 = vector.shape_cast %get3A_495 : vector<1x16xf32> to vector<16xf32>
        %add3A_497 = arith.addf %add3A_409, %get3A_496 : vector<16xf32>
        %add3A_498 = arith.constant 4 : i32
        %add3A_499 = arith.addi %multiple_of3A, %add3A_498 : i32
        %get3A_500 = arith.constant 0 : i32
        %get3A_501 = arith.constant 0 : i32
        %get3A_502 = tpu.memref_slice %arg7[%scan3A_209, %get3A_500, %get3A_501] : memref<4x96x32xf32, #tpu.memory_space<vmem>> -> memref<1x96x32xf32, #tpu.memory_space<vmem>>
        %get3A_503 = tpu.memref_squeeze %get3A_502 : memref<1x96x32xf32, #tpu.memory_space<vmem>> -> memref<96x32xf32, #tpu.memory_space<vmem>>
        %get3A_504 = arith.index_cast %add3A_499 : i32 to index
        %get3A_505 = arith.constant 16 : index
        %get3A_506 = tpu.vector_load %get3A_503[%get3A_504, %get3A_505] {strides = array<i32>} : memref<96x32xf32, #tpu.memory_space<vmem>>, vector<1x16xf32>,
        %get3A_507 = vector.shape_cast %get3A_506 : vector<1x16xf32> to vector<16xf32>
        %add3A_508 = arith.addf %add3A_420, %get3A_507 : vector<16xf32>
        %add3A_509 = arith.constant 5 : i32
        %add3A_510 = arith.addi %multiple_of3A, %add3A_509 : i32
        %get3A_511 = arith.constant 0 : i32
        %get3A_512 = arith.constant 0 : i32
        %get3A_513 = tpu.memref_slice %arg7[%scan3A_209, %get3A_511, %get3A_512] : memref<4x96x32xf32, #tpu.memory_space<vmem>> -> memref<1x96x32xf32, #tpu.memory_space<vmem>>
        %get3A_514 = tpu.memref_squeeze %get3A_513 : memref<1x96x32xf32, #tpu.memory_space<vmem>> -> memref<96x32xf32, #tpu.memory_space<vmem>>
        %get3A_515 = arith.index_cast %add3A_510 : i32 to index
        %get3A_516 = arith.constant 0 : index
        %get3A_517 = tpu.vector_load %get3A_514[%get3A_515, %get3A_516] {strides = array<i32>} : memref<96x32xf32, #tpu.memory_space<vmem>>, vector<1x16xf32>,
        %get3A_518 = vector.shape_cast %get3A_517 : vector<1x16xf32> to vector<16xf32>
        %add3A_519 = arith.addf %add3A_431, %get3A_518 : vector<16xf32>
        %add3A_520 = arith.constant 5 : i32
        %add3A_521 = arith.addi %multiple_of3A, %add3A_520 : i32
        %get3A_522 = arith.constant 0 : i32
        %get3A_523 = arith.constant 0 : i32
        %get3A_524 = tpu.memref_slice %arg7[%scan3A_209, %get3A_522, %get3A_523] : memref<4x96x32xf32, #tpu.memory_space<vmem>> -> memref<1x96x32xf32, #tpu.memory_space<vmem>>
        %get3A_525 = tpu.memref_squeeze %get3A_524 : memref<1x96x32xf32, #tpu.memory_space<vmem>> -> memref<96x32xf32, #tpu.memory_space<vmem>>
        %get3A_526 = arith.index_cast %add3A_521 : i32 to index
        %get3A_527 = arith.constant 16 : index
        %get3A_528 = tpu.vector_load %get3A_525[%get3A_526, %get3A_527] {strides = array<i32>} : memref<96x32xf32, #tpu.memory_space<vmem>>, vector<1x16xf32>,
        %get3A_529 = vector.shape_cast %get3A_528 : vector<1x16xf32> to vector<16xf32>
        %add3A_530 = arith.addf %add3A_442, %get3A_529 : vector<16xf32>
        %add3A_531 = arith.constant 6 : i32
        %add3A_532 = arith.addi %multiple_of3A, %add3A_531 : i32
        %get3A_533 = arith.constant 0 : i32
        %get3A_534 = arith.constant 0 : i32
        %get3A_535 = tpu.memref_slice %arg7[%scan3A_209, %get3A_533, %get3A_534] : memref<4x96x32xf32, #tpu.memory_space<vmem>> -> memref<1x96x32xf32, #tpu.memory_space<vmem>>
        %get3A_536 = tpu.memref_squeeze %get3A_535 : memref<1x96x32xf32, #tpu.memory_space<vmem>> -> memref<96x32xf32, #tpu.memory_space<vmem>>
        %get3A_537 = arith.index_cast %add3A_532 : i32 to index
        %get3A_538 = arith.constant 0 : index
        %get3A_539 = tpu.vector_load %get3A_536[%get3A_537, %get3A_538] {strides = array<i32>} : memref<96x32xf32, #tpu.memory_space<vmem>>, vector<1x16xf32>,
        %get3A_540 = vector.shape_cast %get3A_539 : vector<1x16xf32> to vector<16xf32>
        %add3A_541 = arith.addf %add3A_453, %get3A_540 : vector<16xf32>
        %add3A_542 = arith.constant 6 : i32
        %add3A_543 = arith.addi %multiple_of3A, %add3A_542 : i32
        %get3A_544 = arith.constant 0 : i32
        %get3A_545 = arith.constant 0 : i32
        %get3A_546 = tpu.memref_slice %arg7[%scan3A_209, %get3A_544, %get3A_545] : memref<4x96x32xf32, #tpu.memory_space<vmem>> -> memref<1x96x32xf32, #tpu.memory_space<vmem>>
        %get3A_547 = tpu.memref_squeeze %get3A_546 : memref<1x96x32xf32, #tpu.memory_space<vmem>> -> memref<96x32xf32, #tpu.memory_space<vmem>>
        %get3A_548 = arith.index_cast %add3A_543 : i32 to index
        %get3A_549 = arith.constant 16 : index
        %get3A_550 = tpu.vector_load %get3A_547[%get3A_548, %get3A_549] {strides = array<i32>} : memref<96x32xf32, #tpu.memory_space<vmem>>, vector<1x16xf32>,
        %get3A_551 = vector.shape_cast %get3A_550 : vector<1x16xf32> to vector<16xf32>
        %add3A_552 = arith.addf %add3A_464, %get3A_551 : vector<16xf32>
        %add3A_553 = arith.constant 7 : i32
        %add3A_554 = arith.addi %multiple_of3A, %add3A_553 : i32
        %get3A_555 = arith.constant 0 : i32
        %get3A_556 = arith.constant 0 : i32
        %get3A_557 = tpu.memref_slice %arg7[%scan3A_209, %get3A_555, %get3A_556] : memref<4x96x32xf32, #tpu.memory_space<vmem>> -> memref<1x96x32xf32, #tpu.memory_space<vmem>>
        %get3A_558 = tpu.memref_squeeze %get3A_557 : memref<1x96x32xf32, #tpu.memory_space<vmem>> -> memref<96x32xf32, #tpu.memory_space<vmem>>
        %get3A_559 = arith.index_cast %add3A_554 : i32 to index
        %get3A_560 = arith.constant 0 : index
        %get3A_561 = tpu.vector_load %get3A_558[%get3A_559, %get3A_560] {strides = array<i32>} : memref<96x32xf32, #tpu.memory_space<vmem>>, vector<1x16xf32>,
        %get3A_562 = vector.shape_cast %get3A_561 : vector<1x16xf32> to vector<16xf32>
        %add3A_563 = arith.addf %add3A_475, %get3A_562 : vector<16xf32>
        %add3A_564 = arith.constant 7 : i32
        %add3A_565 = arith.addi %multiple_of3A, %add3A_564 : i32
        %get3A_566 = arith.constant 0 : i32
        %get3A_567 = arith.constant 0 : i32
        %get3A_568 = tpu.memref_slice %arg7[%scan3A_209, %get3A_566, %get3A_567] : memref<4x96x32xf32, #tpu.memory_space<vmem>> -> memref<1x96x32xf32, #tpu.memory_space<vmem>>
        %get3A_569 = tpu.memref_squeeze %get3A_568 : memref<1x96x32xf32, #tpu.memory_space<vmem>> -> memref<96x32xf32, #tpu.memory_space<vmem>>
        %get3A_570 = arith.index_cast %add3A_565 : i32 to index
        %get3A_571 = arith.constant 16 : index
        %get3A_572 = tpu.vector_load %get3A_569[%get3A_570, %get3A_571] {strides = array<i32>} : memref<96x32xf32, #tpu.memory_space<vmem>>, vector<1x16xf32>,
        %get3A_573 = vector.shape_cast %get3A_572 : vector<1x16xf32> to vector<16xf32>
        %add3A_574 = arith.addf %add3A_486, %get3A_573 : vector<16xf32>
        scf.yield %add3A_497, %add3A_519, %add3A_541, %add3A_563, %add3A_508, %add3A_530, %add3A_552, %add3A_574 : vector<16xf32>, vector<16xf32>, vector<16xf32>, vector<16xf32>, vector<16xf32>, vector<16xf32>, vector<16xf32>, vector<16xf32>
      }
      %scan3A_215 = arith.constant 12 : i32
      %add3A_216 = arith.addf %scan3A_214#0, %scan3A_214#1 : vector<16xf32>
      %add3A_217 = arith.addf %scan3A_214#2, %scan3A_214#3 : vector<16xf32>
      %add3A_218 = arith.addf %add3A_216, %add3A_217 : vector<16xf32>
      %add3A_219 = arith.addf %scan3A_214#4, %scan3A_214#5 : vector<16xf32>
      %add3A_220 = arith.addf %scan3A_214#6, %scan3A_214#7 : vector<16xf32>
      %add3A_221 = arith.addf %add3A_219, %add3A_220 : vector<16xf32>
      %swap3A_222 = arith.index_cast %add3A_165 : i32 to index
      %swap3A_223 = arith.constant 0 : index
      %swap3A_224 = tpu.vector_load %arg8[%swap3A_222, %swap3A_223] {strides = array<i32>} : memref<128x32xf32, #tpu.memory_space<vmem>>, vector<1x16xf32>,
      %swap3A_225 = vector.shape_cast %swap3A_224 : vector<1x16xf32> to vector<16xf32>
      %swap3A_226 = vector.shape_cast %add3A_218 : vector<16xf32> to vector<1x16xf32>
      tpu.vector_store %arg8[%swap3A_222, %swap3A_223], %swap3A_226 {strides = array<i32>} : memref<128x32xf32, #tpu.memory_space<vmem>>, vector<1x16xf32>,
      %swap3A_227 = arith.index_cast %add3A_165 : i32 to index
      %swap3A_228 = arith.constant 16 : index
      %swap3A_229 = tpu.vector_load %arg8[%swap3A_227, %swap3A_228] {strides = array<i32>} : memref<128x32xf32, #tpu.memory_space<vmem>>, vector<1x16xf32>,
      %swap3A_230 = vector.shape_cast %swap3A_229 : vector<1x16xf32> to vector<16xf32>
      %swap3A_231 = vector.shape_cast %add3A_221 : vector<16xf32> to vector<1x16xf32>
      tpu.vector_store %arg8[%swap3A_227, %swap3A_228], %swap3A_231 {strides = array<i32>} : memref<128x32xf32, #tpu.memory_space<vmem>>, vector<1x16xf32>,
      %add3A_232 = arith.constant 4 : i32
      %add3A_233 = arith.addi %add3A_165, %add3A_232 : i32
      %lt3A_234 = arith.constant 128 : i32
      %lt3A_235 = arith.cmpi slt, %add3A_233, %lt3A_234 : i32
      %convert_element_type3A_236 = arith.extui %lt3A_235 : i1 to i32
      %cond3A_237 = arith.constant 0 : i32
      %cond3A_238 = arith.cmpi ne, %convert_element_type3A_236, %cond3A_237 : i32
      scf.if %cond3A_238 {
        %add3A_389 = arith.constant 4 : i32
        %add3A_390 = arith.addi %add3A_165, %add3A_389 : i32
        %mul3A_391 = arith.constant 200 : i32
        %mul3A_392 = arith.muli %add3A_390, %mul3A_391 : i32
        %dma_start3A_393 = arith.constant 1 : i32
        %dma_start3A_394 = arith.constant 0 : i32
        %dma_start3A_395 = arith.constant 0 : i32
        %dma_start3A_396 = tpu.memref_slice %arg6[%dma_start3A_393, %dma_start3A_394, %dma_start3A_395] : memref<4x104x32xf32, #tpu.memory_space<vmem>> -> memref<1x104x32xf32, #tpu.memory_space<vmem>>
        %dma_start3A_397 = tpu.memref_squeeze %dma_start3A_396 : memref<1x104x32xf32, #tpu.memory_space<vmem>> -> memref<104x32xf32, #tpu.memory_space<vmem>>
        %dma_start3A_398 = tpu.memref_slice %arg5[%mul3A_392] : memref<25600xi32, #tpu.memory_space<vmem>> -> memref<104xi32, #tpu.memory_space<vmem>>
        %dma_start3A_399 = arith.constant 0 : i32
        %dma_start3A_400 = arith.constant 0 : i32
        %dma_start3A_401 = tpu.memref_slice %arg3[%dma_start3A_399, %dma_start3A_400] : memref<1000000x32xf32, #tpu.memory_space<hbm>> -> memref<1000000x32xf32, #tpu.memory_space<hbm>>
        tpu.enqueue_indirect_dma source(%dma_start3A_401 : memref<1000000x32xf32, #tpu.memory_space<hbm>>) target(%dma_start3A_397 : memref<104x32xf32, #tpu.memory_space<vmem>>) offsets(%dma_start3A_398 : memref<104xi32, #tpu.memory_space<vmem>>) semaphore(%arg10 : memref<!tpu.dma_semaphore, #tpu.memory_space<semaphore_mem>>)
        %mul3A_402 = arith.constant 200 : i32
        %mul3A_403 = arith.muli %add3A_390, %mul3A_402 : i32
        %add3A_404 = arith.constant 104 : i32
        %add3A_405 = arith.addi %mul3A_403, %add3A_404 : i32
        %dma_start3A_406 = arith.constant 1 : i32
        %dma_start3A_407 = arith.constant 0 : i32
        %dma_start3A_408 = arith.constant 0 : i32
        %dma_start3A_409 = tpu.memref_slice %arg7[%dma_start3A_406, %dma_start3A_407, %dma_start3A_408] : memref<4x96x32xf32, #tpu.memory_space<vmem>> -> memref<1x96x32xf32, #tpu.memory_space<vmem>>
        %dma_start3A_410 = tpu.memref_squeeze %dma_start3A_409 : memref<1x96x32xf32, #tpu.memory_space<vmem>> -> memref<96x32xf32, #tpu.memory_space<vmem>>
        %dma_start3A_411 = tpu.memref_slice %arg5[%add3A_405] : memref<25600xi32, #tpu.memory_space<vmem>> -> memref<96xi32, #tpu.memory_space<vmem>>
        %dma_start3A_412 = arith.constant 0 : i32
        %dma_start3A_413 = arith.constant 0 : i32
        %dma_start3A_414 = tpu.memref_slice %arg3[%dma_start3A_412, %dma_start3A_413] : memref<1000000x32xf32, #tpu.memory_space<hbm>> -> memref<1000000x32xf32, #tpu.memory_space<hbm>>
        tpu.enqueue_indirect_dma source(%dma_start3A_414 : memref<1000000x32xf32, #tpu.memory_space<hbm>>) target(%dma_start3A_410 : memref<96x32xf32, #tpu.memory_space<vmem>>) offsets(%dma_start3A_411 : memref<96xi32, #tpu.memory_space<vmem>>) semaphore(%arg10 : memref<!tpu.dma_semaphore, #tpu.memory_space<semaphore_mem>>)
      } else {
      }
      %add3A_239 = arith.constant 2 : i32
      %add3A_240 = arith.addi %add3A_94, %add3A_239 : i32
      %mul3A_241 = arith.constant 200 : i32
      %mul3A_242 = arith.muli %add3A_240, %mul3A_241 : i32
      %dma_wait3A_243 = arith.constant 2 : i32
      %dma_wait3A_244 = arith.constant 0 : i32
      %dma_wait3A_245 = arith.constant 0 : i32
      %dma_wait3A_246 = tpu.memref_slice %arg6[%dma_wait3A_243, %dma_wait3A_244, %dma_wait3A_245] : memref<4x104x32xf32, #tpu.memory_space<vmem>> -> memref<1x104x32xf32, #tpu.memory_space<vmem>>
      %dma_wait3A_247 = tpu.memref_squeeze %dma_wait3A_246 : memref<1x104x32xf32, #tpu.memory_space<vmem>> -> memref<104x32xf32, #tpu.memory_space<vmem>>
      %dma_wait3A_248 = tpu.memref_slice %arg5[%mul3A_242] : memref<25600xi32, #tpu.memory_space<vmem>> -> memref<104xi32, #tpu.memory_space<vmem>>
      %dma_wait3A_249 = arith.constant 0 : i32
      %dma_wait3A_250 = arith.constant 0 : i32
      %dma_wait3A_251 = tpu.memref_slice %arg3[%dma_wait3A_249, %dma_wait3A_250] : memref<1000000x32xf32, #tpu.memory_space<hbm>> -> memref<1000000x32xf32, #tpu.memory_space<hbm>>
      tpu.wait_indirect_dma semaphore(%arg11 : memref<!tpu.dma_semaphore, #tpu.memory_space<semaphore_mem>>) src(%dma_wait3A_251 : memref<1000000x32xf32, #tpu.memory_space<hbm>>) dst(%dma_wait3A_247 : memref<104x32xf32, #tpu.memory_space<vmem>>)
      %mul3A_252 = arith.constant 200 : i32
      %mul3A_253 = arith.muli %add3A_240, %mul3A_252 : i32
      %add3A_254 = arith.constant 104 : i32
      %add3A_255 = arith.addi %mul3A_253, %add3A_254 : i32
      %dma_wait3A_256 = arith.constant 2 : i32
      %dma_wait3A_257 = arith.constant 0 : i32
      %dma_wait3A_258 = arith.constant 0 : i32
      %dma_wait3A_259 = tpu.memref_slice %arg7[%dma_wait3A_256, %dma_wait3A_257, %dma_wait3A_258] : memref<4x96x32xf32, #tpu.memory_space<vmem>> -> memref<1x96x32xf32, #tpu.memory_space<vmem>>
      %dma_wait3A_260 = tpu.memref_squeeze %dma_wait3A_259 : memref<1x96x32xf32, #tpu.memory_space<vmem>> -> memref<96x32xf32, #tpu.memory_space<vmem>>
      %dma_wait3A_261 = tpu.memref_slice %arg5[%add3A_255] : memref<25600xi32, #tpu.memory_space<vmem>> -> memref<96xi32, #tpu.memory_space<vmem>>
      %dma_wait3A_262 = arith.constant 0 : i32
      %dma_wait3A_263 = arith.constant 0 : i32
      %dma_wait3A_264 = tpu.memref_slice %arg3[%dma_wait3A_262, %dma_wait3A_263] : memref<1000000x32xf32, #tpu.memory_space<hbm>> -> memref<1000000x32xf32, #tpu.memory_space<hbm>>
      tpu.wait_indirect_dma semaphore(%arg11 : memref<!tpu.dma_semaphore, #tpu.memory_space<semaphore_mem>>) src(%dma_wait3A_264 : memref<1000000x32xf32, #tpu.memory_space<hbm>>) dst(%dma_wait3A_260 : memref<96x32xf32, #tpu.memory_space<vmem>>)
      %broadcast_in_dim3A_265 = arith.constant 0.000000e+00 : f32
      %broadcast_in_dim3A_266 = vector.broadcast %broadcast_in_dim3A_265 : f32 to vector<16xf32>
      %broadcast_in_dim3A_267 = arith.constant 0.000000e+00 : f32
      %broadcast_in_dim3A_268 = vector.broadcast %broadcast_in_dim3A_267 : f32 to vector<16xf32>
      %scan3A_269 = arith.constant 2 : i32
      %scan3A_270 = arith.constant 0 : i32
      %scan3A_271 = arith.constant 13 : i32
      %scan3A_272 = arith.addi %scan3A_270, %scan3A_271 : i32
      %scan3A_273 = arith.constant 1 : i32
      %scan3A_274:8 = scf.for %scan3A_389 = %scan3A_270 to %scan3A_272 step %scan3A_273 iter_args(%scan3A_390 = %broadcast_in_dim3A_266, %scan3A_391 = %broadcast_in_dim3A_268, %scan3A_392 = %broadcast_in_dim3A_268, %scan3A_393 = %broadcast_in_dim3A_268, %scan3A_394 = %broadcast_in_dim3A_266, %scan3A_395 = %broadcast_in_dim3A_268, %scan3A_396 = %broadcast_in_dim3A_268, %scan3A_397 = %broadcast_in_dim3A_268) -> (vector<16xf32>, vector<16xf32>, vector<16xf32>, vector<16xf32>, vector<16xf32>, vector<16xf32>, vector<16xf32>, vector<16xf32>)  : i32 {
        %mul3A_398 = arith.constant 8 : i32
        %mul3A_399 = arith.muli %scan3A_389, %mul3A_398 : i32
        %multiple_of3A = tpu.assume_multiple %mul3A_399, 8 : i32
        %add3A_400 = arith.constant 0 : i32
        %add3A_401 = arith.addi %multiple_of3A, %add3A_400 : i32
        %get3A = arith.constant 0 : i32
        %get3A_402 = arith.constant 0 : i32
        %get3A_403 = tpu.memref_slice %arg6[%scan3A_269, %get3A, %get3A_402] : memref<4x104x32xf32, #tpu.memory_space<vmem>> -> memref<1x104x32xf32, #tpu.memory_space<vmem>>
        %get3A_404 = tpu.memref_squeeze %get3A_403 : memref<1x104x32xf32, #tpu.memory_space<vmem>> -> memref<104x32xf32, #tpu.memory_space<vmem>>
        %get3A_405 = arith.index_cast %add3A_401 : i32 to index
        %get3A_406 = arith.constant 0 : index
        %get3A_407 = tpu.vector_load %get3A_404[%get3A_405, %get3A_406] {strides = array<i32>} : memref<104x32xf32, #tpu.memory_space<vmem>>, vector<1x16xf32>,
        %get3A_408 = vector.shape_cast %get3A_407 : vector<1x16xf32> to vector<16xf32>
        %add3A_409 = arith.addf %scan3A_390, %get3A_408 : vector<16xf32>
        %add3A_410 = arith.constant 0 : i32
        %add3A_411 = arith.addi %multiple_of3A, %add3A_410 : i32
        %get3A_412 = arith.constant 0 : i32
        %get3A_413 = arith.constant 0 : i32
        %get3A_414 = tpu.memref_slice %arg6[%scan3A_269, %get3A_412, %get3A_413] : memref<4x104x32xf32, #tpu.memory_space<vmem>> -> memref<1x104x32xf32, #tpu.memory_space<vmem>>
        %get3A_415 = tpu.memref_squeeze %get3A_414 : memref<1x104x32xf32, #tpu.memory_space<vmem>> -> memref<104x32xf32, #tpu.memory_space<vmem>>
        %get3A_416 = arith.index_cast %add3A_411 : i32 to index
        %get3A_417 = arith.constant 16 : index
        %get3A_418 = tpu.vector_load %get3A_415[%get3A_416, %get3A_417] {strides = array<i32>} : memref<104x32xf32, #tpu.memory_space<vmem>>, vector<1x16xf32>,
        %get3A_419 = vector.shape_cast %get3A_418 : vector<1x16xf32> to vector<16xf32>
        %add3A_420 = arith.addf %scan3A_394, %get3A_419 : vector<16xf32>
        %add3A_421 = arith.constant 1 : i32
        %add3A_422 = arith.addi %multiple_of3A, %add3A_421 : i32
        %get3A_423 = arith.constant 0 : i32
        %get3A_424 = arith.constant 0 : i32
        %get3A_425 = tpu.memref_slice %arg6[%scan3A_269, %get3A_423, %get3A_424] : memref<4x104x32xf32, #tpu.memory_space<vmem>> -> memref<1x104x32xf32, #tpu.memory_space<vmem>>
        %get3A_426 = tpu.memref_squeeze %get3A_425 : memref<1x104x32xf32, #tpu.memory_space<vmem>> -> memref<104x32xf32, #tpu.memory_space<vmem>>
        %get3A_427 = arith.index_cast %add3A_422 : i32 to index
        %get3A_428 = arith.constant 0 : index
        %get3A_429 = tpu.vector_load %get3A_426[%get3A_427, %get3A_428] {strides = array<i32>} : memref<104x32xf32, #tpu.memory_space<vmem>>, vector<1x16xf32>,
        %get3A_430 = vector.shape_cast %get3A_429 : vector<1x16xf32> to vector<16xf32>
        %add3A_431 = arith.addf %scan3A_391, %get3A_430 : vector<16xf32>
        %add3A_432 = arith.constant 1 : i32
        %add3A_433 = arith.addi %multiple_of3A, %add3A_432 : i32
        %get3A_434 = arith.constant 0 : i32
        %get3A_435 = arith.constant 0 : i32
        %get3A_436 = tpu.memref_slice %arg6[%scan3A_269, %get3A_434, %get3A_435] : memref<4x104x32xf32, #tpu.memory_space<vmem>> -> memref<1x104x32xf32, #tpu.memory_space<vmem>>
        %get3A_437 = tpu.memref_squeeze %get3A_436 : memref<1x104x32xf32, #tpu.memory_space<vmem>> -> memref<104x32xf32, #tpu.memory_space<vmem>>
        %get3A_438 = arith.index_cast %add3A_433 : i32 to index
        %get3A_439 = arith.constant 16 : index
        %get3A_440 = tpu.vector_load %get3A_437[%get3A_438, %get3A_439] {strides = array<i32>} : memref<104x32xf32, #tpu.memory_space<vmem>>, vector<1x16xf32>,
        %get3A_441 = vector.shape_cast %get3A_440 : vector<1x16xf32> to vector<16xf32>
        %add3A_442 = arith.addf %scan3A_395, %get3A_441 : vector<16xf32>
        %add3A_443 = arith.constant 2 : i32
        %add3A_444 = arith.addi %multiple_of3A, %add3A_443 : i32
        %get3A_445 = arith.constant 0 : i32
        %get3A_446 = arith.constant 0 : i32
        %get3A_447 = tpu.memref_slice %arg6[%scan3A_269, %get3A_445, %get3A_446] : memref<4x104x32xf32, #tpu.memory_space<vmem>> -> memref<1x104x32xf32, #tpu.memory_space<vmem>>
        %get3A_448 = tpu.memref_squeeze %get3A_447 : memref<1x104x32xf32, #tpu.memory_space<vmem>> -> memref<104x32xf32, #tpu.memory_space<vmem>>
        %get3A_449 = arith.index_cast %add3A_444 : i32 to index
        %get3A_450 = arith.constant 0 : index
        %get3A_451 = tpu.vector_load %get3A_448[%get3A_449, %get3A_450] {strides = array<i32>} : memref<104x32xf32, #tpu.memory_space<vmem>>, vector<1x16xf32>,
        %get3A_452 = vector.shape_cast %get3A_451 : vector<1x16xf32> to vector<16xf32>
        %add3A_453 = arith.addf %scan3A_392, %get3A_452 : vector<16xf32>
        %add3A_454 = arith.constant 2 : i32
        %add3A_455 = arith.addi %multiple_of3A, %add3A_454 : i32
        %get3A_456 = arith.constant 0 : i32
        %get3A_457 = arith.constant 0 : i32
        %get3A_458 = tpu.memref_slice %arg6[%scan3A_269, %get3A_456, %get3A_457] : memref<4x104x32xf32, #tpu.memory_space<vmem>> -> memref<1x104x32xf32, #tpu.memory_space<vmem>>
        %get3A_459 = tpu.memref_squeeze %get3A_458 : memref<1x104x32xf32, #tpu.memory_space<vmem>> -> memref<104x32xf32, #tpu.memory_space<vmem>>
        %get3A_460 = arith.index_cast %add3A_455 : i32 to index
        %get3A_461 = arith.constant 16 : index
        %get3A_462 = tpu.vector_load %get3A_459[%get3A_460, %get3A_461] {strides = array<i32>} : memref<104x32xf32, #tpu.memory_space<vmem>>, vector<1x16xf32>,
        %get3A_463 = vector.shape_cast %get3A_462 : vector<1x16xf32> to vector<16xf32>
        %add3A_464 = arith.addf %scan3A_396, %get3A_463 : vector<16xf32>
        %add3A_465 = arith.constant 3 : i32
        %add3A_466 = arith.addi %multiple_of3A, %add3A_465 : i32
        %get3A_467 = arith.constant 0 : i32
        %get3A_468 = arith.constant 0 : i32
        %get3A_469 = tpu.memref_slice %arg6[%scan3A_269, %get3A_467, %get3A_468] : memref<4x104x32xf32, #tpu.memory_space<vmem>> -> memref<1x104x32xf32, #tpu.memory_space<vmem>>
        %get3A_470 = tpu.memref_squeeze %get3A_469 : memref<1x104x32xf32, #tpu.memory_space<vmem>> -> memref<104x32xf32, #tpu.memory_space<vmem>>
        %get3A_471 = arith.index_cast %add3A_466 : i32 to index
        %get3A_472 = arith.constant 0 : index
        %get3A_473 = tpu.vector_load %get3A_470[%get3A_471, %get3A_472] {strides = array<i32>} : memref<104x32xf32, #tpu.memory_space<vmem>>, vector<1x16xf32>,
        %get3A_474 = vector.shape_cast %get3A_473 : vector<1x16xf32> to vector<16xf32>
        %add3A_475 = arith.addf %scan3A_393, %get3A_474 : vector<16xf32>
        %add3A_476 = arith.constant 3 : i32
        %add3A_477 = arith.addi %multiple_of3A, %add3A_476 : i32
        %get3A_478 = arith.constant 0 : i32
        %get3A_479 = arith.constant 0 : i32
        %get3A_480 = tpu.memref_slice %arg6[%scan3A_269, %get3A_478, %get3A_479] : memref<4x104x32xf32, #tpu.memory_space<vmem>> -> memref<1x104x32xf32, #tpu.memory_space<vmem>>
        %get3A_481 = tpu.memref_squeeze %get3A_480 : memref<1x104x32xf32, #tpu.memory_space<vmem>> -> memref<104x32xf32, #tpu.memory_space<vmem>>
        %get3A_482 = arith.index_cast %add3A_477 : i32 to index
        %get3A_483 = arith.constant 16 : index
        %get3A_484 = tpu.vector_load %get3A_481[%get3A_482, %get3A_483] {strides = array<i32>} : memref<104x32xf32, #tpu.memory_space<vmem>>, vector<1x16xf32>,
        %get3A_485 = vector.shape_cast %get3A_484 : vector<1x16xf32> to vector<16xf32>
        %add3A_486 = arith.addf %scan3A_397, %get3A_485 : vector<16xf32>
        %add3A_487 = arith.constant 4 : i32
        %add3A_488 = arith.addi %multiple_of3A, %add3A_487 : i32
        %get3A_489 = arith.constant 0 : i32
        %get3A_490 = arith.constant 0 : i32
        %get3A_491 = tpu.memref_slice %arg6[%scan3A_269, %get3A_489, %get3A_490] : memref<4x104x32xf32, #tpu.memory_space<vmem>> -> memref<1x104x32xf32, #tpu.memory_space<vmem>>
        %get3A_492 = tpu.memref_squeeze %get3A_491 : memref<1x104x32xf32, #tpu.memory_space<vmem>> -> memref<104x32xf32, #tpu.memory_space<vmem>>
        %get3A_493 = arith.index_cast %add3A_488 : i32 to index
        %get3A_494 = arith.constant 0 : index
        %get3A_495 = tpu.vector_load %get3A_492[%get3A_493, %get3A_494] {strides = array<i32>} : memref<104x32xf32, #tpu.memory_space<vmem>>, vector<1x16xf32>,
        %get3A_496 = vector.shape_cast %get3A_495 : vector<1x16xf32> to vector<16xf32>
        %add3A_497 = arith.addf %add3A_409, %get3A_496 : vector<16xf32>
        %add3A_498 = arith.constant 4 : i32
        %add3A_499 = arith.addi %multiple_of3A, %add3A_498 : i32
        %get3A_500 = arith.constant 0 : i32
        %get3A_501 = arith.constant 0 : i32
        %get3A_502 = tpu.memref_slice %arg6[%scan3A_269, %get3A_500, %get3A_501] : memref<4x104x32xf32, #tpu.memory_space<vmem>> -> memref<1x104x32xf32, #tpu.memory_space<vmem>>
        %get3A_503 = tpu.memref_squeeze %get3A_502 : memref<1x104x32xf32, #tpu.memory_space<vmem>> -> memref<104x32xf32, #tpu.memory_space<vmem>>
        %get3A_504 = arith.index_cast %add3A_499 : i32 to index
        %get3A_505 = arith.constant 16 : index
        %get3A_506 = tpu.vector_load %get3A_503[%get3A_504, %get3A_505] {strides = array<i32>} : memref<104x32xf32, #tpu.memory_space<vmem>>, vector<1x16xf32>,
        %get3A_507 = vector.shape_cast %get3A_506 : vector<1x16xf32> to vector<16xf32>
        %add3A_508 = arith.addf %add3A_420, %get3A_507 : vector<16xf32>
        %add3A_509 = arith.constant 5 : i32
        %add3A_510 = arith.addi %multiple_of3A, %add3A_509 : i32
        %get3A_511 = arith.constant 0 : i32
        %get3A_512 = arith.constant 0 : i32
        %get3A_513 = tpu.memref_slice %arg6[%scan3A_269, %get3A_511, %get3A_512] : memref<4x104x32xf32, #tpu.memory_space<vmem>> -> memref<1x104x32xf32, #tpu.memory_space<vmem>>
        %get3A_514 = tpu.memref_squeeze %get3A_513 : memref<1x104x32xf32, #tpu.memory_space<vmem>> -> memref<104x32xf32, #tpu.memory_space<vmem>>
        %get3A_515 = arith.index_cast %add3A_510 : i32 to index
        %get3A_516 = arith.constant 0 : index
        %get3A_517 = tpu.vector_load %get3A_514[%get3A_515, %get3A_516] {strides = array<i32>} : memref<104x32xf32, #tpu.memory_space<vmem>>, vector<1x16xf32>,
        %get3A_518 = vector.shape_cast %get3A_517 : vector<1x16xf32> to vector<16xf32>
        %add3A_519 = arith.addf %add3A_431, %get3A_518 : vector<16xf32>
        %add3A_520 = arith.constant 5 : i32
        %add3A_521 = arith.addi %multiple_of3A, %add3A_520 : i32
        %get3A_522 = arith.constant 0 : i32
        %get3A_523 = arith.constant 0 : i32
        %get3A_524 = tpu.memref_slice %arg6[%scan3A_269, %get3A_522, %get3A_523] : memref<4x104x32xf32, #tpu.memory_space<vmem>> -> memref<1x104x32xf32, #tpu.memory_space<vmem>>
        %get3A_525 = tpu.memref_squeeze %get3A_524 : memref<1x104x32xf32, #tpu.memory_space<vmem>> -> memref<104x32xf32, #tpu.memory_space<vmem>>
        %get3A_526 = arith.index_cast %add3A_521 : i32 to index
        %get3A_527 = arith.constant 16 : index
        %get3A_528 = tpu.vector_load %get3A_525[%get3A_526, %get3A_527] {strides = array<i32>} : memref<104x32xf32, #tpu.memory_space<vmem>>, vector<1x16xf32>,
        %get3A_529 = vector.shape_cast %get3A_528 : vector<1x16xf32> to vector<16xf32>
        %add3A_530 = arith.addf %add3A_442, %get3A_529 : vector<16xf32>
        %add3A_531 = arith.constant 6 : i32
        %add3A_532 = arith.addi %multiple_of3A, %add3A_531 : i32
        %get3A_533 = arith.constant 0 : i32
        %get3A_534 = arith.constant 0 : i32
        %get3A_535 = tpu.memref_slice %arg6[%scan3A_269, %get3A_533, %get3A_534] : memref<4x104x32xf32, #tpu.memory_space<vmem>> -> memref<1x104x32xf32, #tpu.memory_space<vmem>>
        %get3A_536 = tpu.memref_squeeze %get3A_535 : memref<1x104x32xf32, #tpu.memory_space<vmem>> -> memref<104x32xf32, #tpu.memory_space<vmem>>
        %get3A_537 = arith.index_cast %add3A_532 : i32 to index
        %get3A_538 = arith.constant 0 : index
        %get3A_539 = tpu.vector_load %get3A_536[%get3A_537, %get3A_538] {strides = array<i32>} : memref<104x32xf32, #tpu.memory_space<vmem>>, vector<1x16xf32>,
        %get3A_540 = vector.shape_cast %get3A_539 : vector<1x16xf32> to vector<16xf32>
        %add3A_541 = arith.addf %add3A_453, %get3A_540 : vector<16xf32>
        %add3A_542 = arith.constant 6 : i32
        %add3A_543 = arith.addi %multiple_of3A, %add3A_542 : i32
        %get3A_544 = arith.constant 0 : i32
        %get3A_545 = arith.constant 0 : i32
        %get3A_546 = tpu.memref_slice %arg6[%scan3A_269, %get3A_544, %get3A_545] : memref<4x104x32xf32, #tpu.memory_space<vmem>> -> memref<1x104x32xf32, #tpu.memory_space<vmem>>
        %get3A_547 = tpu.memref_squeeze %get3A_546 : memref<1x104x32xf32, #tpu.memory_space<vmem>> -> memref<104x32xf32, #tpu.memory_space<vmem>>
        %get3A_548 = arith.index_cast %add3A_543 : i32 to index
        %get3A_549 = arith.constant 16 : index
        %get3A_550 = tpu.vector_load %get3A_547[%get3A_548, %get3A_549] {strides = array<i32>} : memref<104x32xf32, #tpu.memory_space<vmem>>, vector<1x16xf32>,
        %get3A_551 = vector.shape_cast %get3A_550 : vector<1x16xf32> to vector<16xf32>
        %add3A_552 = arith.addf %add3A_464, %get3A_551 : vector<16xf32>
        %add3A_553 = arith.constant 7 : i32
        %add3A_554 = arith.addi %multiple_of3A, %add3A_553 : i32
        %get3A_555 = arith.constant 0 : i32
        %get3A_556 = arith.constant 0 : i32
        %get3A_557 = tpu.memref_slice %arg6[%scan3A_269, %get3A_555, %get3A_556] : memref<4x104x32xf32, #tpu.memory_space<vmem>> -> memref<1x104x32xf32, #tpu.memory_space<vmem>>
        %get3A_558 = tpu.memref_squeeze %get3A_557 : memref<1x104x32xf32, #tpu.memory_space<vmem>> -> memref<104x32xf32, #tpu.memory_space<vmem>>
        %get3A_559 = arith.index_cast %add3A_554 : i32 to index
        %get3A_560 = arith.constant 0 : index
        %get3A_561 = tpu.vector_load %get3A_558[%get3A_559, %get3A_560] {strides = array<i32>} : memref<104x32xf32, #tpu.memory_space<vmem>>, vector<1x16xf32>,
        %get3A_562 = vector.shape_cast %get3A_561 : vector<1x16xf32> to vector<16xf32>
        %add3A_563 = arith.addf %add3A_475, %get3A_562 : vector<16xf32>
        %add3A_564 = arith.constant 7 : i32
        %add3A_565 = arith.addi %multiple_of3A, %add3A_564 : i32
        %get3A_566 = arith.constant 0 : i32
        %get3A_567 = arith.constant 0 : i32
        %get3A_568 = tpu.memref_slice %arg6[%scan3A_269, %get3A_566, %get3A_567] : memref<4x104x32xf32, #tpu.memory_space<vmem>> -> memref<1x104x32xf32, #tpu.memory_space<vmem>>
        %get3A_569 = tpu.memref_squeeze %get3A_568 : memref<1x104x32xf32, #tpu.memory_space<vmem>> -> memref<104x32xf32, #tpu.memory_space<vmem>>
        %get3A_570 = arith.index_cast %add3A_565 : i32 to index
        %get3A_571 = arith.constant 16 : index
        %get3A_572 = tpu.vector_load %get3A_569[%get3A_570, %get3A_571] {strides = array<i32>} : memref<104x32xf32, #tpu.memory_space<vmem>>, vector<1x16xf32>,
        %get3A_573 = vector.shape_cast %get3A_572 : vector<1x16xf32> to vector<16xf32>
        %add3A_574 = arith.addf %add3A_486, %get3A_573 : vector<16xf32>
        scf.yield %add3A_497, %add3A_519, %add3A_541, %add3A_563, %add3A_508, %add3A_530, %add3A_552, %add3A_574 : vector<16xf32>, vector<16xf32>, vector<16xf32>, vector<16xf32>, vector<16xf32>, vector<16xf32>, vector<16xf32>, vector<16xf32>
      }
      %scan3A_275 = arith.constant 13 : i32
      %add3A_276 = arith.addf %scan3A_274#0, %scan3A_274#1 : vector<16xf32>
      %add3A_277 = arith.addf %scan3A_274#2, %scan3A_274#3 : vector<16xf32>
      %add3A_278 = arith.addf %add3A_276, %add3A_277 : vector<16xf32>
      %add3A_279 = arith.addf %scan3A_274#4, %scan3A_274#5 : vector<16xf32>
      %add3A_280 = arith.addf %scan3A_274#6, %scan3A_274#7 : vector<16xf32>
      %add3A_281 = arith.addf %add3A_279, %add3A_280 : vector<16xf32>
      %broadcast_in_dim3A_282 = arith.constant 0.000000e+00 : f32
      %broadcast_in_dim3A_283 = vector.broadcast %broadcast_in_dim3A_282 : f32 to vector<16xf32>
      %scan3A_284 = arith.constant 2 : i32
      %scan3A_285 = arith.constant 0 : i32
      %scan3A_286 = arith.constant 12 : i32
      %scan3A_287 = arith.addi %scan3A_285, %scan3A_286 : i32
      %scan3A_288 = arith.constant 1 : i32
      %scan3A_289:8 = scf.for %scan3A_389 = %scan3A_285 to %scan3A_287 step %scan3A_288 iter_args(%scan3A_390 = %add3A_278, %scan3A_391 = %broadcast_in_dim3A_283, %scan3A_392 = %broadcast_in_dim3A_283, %scan3A_393 = %broadcast_in_dim3A_283, %scan3A_394 = %add3A_281, %scan3A_395 = %broadcast_in_dim3A_283, %scan3A_396 = %broadcast_in_dim3A_283, %scan3A_397 = %broadcast_in_dim3A_283) -> (vector<16xf32>, vector<16xf32>, vector<16xf32>, vector<16xf32>, vector<16xf32>, vector<16xf32>, vector<16xf32>, vector<16xf32>)  : i32 {
        %mul3A_398 = arith.constant 8 : i32
        %mul3A_399 = arith.muli %scan3A_389, %mul3A_398 : i32
        %multiple_of3A = tpu.assume_multiple %mul3A_399, 8 : i32
        %add3A_400 = arith.constant 0 : i32
        %add3A_401 = arith.addi %multiple_of3A, %add3A_400 : i32
        %get3A = arith.constant 0 : i32
        %get3A_402 = arith.constant 0 : i32
        %get3A_403 = tpu.memref_slice %arg7[%scan3A_284, %get3A, %get3A_402] : memref<4x96x32xf32, #tpu.memory_space<vmem>> -> memref<1x96x32xf32, #tpu.memory_space<vmem>>
        %get3A_404 = tpu.memref_squeeze %get3A_403 : memref<1x96x32xf32, #tpu.memory_space<vmem>> -> memref<96x32xf32, #tpu.memory_space<vmem>>
        %get3A_405 = arith.index_cast %add3A_401 : i32 to index
        %get3A_406 = arith.constant 0 : index
        %get3A_407 = tpu.vector_load %get3A_404[%get3A_405, %get3A_406] {strides = array<i32>} : memref<96x32xf32, #tpu.memory_space<vmem>>, vector<1x16xf32>,
        %get3A_408 = vector.shape_cast %get3A_407 : vector<1x16xf32> to vector<16xf32>
        %add3A_409 = arith.addf %scan3A_390, %get3A_408 : vector<16xf32>
        %add3A_410 = arith.constant 0 : i32
        %add3A_411 = arith.addi %multiple_of3A, %add3A_410 : i32
        %get3A_412 = arith.constant 0 : i32
        %get3A_413 = arith.constant 0 : i32
        %get3A_414 = tpu.memref_slice %arg7[%scan3A_284, %get3A_412, %get3A_413] : memref<4x96x32xf32, #tpu.memory_space<vmem>> -> memref<1x96x32xf32, #tpu.memory_space<vmem>>
        %get3A_415 = tpu.memref_squeeze %get3A_414 : memref<1x96x32xf32, #tpu.memory_space<vmem>> -> memref<96x32xf32, #tpu.memory_space<vmem>>
        %get3A_416 = arith.index_cast %add3A_411 : i32 to index
        %get3A_417 = arith.constant 16 : index
        %get3A_418 = tpu.vector_load %get3A_415[%get3A_416, %get3A_417] {strides = array<i32>} : memref<96x32xf32, #tpu.memory_space<vmem>>, vector<1x16xf32>,
        %get3A_419 = vector.shape_cast %get3A_418 : vector<1x16xf32> to vector<16xf32>
        %add3A_420 = arith.addf %scan3A_394, %get3A_419 : vector<16xf32>
        %add3A_421 = arith.constant 1 : i32
        %add3A_422 = arith.addi %multiple_of3A, %add3A_421 : i32
        %get3A_423 = arith.constant 0 : i32
        %get3A_424 = arith.constant 0 : i32
        %get3A_425 = tpu.memref_slice %arg7[%scan3A_284, %get3A_423, %get3A_424] : memref<4x96x32xf32, #tpu.memory_space<vmem>> -> memref<1x96x32xf32, #tpu.memory_space<vmem>>
        %get3A_426 = tpu.memref_squeeze %get3A_425 : memref<1x96x32xf32, #tpu.memory_space<vmem>> -> memref<96x32xf32, #tpu.memory_space<vmem>>
        %get3A_427 = arith.index_cast %add3A_422 : i32 to index
        %get3A_428 = arith.constant 0 : index
        %get3A_429 = tpu.vector_load %get3A_426[%get3A_427, %get3A_428] {strides = array<i32>} : memref<96x32xf32, #tpu.memory_space<vmem>>, vector<1x16xf32>,
        %get3A_430 = vector.shape_cast %get3A_429 : vector<1x16xf32> to vector<16xf32>
        %add3A_431 = arith.addf %scan3A_391, %get3A_430 : vector<16xf32>
        %add3A_432 = arith.constant 1 : i32
        %add3A_433 = arith.addi %multiple_of3A, %add3A_432 : i32
        %get3A_434 = arith.constant 0 : i32
        %get3A_435 = arith.constant 0 : i32
        %get3A_436 = tpu.memref_slice %arg7[%scan3A_284, %get3A_434, %get3A_435] : memref<4x96x32xf32, #tpu.memory_space<vmem>> -> memref<1x96x32xf32, #tpu.memory_space<vmem>>
        %get3A_437 = tpu.memref_squeeze %get3A_436 : memref<1x96x32xf32, #tpu.memory_space<vmem>> -> memref<96x32xf32, #tpu.memory_space<vmem>>
        %get3A_438 = arith.index_cast %add3A_433 : i32 to index
        %get3A_439 = arith.constant 16 : index
        %get3A_440 = tpu.vector_load %get3A_437[%get3A_438, %get3A_439] {strides = array<i32>} : memref<96x32xf32, #tpu.memory_space<vmem>>, vector<1x16xf32>,
        %get3A_441 = vector.shape_cast %get3A_440 : vector<1x16xf32> to vector<16xf32>
        %add3A_442 = arith.addf %scan3A_395, %get3A_441 : vector<16xf32>
        %add3A_443 = arith.constant 2 : i32
        %add3A_444 = arith.addi %multiple_of3A, %add3A_443 : i32
        %get3A_445 = arith.constant 0 : i32
        %get3A_446 = arith.constant 0 : i32
        %get3A_447 = tpu.memref_slice %arg7[%scan3A_284, %get3A_445, %get3A_446] : memref<4x96x32xf32, #tpu.memory_space<vmem>> -> memref<1x96x32xf32, #tpu.memory_space<vmem>>
        %get3A_448 = tpu.memref_squeeze %get3A_447 : memref<1x96x32xf32, #tpu.memory_space<vmem>> -> memref<96x32xf32, #tpu.memory_space<vmem>>
        %get3A_449 = arith.index_cast %add3A_444 : i32 to index
        %get3A_450 = arith.constant 0 : index
        %get3A_451 = tpu.vector_load %get3A_448[%get3A_449, %get3A_450] {strides = array<i32>} : memref<96x32xf32, #tpu.memory_space<vmem>>, vector<1x16xf32>,
        %get3A_452 = vector.shape_cast %get3A_451 : vector<1x16xf32> to vector<16xf32>
        %add3A_453 = arith.addf %scan3A_392, %get3A_452 : vector<16xf32>
        %add3A_454 = arith.constant 2 : i32
        %add3A_455 = arith.addi %multiple_of3A, %add3A_454 : i32
        %get3A_456 = arith.constant 0 : i32
        %get3A_457 = arith.constant 0 : i32
        %get3A_458 = tpu.memref_slice %arg7[%scan3A_284, %get3A_456, %get3A_457] : memref<4x96x32xf32, #tpu.memory_space<vmem>> -> memref<1x96x32xf32, #tpu.memory_space<vmem>>
        %get3A_459 = tpu.memref_squeeze %get3A_458 : memref<1x96x32xf32, #tpu.memory_space<vmem>> -> memref<96x32xf32, #tpu.memory_space<vmem>>
        %get3A_460 = arith.index_cast %add3A_455 : i32 to index
        %get3A_461 = arith.constant 16 : index
        %get3A_462 = tpu.vector_load %get3A_459[%get3A_460, %get3A_461] {strides = array<i32>} : memref<96x32xf32, #tpu.memory_space<vmem>>, vector<1x16xf32>,
        %get3A_463 = vector.shape_cast %get3A_462 : vector<1x16xf32> to vector<16xf32>
        %add3A_464 = arith.addf %scan3A_396, %get3A_463 : vector<16xf32>
        %add3A_465 = arith.constant 3 : i32
        %add3A_466 = arith.addi %multiple_of3A, %add3A_465 : i32
        %get3A_467 = arith.constant 0 : i32
        %get3A_468 = arith.constant 0 : i32
        %get3A_469 = tpu.memref_slice %arg7[%scan3A_284, %get3A_467, %get3A_468] : memref<4x96x32xf32, #tpu.memory_space<vmem>> -> memref<1x96x32xf32, #tpu.memory_space<vmem>>
        %get3A_470 = tpu.memref_squeeze %get3A_469 : memref<1x96x32xf32, #tpu.memory_space<vmem>> -> memref<96x32xf32, #tpu.memory_space<vmem>>
        %get3A_471 = arith.index_cast %add3A_466 : i32 to index
        %get3A_472 = arith.constant 0 : index
        %get3A_473 = tpu.vector_load %get3A_470[%get3A_471, %get3A_472] {strides = array<i32>} : memref<96x32xf32, #tpu.memory_space<vmem>>, vector<1x16xf32>,
        %get3A_474 = vector.shape_cast %get3A_473 : vector<1x16xf32> to vector<16xf32>
        %add3A_475 = arith.addf %scan3A_393, %get3A_474 : vector<16xf32>
        %add3A_476 = arith.constant 3 : i32
        %add3A_477 = arith.addi %multiple_of3A, %add3A_476 : i32
        %get3A_478 = arith.constant 0 : i32
        %get3A_479 = arith.constant 0 : i32
        %get3A_480 = tpu.memref_slice %arg7[%scan3A_284, %get3A_478, %get3A_479] : memref<4x96x32xf32, #tpu.memory_space<vmem>> -> memref<1x96x32xf32, #tpu.memory_space<vmem>>
        %get3A_481 = tpu.memref_squeeze %get3A_480 : memref<1x96x32xf32, #tpu.memory_space<vmem>> -> memref<96x32xf32, #tpu.memory_space<vmem>>
        %get3A_482 = arith.index_cast %add3A_477 : i32 to index
        %get3A_483 = arith.constant 16 : index
        %get3A_484 = tpu.vector_load %get3A_481[%get3A_482, %get3A_483] {strides = array<i32>} : memref<96x32xf32, #tpu.memory_space<vmem>>, vector<1x16xf32>,
        %get3A_485 = vector.shape_cast %get3A_484 : vector<1x16xf32> to vector<16xf32>
        %add3A_486 = arith.addf %scan3A_397, %get3A_485 : vector<16xf32>
        %add3A_487 = arith.constant 4 : i32
        %add3A_488 = arith.addi %multiple_of3A, %add3A_487 : i32
        %get3A_489 = arith.constant 0 : i32
        %get3A_490 = arith.constant 0 : i32
        %get3A_491 = tpu.memref_slice %arg7[%scan3A_284, %get3A_489, %get3A_490] : memref<4x96x32xf32, #tpu.memory_space<vmem>> -> memref<1x96x32xf32, #tpu.memory_space<vmem>>
        %get3A_492 = tpu.memref_squeeze %get3A_491 : memref<1x96x32xf32, #tpu.memory_space<vmem>> -> memref<96x32xf32, #tpu.memory_space<vmem>>
        %get3A_493 = arith.index_cast %add3A_488 : i32 to index
        %get3A_494 = arith.constant 0 : index
        %get3A_495 = tpu.vector_load %get3A_492[%get3A_493, %get3A_494] {strides = array<i32>} : memref<96x32xf32, #tpu.memory_space<vmem>>, vector<1x16xf32>,
        %get3A_496 = vector.shape_cast %get3A_495 : vector<1x16xf32> to vector<16xf32>
        %add3A_497 = arith.addf %add3A_409, %get3A_496 : vector<16xf32>
        %add3A_498 = arith.constant 4 : i32
        %add3A_499 = arith.addi %multiple_of3A, %add3A_498 : i32
        %get3A_500 = arith.constant 0 : i32
        %get3A_501 = arith.constant 0 : i32
        %get3A_502 = tpu.memref_slice %arg7[%scan3A_284, %get3A_500, %get3A_501] : memref<4x96x32xf32, #tpu.memory_space<vmem>> -> memref<1x96x32xf32, #tpu.memory_space<vmem>>
        %get3A_503 = tpu.memref_squeeze %get3A_502 : memref<1x96x32xf32, #tpu.memory_space<vmem>> -> memref<96x32xf32, #tpu.memory_space<vmem>>
        %get3A_504 = arith.index_cast %add3A_499 : i32 to index
        %get3A_505 = arith.constant 16 : index
        %get3A_506 = tpu.vector_load %get3A_503[%get3A_504, %get3A_505] {strides = array<i32>} : memref<96x32xf32, #tpu.memory_space<vmem>>, vector<1x16xf32>,
        %get3A_507 = vector.shape_cast %get3A_506 : vector<1x16xf32> to vector<16xf32>
        %add3A_508 = arith.addf %add3A_420, %get3A_507 : vector<16xf32>
        %add3A_509 = arith.constant 5 : i32
        %add3A_510 = arith.addi %multiple_of3A, %add3A_509 : i32
        %get3A_511 = arith.constant 0 : i32
        %get3A_512 = arith.constant 0 : i32
        %get3A_513 = tpu.memref_slice %arg7[%scan3A_284, %get3A_511, %get3A_512] : memref<4x96x32xf32, #tpu.memory_space<vmem>> -> memref<1x96x32xf32, #tpu.memory_space<vmem>>
        %get3A_514 = tpu.memref_squeeze %get3A_513 : memref<1x96x32xf32, #tpu.memory_space<vmem>> -> memref<96x32xf32, #tpu.memory_space<vmem>>
        %get3A_515 = arith.index_cast %add3A_510 : i32 to index
        %get3A_516 = arith.constant 0 : index
        %get3A_517 = tpu.vector_load %get3A_514[%get3A_515, %get3A_516] {strides = array<i32>} : memref<96x32xf32, #tpu.memory_space<vmem>>, vector<1x16xf32>,
        %get3A_518 = vector.shape_cast %get3A_517 : vector<1x16xf32> to vector<16xf32>
        %add3A_519 = arith.addf %add3A_431, %get3A_518 : vector<16xf32>
        %add3A_520 = arith.constant 5 : i32
        %add3A_521 = arith.addi %multiple_of3A, %add3A_520 : i32
        %get3A_522 = arith.constant 0 : i32
        %get3A_523 = arith.constant 0 : i32
        %get3A_524 = tpu.memref_slice %arg7[%scan3A_284, %get3A_522, %get3A_523] : memref<4x96x32xf32, #tpu.memory_space<vmem>> -> memref<1x96x32xf32, #tpu.memory_space<vmem>>
        %get3A_525 = tpu.memref_squeeze %get3A_524 : memref<1x96x32xf32, #tpu.memory_space<vmem>> -> memref<96x32xf32, #tpu.memory_space<vmem>>
        %get3A_526 = arith.index_cast %add3A_521 : i32 to index
        %get3A_527 = arith.constant 16 : index
        %get3A_528 = tpu.vector_load %get3A_525[%get3A_526, %get3A_527] {strides = array<i32>} : memref<96x32xf32, #tpu.memory_space<vmem>>, vector<1x16xf32>,
        %get3A_529 = vector.shape_cast %get3A_528 : vector<1x16xf32> to vector<16xf32>
        %add3A_530 = arith.addf %add3A_442, %get3A_529 : vector<16xf32>
        %add3A_531 = arith.constant 6 : i32
        %add3A_532 = arith.addi %multiple_of3A, %add3A_531 : i32
        %get3A_533 = arith.constant 0 : i32
        %get3A_534 = arith.constant 0 : i32
        %get3A_535 = tpu.memref_slice %arg7[%scan3A_284, %get3A_533, %get3A_534] : memref<4x96x32xf32, #tpu.memory_space<vmem>> -> memref<1x96x32xf32, #tpu.memory_space<vmem>>
        %get3A_536 = tpu.memref_squeeze %get3A_535 : memref<1x96x32xf32, #tpu.memory_space<vmem>> -> memref<96x32xf32, #tpu.memory_space<vmem>>
        %get3A_537 = arith.index_cast %add3A_532 : i32 to index
        %get3A_538 = arith.constant 0 : index
        %get3A_539 = tpu.vector_load %get3A_536[%get3A_537, %get3A_538] {strides = array<i32>} : memref<96x32xf32, #tpu.memory_space<vmem>>, vector<1x16xf32>,
        %get3A_540 = vector.shape_cast %get3A_539 : vector<1x16xf32> to vector<16xf32>
        %add3A_541 = arith.addf %add3A_453, %get3A_540 : vector<16xf32>
        %add3A_542 = arith.constant 6 : i32
        %add3A_543 = arith.addi %multiple_of3A, %add3A_542 : i32
        %get3A_544 = arith.constant 0 : i32
        %get3A_545 = arith.constant 0 : i32
        %get3A_546 = tpu.memref_slice %arg7[%scan3A_284, %get3A_544, %get3A_545] : memref<4x96x32xf32, #tpu.memory_space<vmem>> -> memref<1x96x32xf32, #tpu.memory_space<vmem>>
        %get3A_547 = tpu.memref_squeeze %get3A_546 : memref<1x96x32xf32, #tpu.memory_space<vmem>> -> memref<96x32xf32, #tpu.memory_space<vmem>>
        %get3A_548 = arith.index_cast %add3A_543 : i32 to index
        %get3A_549 = arith.constant 16 : index
        %get3A_550 = tpu.vector_load %get3A_547[%get3A_548, %get3A_549] {strides = array<i32>} : memref<96x32xf32, #tpu.memory_space<vmem>>, vector<1x16xf32>,
        %get3A_551 = vector.shape_cast %get3A_550 : vector<1x16xf32> to vector<16xf32>
        %add3A_552 = arith.addf %add3A_464, %get3A_551 : vector<16xf32>
        %add3A_553 = arith.constant 7 : i32
        %add3A_554 = arith.addi %multiple_of3A, %add3A_553 : i32
        %get3A_555 = arith.constant 0 : i32
        %get3A_556 = arith.constant 0 : i32
        %get3A_557 = tpu.memref_slice %arg7[%scan3A_284, %get3A_555, %get3A_556] : memref<4x96x32xf32, #tpu.memory_space<vmem>> -> memref<1x96x32xf32, #tpu.memory_space<vmem>>
        %get3A_558 = tpu.memref_squeeze %get3A_557 : memref<1x96x32xf32, #tpu.memory_space<vmem>> -> memref<96x32xf32, #tpu.memory_space<vmem>>
        %get3A_559 = arith.index_cast %add3A_554 : i32 to index
        %get3A_560 = arith.constant 0 : index
        %get3A_561 = tpu.vector_load %get3A_558[%get3A_559, %get3A_560] {strides = array<i32>} : memref<96x32xf32, #tpu.memory_space<vmem>>, vector<1x16xf32>,
        %get3A_562 = vector.shape_cast %get3A_561 : vector<1x16xf32> to vector<16xf32>
        %add3A_563 = arith.addf %add3A_475, %get3A_562 : vector<16xf32>
        %add3A_564 = arith.constant 7 : i32
        %add3A_565 = arith.addi %multiple_of3A, %add3A_564 : i32
        %get3A_566 = arith.constant 0 : i32
        %get3A_567 = arith.constant 0 : i32
        %get3A_568 = tpu.memref_slice %arg7[%scan3A_284, %get3A_566, %get3A_567] : memref<4x96x32xf32, #tpu.memory_space<vmem>> -> memref<1x96x32xf32, #tpu.memory_space<vmem>>
        %get3A_569 = tpu.memref_squeeze %get3A_568 : memref<1x96x32xf32, #tpu.memory_space<vmem>> -> memref<96x32xf32, #tpu.memory_space<vmem>>
        %get3A_570 = arith.index_cast %add3A_565 : i32 to index
        %get3A_571 = arith.constant 16 : index
        %get3A_572 = tpu.vector_load %get3A_569[%get3A_570, %get3A_571] {strides = array<i32>} : memref<96x32xf32, #tpu.memory_space<vmem>>, vector<1x16xf32>,
        %get3A_573 = vector.shape_cast %get3A_572 : vector<1x16xf32> to vector<16xf32>
        %add3A_574 = arith.addf %add3A_486, %get3A_573 : vector<16xf32>
        scf.yield %add3A_497, %add3A_519, %add3A_541, %add3A_563, %add3A_508, %add3A_530, %add3A_552, %add3A_574 : vector<16xf32>, vector<16xf32>, vector<16xf32>, vector<16xf32>, vector<16xf32>, vector<16xf32>, vector<16xf32>, vector<16xf32>
      }
      %scan3A_290 = arith.constant 12 : i32
      %add3A_291 = arith.addf %scan3A_289#0, %scan3A_289#1 : vector<16xf32>
      %add3A_292 = arith.addf %scan3A_289#2, %scan3A_289#3 : vector<16xf32>
      %add3A_293 = arith.addf %add3A_291, %add3A_292 : vector<16xf32>
      %add3A_294 = arith.addf %scan3A_289#4, %scan3A_289#5 : vector<16xf32>
      %add3A_295 = arith.addf %scan3A_289#6, %scan3A_289#7 : vector<16xf32>
      %add3A_296 = arith.addf %add3A_294, %add3A_295 : vector<16xf32>
      %swap3A_297 = arith.index_cast %add3A_240 : i32 to index
      %swap3A_298 = arith.constant 0 : index
      %swap3A_299 = tpu.vector_load %arg8[%swap3A_297, %swap3A_298] {strides = array<i32>} : memref<128x32xf32, #tpu.memory_space<vmem>>, vector<1x16xf32>,
      %swap3A_300 = vector.shape_cast %swap3A_299 : vector<1x16xf32> to vector<16xf32>
      %swap3A_301 = vector.shape_cast %add3A_293 : vector<16xf32> to vector<1x16xf32>
      tpu.vector_store %arg8[%swap3A_297, %swap3A_298], %swap3A_301 {strides = array<i32>} : memref<128x32xf32, #tpu.memory_space<vmem>>, vector<1x16xf32>,
      %swap3A_302 = arith.index_cast %add3A_240 : i32 to index
      %swap3A_303 = arith.constant 16 : index
      %swap3A_304 = tpu.vector_load %arg8[%swap3A_302, %swap3A_303] {strides = array<i32>} : memref<128x32xf32, #tpu.memory_space<vmem>>, vector<1x16xf32>,
      %swap3A_305 = vector.shape_cast %swap3A_304 : vector<1x16xf32> to vector<16xf32>
      %swap3A_306 = vector.shape_cast %add3A_296 : vector<16xf32> to vector<1x16xf32>
      tpu.vector_store %arg8[%swap3A_302, %swap3A_303], %swap3A_306 {strides = array<i32>} : memref<128x32xf32, #tpu.memory_space<vmem>>, vector<1x16xf32>,
      %add3A_307 = arith.constant 4 : i32
      %add3A_308 = arith.addi %add3A_240, %add3A_307 : i32
      %lt3A_309 = arith.constant 128 : i32
      %lt3A_310 = arith.cmpi slt, %add3A_308, %lt3A_309 : i32
      %convert_element_type3A_311 = arith.extui %lt3A_310 : i1 to i32
      %cond3A_312 = arith.constant 0 : i32
      %cond3A_313 = arith.cmpi ne, %convert_element_type3A_311, %cond3A_312 : i32
      scf.if %cond3A_313 {
        %add3A_389 = arith.constant 4 : i32
        %add3A_390 = arith.addi %add3A_240, %add3A_389 : i32
        %mul3A_391 = arith.constant 200 : i32
        %mul3A_392 = arith.muli %add3A_390, %mul3A_391 : i32
        %dma_start3A_393 = arith.constant 2 : i32
        %dma_start3A_394 = arith.constant 0 : i32
        %dma_start3A_395 = arith.constant 0 : i32
        %dma_start3A_396 = tpu.memref_slice %arg6[%dma_start3A_393, %dma_start3A_394, %dma_start3A_395] : memref<4x104x32xf32, #tpu.memory_space<vmem>> -> memref<1x104x32xf32, #tpu.memory_space<vmem>>
        %dma_start3A_397 = tpu.memref_squeeze %dma_start3A_396 : memref<1x104x32xf32, #tpu.memory_space<vmem>> -> memref<104x32xf32, #tpu.memory_space<vmem>>
        %dma_start3A_398 = tpu.memref_slice %arg5[%mul3A_392] : memref<25600xi32, #tpu.memory_space<vmem>> -> memref<104xi32, #tpu.memory_space<vmem>>
        %dma_start3A_399 = arith.constant 0 : i32
        %dma_start3A_400 = arith.constant 0 : i32
        %dma_start3A_401 = tpu.memref_slice %arg3[%dma_start3A_399, %dma_start3A_400] : memref<1000000x32xf32, #tpu.memory_space<hbm>> -> memref<1000000x32xf32, #tpu.memory_space<hbm>>
        tpu.enqueue_indirect_dma source(%dma_start3A_401 : memref<1000000x32xf32, #tpu.memory_space<hbm>>) target(%dma_start3A_397 : memref<104x32xf32, #tpu.memory_space<vmem>>) offsets(%dma_start3A_398 : memref<104xi32, #tpu.memory_space<vmem>>) semaphore(%arg11 : memref<!tpu.dma_semaphore, #tpu.memory_space<semaphore_mem>>)
        %mul3A_402 = arith.constant 200 : i32
        %mul3A_403 = arith.muli %add3A_390, %mul3A_402 : i32
        %add3A_404 = arith.constant 104 : i32
        %add3A_405 = arith.addi %mul3A_403, %add3A_404 : i32
        %dma_start3A_406 = arith.constant 2 : i32
        %dma_start3A_407 = arith.constant 0 : i32
        %dma_start3A_408 = arith.constant 0 : i32
        %dma_start3A_409 = tpu.memref_slice %arg7[%dma_start3A_406, %dma_start3A_407, %dma_start3A_408] : memref<4x96x32xf32, #tpu.memory_space<vmem>> -> memref<1x96x32xf32, #tpu.memory_space<vmem>>
        %dma_start3A_410 = tpu.memref_squeeze %dma_start3A_409 : memref<1x96x32xf32, #tpu.memory_space<vmem>> -> memref<96x32xf32, #tpu.memory_space<vmem>>
        %dma_start3A_411 = tpu.memref_slice %arg5[%add3A_405] : memref<25600xi32, #tpu.memory_space<vmem>> -> memref<96xi32, #tpu.memory_space<vmem>>
        %dma_start3A_412 = arith.constant 0 : i32
        %dma_start3A_413 = arith.constant 0 : i32
        %dma_start3A_414 = tpu.memref_slice %arg3[%dma_start3A_412, %dma_start3A_413] : memref<1000000x32xf32, #tpu.memory_space<hbm>> -> memref<1000000x32xf32, #tpu.memory_space<hbm>>
        tpu.enqueue_indirect_dma source(%dma_start3A_414 : memref<1000000x32xf32, #tpu.memory_space<hbm>>) target(%dma_start3A_410 : memref<96x32xf32, #tpu.memory_space<vmem>>) offsets(%dma_start3A_411 : memref<96xi32, #tpu.memory_space<vmem>>) semaphore(%arg11 : memref<!tpu.dma_semaphore, #tpu.memory_space<semaphore_mem>>)
      } else {
      }
      %add3A_314 = arith.constant 3 : i32
      %add3A_315 = arith.addi %add3A_94, %add3A_314 : i32
      %mul3A_316 = arith.constant 200 : i32
      %mul3A_317 = arith.muli %add3A_315, %mul3A_316 : i32
      %dma_wait3A_318 = arith.constant 3 : i32
      %dma_wait3A_319 = arith.constant 0 : i32
      %dma_wait3A_320 = arith.constant 0 : i32
      %dma_wait3A_321 = tpu.memref_slice %arg6[%dma_wait3A_318, %dma_wait3A_319, %dma_wait3A_320] : memref<4x104x32xf32, #tpu.memory_space<vmem>> -> memref<1x104x32xf32, #tpu.memory_space<vmem>>
      %dma_wait3A_322 = tpu.memref_squeeze %dma_wait3A_321 : memref<1x104x32xf32, #tpu.memory_space<vmem>> -> memref<104x32xf32, #tpu.memory_space<vmem>>
      %dma_wait3A_323 = tpu.memref_slice %arg5[%mul3A_317] : memref<25600xi32, #tpu.memory_space<vmem>> -> memref<104xi32, #tpu.memory_space<vmem>>
      %dma_wait3A_324 = arith.constant 0 : i32
      %dma_wait3A_325 = arith.constant 0 : i32
      %dma_wait3A_326 = tpu.memref_slice %arg3[%dma_wait3A_324, %dma_wait3A_325] : memref<1000000x32xf32, #tpu.memory_space<hbm>> -> memref<1000000x32xf32, #tpu.memory_space<hbm>>
      tpu.wait_indirect_dma semaphore(%arg12 : memref<!tpu.dma_semaphore, #tpu.memory_space<semaphore_mem>>) src(%dma_wait3A_326 : memref<1000000x32xf32, #tpu.memory_space<hbm>>) dst(%dma_wait3A_322 : memref<104x32xf32, #tpu.memory_space<vmem>>)
      %mul3A_327 = arith.constant 200 : i32
      %mul3A_328 = arith.muli %add3A_315, %mul3A_327 : i32
      %add3A_329 = arith.constant 104 : i32
      %add3A_330 = arith.addi %mul3A_328, %add3A_329 : i32
      %dma_wait3A_331 = arith.constant 3 : i32
      %dma_wait3A_332 = arith.constant 0 : i32
      %dma_wait3A_333 = arith.constant 0 : i32
      %dma_wait3A_334 = tpu.memref_slice %arg7[%dma_wait3A_331, %dma_wait3A_332, %dma_wait3A_333] : memref<4x96x32xf32, #tpu.memory_space<vmem>> -> memref<1x96x32xf32, #tpu.memory_space<vmem>>
      %dma_wait3A_335 = tpu.memref_squeeze %dma_wait3A_334 : memref<1x96x32xf32, #tpu.memory_space<vmem>> -> memref<96x32xf32, #tpu.memory_space<vmem>>
      %dma_wait3A_336 = tpu.memref_slice %arg5[%add3A_330] : memref<25600xi32, #tpu.memory_space<vmem>> -> memref<96xi32, #tpu.memory_space<vmem>>
      %dma_wait3A_337 = arith.constant 0 : i32
      %dma_wait3A_338 = arith.constant 0 : i32
      %dma_wait3A_339 = tpu.memref_slice %arg3[%dma_wait3A_337, %dma_wait3A_338] : memref<1000000x32xf32, #tpu.memory_space<hbm>> -> memref<1000000x32xf32, #tpu.memory_space<hbm>>
      tpu.wait_indirect_dma semaphore(%arg12 : memref<!tpu.dma_semaphore, #tpu.memory_space<semaphore_mem>>) src(%dma_wait3A_339 : memref<1000000x32xf32, #tpu.memory_space<hbm>>) dst(%dma_wait3A_335 : memref<96x32xf32, #tpu.memory_space<vmem>>)
      %broadcast_in_dim3A_340 = arith.constant 0.000000e+00 : f32
      %broadcast_in_dim3A_341 = vector.broadcast %broadcast_in_dim3A_340 : f32 to vector<16xf32>
      %broadcast_in_dim3A_342 = arith.constant 0.000000e+00 : f32
      %broadcast_in_dim3A_343 = vector.broadcast %broadcast_in_dim3A_342 : f32 to vector<16xf32>
      %scan3A_344 = arith.constant 3 : i32
      %scan3A_345 = arith.constant 0 : i32
      %scan3A_346 = arith.constant 13 : i32
      %scan3A_347 = arith.addi %scan3A_345, %scan3A_346 : i32
      %scan3A_348 = arith.constant 1 : i32
      %scan3A_349:8 = scf.for %scan3A_389 = %scan3A_345 to %scan3A_347 step %scan3A_348 iter_args(%scan3A_390 = %broadcast_in_dim3A_341, %scan3A_391 = %broadcast_in_dim3A_343, %scan3A_392 = %broadcast_in_dim3A_343, %scan3A_393 = %broadcast_in_dim3A_343, %scan3A_394 = %broadcast_in_dim3A_341, %scan3A_395 = %broadcast_in_dim3A_343, %scan3A_396 = %broadcast_in_dim3A_343, %scan3A_397 = %broadcast_in_dim3A_343) -> (vector<16xf32>, vector<16xf32>, vector<16xf32>, vector<16xf32>, vector<16xf32>, vector<16xf32>, vector<16xf32>, vector<16xf32>)  : i32 {
        %mul3A_398 = arith.constant 8 : i32
        %mul3A_399 = arith.muli %scan3A_389, %mul3A_398 : i32
        %multiple_of3A = tpu.assume_multiple %mul3A_399, 8 : i32
        %add3A_400 = arith.constant 0 : i32
        %add3A_401 = arith.addi %multiple_of3A, %add3A_400 : i32
        %get3A = arith.constant 0 : i32
        %get3A_402 = arith.constant 0 : i32
        %get3A_403 = tpu.memref_slice %arg6[%scan3A_344, %get3A, %get3A_402] : memref<4x104x32xf32, #tpu.memory_space<vmem>> -> memref<1x104x32xf32, #tpu.memory_space<vmem>>
        %get3A_404 = tpu.memref_squeeze %get3A_403 : memref<1x104x32xf32, #tpu.memory_space<vmem>> -> memref<104x32xf32, #tpu.memory_space<vmem>>
        %get3A_405 = arith.index_cast %add3A_401 : i32 to index
        %get3A_406 = arith.constant 0 : index
        %get3A_407 = tpu.vector_load %get3A_404[%get3A_405, %get3A_406] {strides = array<i32>} : memref<104x32xf32, #tpu.memory_space<vmem>>, vector<1x16xf32>,
        %get3A_408 = vector.shape_cast %get3A_407 : vector<1x16xf32> to vector<16xf32>
        %add3A_409 = arith.addf %scan3A_390, %get3A_408 : vector<16xf32>
        %add3A_410 = arith.constant 0 : i32
        %add3A_411 = arith.addi %multiple_of3A, %add3A_410 : i32
        %get3A_412 = arith.constant 0 : i32
        %get3A_413 = arith.constant 0 : i32
        %get3A_414 = tpu.memref_slice %arg6[%scan3A_344, %get3A_412, %get3A_413] : memref<4x104x32xf32, #tpu.memory_space<vmem>> -> memref<1x104x32xf32, #tpu.memory_space<vmem>>
        %get3A_415 = tpu.memref_squeeze %get3A_414 : memref<1x104x32xf32, #tpu.memory_space<vmem>> -> memref<104x32xf32, #tpu.memory_space<vmem>>
        %get3A_416 = arith.index_cast %add3A_411 : i32 to index
        %get3A_417 = arith.constant 16 : index
        %get3A_418 = tpu.vector_load %get3A_415[%get3A_416, %get3A_417] {strides = array<i32>} : memref<104x32xf32, #tpu.memory_space<vmem>>, vector<1x16xf32>,
        %get3A_419 = vector.shape_cast %get3A_418 : vector<1x16xf32> to vector<16xf32>
        %add3A_420 = arith.addf %scan3A_394, %get3A_419 : vector<16xf32>
        %add3A_421 = arith.constant 1 : i32
        %add3A_422 = arith.addi %multiple_of3A, %add3A_421 : i32
        %get3A_423 = arith.constant 0 : i32
        %get3A_424 = arith.constant 0 : i32
        %get3A_425 = tpu.memref_slice %arg6[%scan3A_344, %get3A_423, %get3A_424] : memref<4x104x32xf32, #tpu.memory_space<vmem>> -> memref<1x104x32xf32, #tpu.memory_space<vmem>>
        %get3A_426 = tpu.memref_squeeze %get3A_425 : memref<1x104x32xf32, #tpu.memory_space<vmem>> -> memref<104x32xf32, #tpu.memory_space<vmem>>
        %get3A_427 = arith.index_cast %add3A_422 : i32 to index
        %get3A_428 = arith.constant 0 : index
        %get3A_429 = tpu.vector_load %get3A_426[%get3A_427, %get3A_428] {strides = array<i32>} : memref<104x32xf32, #tpu.memory_space<vmem>>, vector<1x16xf32>,
        %get3A_430 = vector.shape_cast %get3A_429 : vector<1x16xf32> to vector<16xf32>
        %add3A_431 = arith.addf %scan3A_391, %get3A_430 : vector<16xf32>
        %add3A_432 = arith.constant 1 : i32
        %add3A_433 = arith.addi %multiple_of3A, %add3A_432 : i32
        %get3A_434 = arith.constant 0 : i32
        %get3A_435 = arith.constant 0 : i32
        %get3A_436 = tpu.memref_slice %arg6[%scan3A_344, %get3A_434, %get3A_435] : memref<4x104x32xf32, #tpu.memory_space<vmem>> -> memref<1x104x32xf32, #tpu.memory_space<vmem>>
        %get3A_437 = tpu.memref_squeeze %get3A_436 : memref<1x104x32xf32, #tpu.memory_space<vmem>> -> memref<104x32xf32, #tpu.memory_space<vmem>>
        %get3A_438 = arith.index_cast %add3A_433 : i32 to index
        %get3A_439 = arith.constant 16 : index
        %get3A_440 = tpu.vector_load %get3A_437[%get3A_438, %get3A_439] {strides = array<i32>} : memref<104x32xf32, #tpu.memory_space<vmem>>, vector<1x16xf32>,
        %get3A_441 = vector.shape_cast %get3A_440 : vector<1x16xf32> to vector<16xf32>
        %add3A_442 = arith.addf %scan3A_395, %get3A_441 : vector<16xf32>
        %add3A_443 = arith.constant 2 : i32
        %add3A_444 = arith.addi %multiple_of3A, %add3A_443 : i32
        %get3A_445 = arith.constant 0 : i32
        %get3A_446 = arith.constant 0 : i32
        %get3A_447 = tpu.memref_slice %arg6[%scan3A_344, %get3A_445, %get3A_446] : memref<4x104x32xf32, #tpu.memory_space<vmem>> -> memref<1x104x32xf32, #tpu.memory_space<vmem>>
        %get3A_448 = tpu.memref_squeeze %get3A_447 : memref<1x104x32xf32, #tpu.memory_space<vmem>> -> memref<104x32xf32, #tpu.memory_space<vmem>>
        %get3A_449 = arith.index_cast %add3A_444 : i32 to index
        %get3A_450 = arith.constant 0 : index
        %get3A_451 = tpu.vector_load %get3A_448[%get3A_449, %get3A_450] {strides = array<i32>} : memref<104x32xf32, #tpu.memory_space<vmem>>, vector<1x16xf32>,
        %get3A_452 = vector.shape_cast %get3A_451 : vector<1x16xf32> to vector<16xf32>
        %add3A_453 = arith.addf %scan3A_392, %get3A_452 : vector<16xf32>
        %add3A_454 = arith.constant 2 : i32
        %add3A_455 = arith.addi %multiple_of3A, %add3A_454 : i32
        %get3A_456 = arith.constant 0 : i32
        %get3A_457 = arith.constant 0 : i32
        %get3A_458 = tpu.memref_slice %arg6[%scan3A_344, %get3A_456, %get3A_457] : memref<4x104x32xf32, #tpu.memory_space<vmem>> -> memref<1x104x32xf32, #tpu.memory_space<vmem>>
        %get3A_459 = tpu.memref_squeeze %get3A_458 : memref<1x104x32xf32, #tpu.memory_space<vmem>> -> memref<104x32xf32, #tpu.memory_space<vmem>>
        %get3A_460 = arith.index_cast %add3A_455 : i32 to index
        %get3A_461 = arith.constant 16 : index
        %get3A_462 = tpu.vector_load %get3A_459[%get3A_460, %get3A_461] {strides = array<i32>} : memref<104x32xf32, #tpu.memory_space<vmem>>, vector<1x16xf32>,
        %get3A_463 = vector.shape_cast %get3A_462 : vector<1x16xf32> to vector<16xf32>
        %add3A_464 = arith.addf %scan3A_396, %get3A_463 : vector<16xf32>
        %add3A_465 = arith.constant 3 : i32
        %add3A_466 = arith.addi %multiple_of3A, %add3A_465 : i32
        %get3A_467 = arith.constant 0 : i32
        %get3A_468 = arith.constant 0 : i32
        %get3A_469 = tpu.memref_slice %arg6[%scan3A_344, %get3A_467, %get3A_468] : memref<4x104x32xf32, #tpu.memory_space<vmem>> -> memref<1x104x32xf32, #tpu.memory_space<vmem>>
        %get3A_470 = tpu.memref_squeeze %get3A_469 : memref<1x104x32xf32, #tpu.memory_space<vmem>> -> memref<104x32xf32, #tpu.memory_space<vmem>>
        %get3A_471 = arith.index_cast %add3A_466 : i32 to index
        %get3A_472 = arith.constant 0 : index
        %get3A_473 = tpu.vector_load %get3A_470[%get3A_471, %get3A_472] {strides = array<i32>} : memref<104x32xf32, #tpu.memory_space<vmem>>, vector<1x16xf32>,
        %get3A_474 = vector.shape_cast %get3A_473 : vector<1x16xf32> to vector<16xf32>
        %add3A_475 = arith.addf %scan3A_393, %get3A_474 : vector<16xf32>
        %add3A_476 = arith.constant 3 : i32
        %add3A_477 = arith.addi %multiple_of3A, %add3A_476 : i32
        %get3A_478 = arith.constant 0 : i32
        %get3A_479 = arith.constant 0 : i32
        %get3A_480 = tpu.memref_slice %arg6[%scan3A_344, %get3A_478, %get3A_479] : memref<4x104x32xf32, #tpu.memory_space<vmem>> -> memref<1x104x32xf32, #tpu.memory_space<vmem>>
        %get3A_481 = tpu.memref_squeeze %get3A_480 : memref<1x104x32xf32, #tpu.memory_space<vmem>> -> memref<104x32xf32, #tpu.memory_space<vmem>>
        %get3A_482 = arith.index_cast %add3A_477 : i32 to index
        %get3A_483 = arith.constant 16 : index
        %get3A_484 = tpu.vector_load %get3A_481[%get3A_482, %get3A_483] {strides = array<i32>} : memref<104x32xf32, #tpu.memory_space<vmem>>, vector<1x16xf32>,
        %get3A_485 = vector.shape_cast %get3A_484 : vector<1x16xf32> to vector<16xf32>
        %add3A_486 = arith.addf %scan3A_397, %get3A_485 : vector<16xf32>
        %add3A_487 = arith.constant 4 : i32
        %add3A_488 = arith.addi %multiple_of3A, %add3A_487 : i32
        %get3A_489 = arith.constant 0 : i32
        %get3A_490 = arith.constant 0 : i32
        %get3A_491 = tpu.memref_slice %arg6[%scan3A_344, %get3A_489, %get3A_490] : memref<4x104x32xf32, #tpu.memory_space<vmem>> -> memref<1x104x32xf32, #tpu.memory_space<vmem>>
        %get3A_492 = tpu.memref_squeeze %get3A_491 : memref<1x104x32xf32, #tpu.memory_space<vmem>> -> memref<104x32xf32, #tpu.memory_space<vmem>>
        %get3A_493 = arith.index_cast %add3A_488 : i32 to index
        %get3A_494 = arith.constant 0 : index
        %get3A_495 = tpu.vector_load %get3A_492[%get3A_493, %get3A_494] {strides = array<i32>} : memref<104x32xf32, #tpu.memory_space<vmem>>, vector<1x16xf32>,
        %get3A_496 = vector.shape_cast %get3A_495 : vector<1x16xf32> to vector<16xf32>
        %add3A_497 = arith.addf %add3A_409, %get3A_496 : vector<16xf32>
        %add3A_498 = arith.constant 4 : i32
        %add3A_499 = arith.addi %multiple_of3A, %add3A_498 : i32
        %get3A_500 = arith.constant 0 : i32
        %get3A_501 = arith.constant 0 : i32
        %get3A_502 = tpu.memref_slice %arg6[%scan3A_344, %get3A_500, %get3A_501] : memref<4x104x32xf32, #tpu.memory_space<vmem>> -> memref<1x104x32xf32, #tpu.memory_space<vmem>>
        %get3A_503 = tpu.memref_squeeze %get3A_502 : memref<1x104x32xf32, #tpu.memory_space<vmem>> -> memref<104x32xf32, #tpu.memory_space<vmem>>
        %get3A_504 = arith.index_cast %add3A_499 : i32 to index
        %get3A_505 = arith.constant 16 : index
        %get3A_506 = tpu.vector_load %get3A_503[%get3A_504, %get3A_505] {strides = array<i32>} : memref<104x32xf32, #tpu.memory_space<vmem>>, vector<1x16xf32>,
        %get3A_507 = vector.shape_cast %get3A_506 : vector<1x16xf32> to vector<16xf32>
        %add3A_508 = arith.addf %add3A_420, %get3A_507 : vector<16xf32>
        %add3A_509 = arith.constant 5 : i32
        %add3A_510 = arith.addi %multiple_of3A, %add3A_509 : i32
        %get3A_511 = arith.constant 0 : i32
        %get3A_512 = arith.constant 0 : i32
        %get3A_513 = tpu.memref_slice %arg6[%scan3A_344, %get3A_511, %get3A_512] : memref<4x104x32xf32, #tpu.memory_space<vmem>> -> memref<1x104x32xf32, #tpu.memory_space<vmem>>
        %get3A_514 = tpu.memref_squeeze %get3A_513 : memref<1x104x32xf32, #tpu.memory_space<vmem>> -> memref<104x32xf32, #tpu.memory_space<vmem>>
        %get3A_515 = arith.index_cast %add3A_510 : i32 to index
        %get3A_516 = arith.constant 0 : index
        %get3A_517 = tpu.vector_load %get3A_514[%get3A_515, %get3A_516] {strides = array<i32>} : memref<104x32xf32, #tpu.memory_space<vmem>>, vector<1x16xf32>,
        %get3A_518 = vector.shape_cast %get3A_517 : vector<1x16xf32> to vector<16xf32>
        %add3A_519 = arith.addf %add3A_431, %get3A_518 : vector<16xf32>
        %add3A_520 = arith.constant 5 : i32
        %add3A_521 = arith.addi %multiple_of3A, %add3A_520 : i32
        %get3A_522 = arith.constant 0 : i32
        %get3A_523 = arith.constant 0 : i32
        %get3A_524 = tpu.memref_slice %arg6[%scan3A_344, %get3A_522, %get3A_523] : memref<4x104x32xf32, #tpu.memory_space<vmem>> -> memref<1x104x32xf32, #tpu.memory_space<vmem>>
        %get3A_525 = tpu.memref_squeeze %get3A_524 : memref<1x104x32xf32, #tpu.memory_space<vmem>> -> memref<104x32xf32, #tpu.memory_space<vmem>>
        %get3A_526 = arith.index_cast %add3A_521 : i32 to index
        %get3A_527 = arith.constant 16 : index
        %get3A_528 = tpu.vector_load %get3A_525[%get3A_526, %get3A_527] {strides = array<i32>} : memref<104x32xf32, #tpu.memory_space<vmem>>, vector<1x16xf32>,
        %get3A_529 = vector.shape_cast %get3A_528 : vector<1x16xf32> to vector<16xf32>
        %add3A_530 = arith.addf %add3A_442, %get3A_529 : vector<16xf32>
        %add3A_531 = arith.constant 6 : i32
        %add3A_532 = arith.addi %multiple_of3A, %add3A_531 : i32
        %get3A_533 = arith.constant 0 : i32
        %get3A_534 = arith.constant 0 : i32
        %get3A_535 = tpu.memref_slice %arg6[%scan3A_344, %get3A_533, %get3A_534] : memref<4x104x32xf32, #tpu.memory_space<vmem>> -> memref<1x104x32xf32, #tpu.memory_space<vmem>>
        %get3A_536 = tpu.memref_squeeze %get3A_535 : memref<1x104x32xf32, #tpu.memory_space<vmem>> -> memref<104x32xf32, #tpu.memory_space<vmem>>
        %get3A_537 = arith.index_cast %add3A_532 : i32 to index
        %get3A_538 = arith.constant 0 : index
        %get3A_539 = tpu.vector_load %get3A_536[%get3A_537, %get3A_538] {strides = array<i32>} : memref<104x32xf32, #tpu.memory_space<vmem>>, vector<1x16xf32>,
        %get3A_540 = vector.shape_cast %get3A_539 : vector<1x16xf32> to vector<16xf32>
        %add3A_541 = arith.addf %add3A_453, %get3A_540 : vector<16xf32>
        %add3A_542 = arith.constant 6 : i32
        %add3A_543 = arith.addi %multiple_of3A, %add3A_542 : i32
        %get3A_544 = arith.constant 0 : i32
        %get3A_545 = arith.constant 0 : i32
        %get3A_546 = tpu.memref_slice %arg6[%scan3A_344, %get3A_544, %get3A_545] : memref<4x104x32xf32, #tpu.memory_space<vmem>> -> memref<1x104x32xf32, #tpu.memory_space<vmem>>
        %get3A_547 = tpu.memref_squeeze %get3A_546 : memref<1x104x32xf32, #tpu.memory_space<vmem>> -> memref<104x32xf32, #tpu.memory_space<vmem>>
        %get3A_548 = arith.index_cast %add3A_543 : i32 to index
        %get3A_549 = arith.constant 16 : index
        %get3A_550 = tpu.vector_load %get3A_547[%get3A_548, %get3A_549] {strides = array<i32>} : memref<104x32xf32, #tpu.memory_space<vmem>>, vector<1x16xf32>,
        %get3A_551 = vector.shape_cast %get3A_550 : vector<1x16xf32> to vector<16xf32>
        %add3A_552 = arith.addf %add3A_464, %get3A_551 : vector<16xf32>
        %add3A_553 = arith.constant 7 : i32
        %add3A_554 = arith.addi %multiple_of3A, %add3A_553 : i32
        %get3A_555 = arith.constant 0 : i32
        %get3A_556 = arith.constant 0 : i32
        %get3A_557 = tpu.memref_slice %arg6[%scan3A_344, %get3A_555, %get3A_556] : memref<4x104x32xf32, #tpu.memory_space<vmem>> -> memref<1x104x32xf32, #tpu.memory_space<vmem>>
        %get3A_558 = tpu.memref_squeeze %get3A_557 : memref<1x104x32xf32, #tpu.memory_space<vmem>> -> memref<104x32xf32, #tpu.memory_space<vmem>>
        %get3A_559 = arith.index_cast %add3A_554 : i32 to index
        %get3A_560 = arith.constant 0 : index
        %get3A_561 = tpu.vector_load %get3A_558[%get3A_559, %get3A_560] {strides = array<i32>} : memref<104x32xf32, #tpu.memory_space<vmem>>, vector<1x16xf32>,
        %get3A_562 = vector.shape_cast %get3A_561 : vector<1x16xf32> to vector<16xf32>
        %add3A_563 = arith.addf %add3A_475, %get3A_562 : vector<16xf32>
        %add3A_564 = arith.constant 7 : i32
        %add3A_565 = arith.addi %multiple_of3A, %add3A_564 : i32
        %get3A_566 = arith.constant 0 : i32
        %get3A_567 = arith.constant 0 : i32
        %get3A_568 = tpu.memref_slice %arg6[%scan3A_344, %get3A_566, %get3A_567] : memref<4x104x32xf32, #tpu.memory_space<vmem>> -> memref<1x104x32xf32, #tpu.memory_space<vmem>>
        %get3A_569 = tpu.memref_squeeze %get3A_568 : memref<1x104x32xf32, #tpu.memory_space<vmem>> -> memref<104x32xf32, #tpu.memory_space<vmem>>
        %get3A_570 = arith.index_cast %add3A_565 : i32 to index
        %get3A_571 = arith.constant 16 : index
        %get3A_572 = tpu.vector_load %get3A_569[%get3A_570, %get3A_571] {strides = array<i32>} : memref<104x32xf32, #tpu.memory_space<vmem>>, vector<1x16xf32>,
        %get3A_573 = vector.shape_cast %get3A_572 : vector<1x16xf32> to vector<16xf32>
        %add3A_574 = arith.addf %add3A_486, %get3A_573 : vector<16xf32>
        scf.yield %add3A_497, %add3A_519, %add3A_541, %add3A_563, %add3A_508, %add3A_530, %add3A_552, %add3A_574 : vector<16xf32>, vector<16xf32>, vector<16xf32>, vector<16xf32>, vector<16xf32>, vector<16xf32>, vector<16xf32>, vector<16xf32>
      }
      %scan3A_350 = arith.constant 13 : i32
      %add3A_351 = arith.addf %scan3A_349#0, %scan3A_349#1 : vector<16xf32>
      %add3A_352 = arith.addf %scan3A_349#2, %scan3A_349#3 : vector<16xf32>
      %add3A_353 = arith.addf %add3A_351, %add3A_352 : vector<16xf32>
      %add3A_354 = arith.addf %scan3A_349#4, %scan3A_349#5 : vector<16xf32>
      %add3A_355 = arith.addf %scan3A_349#6, %scan3A_349#7 : vector<16xf32>
      %add3A_356 = arith.addf %add3A_354, %add3A_355 : vector<16xf32>
      %broadcast_in_dim3A_357 = arith.constant 0.000000e+00 : f32
      %broadcast_in_dim3A_358 = vector.broadcast %broadcast_in_dim3A_357 : f32 to vector<16xf32>
      %scan3A_359 = arith.constant 3 : i32
      %scan3A_360 = arith.constant 0 : i32
      %scan3A_361 = arith.constant 12 : i32
      %scan3A_362 = arith.addi %scan3A_360, %scan3A_361 : i32
      %scan3A_363 = arith.constant 1 : i32
      %scan3A_364:8 = scf.for %scan3A_389 = %scan3A_360 to %scan3A_362 step %scan3A_363 iter_args(%scan3A_390 = %add3A_353, %scan3A_391 = %broadcast_in_dim3A_358, %scan3A_392 = %broadcast_in_dim3A_358, %scan3A_393 = %broadcast_in_dim3A_358, %scan3A_394 = %add3A_356, %scan3A_395 = %broadcast_in_dim3A_358, %scan3A_396 = %broadcast_in_dim3A_358, %scan3A_397 = %broadcast_in_dim3A_358) -> (vector<16xf32>, vector<16xf32>, vector<16xf32>, vector<16xf32>, vector<16xf32>, vector<16xf32>, vector<16xf32>, vector<16xf32>)  : i32 {
        %mul3A_398 = arith.constant 8 : i32
        %mul3A_399 = arith.muli %scan3A_389, %mul3A_398 : i32
        %multiple_of3A = tpu.assume_multiple %mul3A_399, 8 : i32
        %add3A_400 = arith.constant 0 : i32
        %add3A_401 = arith.addi %multiple_of3A, %add3A_400 : i32
        %get3A = arith.constant 0 : i32
        %get3A_402 = arith.constant 0 : i32
        %get3A_403 = tpu.memref_slice %arg7[%scan3A_359, %get3A, %get3A_402] : memref<4x96x32xf32, #tpu.memory_space<vmem>> -> memref<1x96x32xf32, #tpu.memory_space<vmem>>
        %get3A_404 = tpu.memref_squeeze %get3A_403 : memref<1x96x32xf32, #tpu.memory_space<vmem>> -> memref<96x32xf32, #tpu.memory_space<vmem>>
        %get3A_405 = arith.index_cast %add3A_401 : i32 to index
        %get3A_406 = arith.constant 0 : index
        %get3A_407 = tpu.vector_load %get3A_404[%get3A_405, %get3A_406] {strides = array<i32>} : memref<96x32xf32, #tpu.memory_space<vmem>>, vector<1x16xf32>,
        %get3A_408 = vector.shape_cast %get3A_407 : vector<1x16xf32> to vector<16xf32>
        %add3A_409 = arith.addf %scan3A_390, %get3A_408 : vector<16xf32>
        %add3A_410 = arith.constant 0 : i32
        %add3A_411 = arith.addi %multiple_of3A, %add3A_410 : i32
        %get3A_412 = arith.constant 0 : i32
        %get3A_413 = arith.constant 0 : i32
        %get3A_414 = tpu.memref_slice %arg7[%scan3A_359, %get3A_412, %get3A_413] : memref<4x96x32xf32, #tpu.memory_space<vmem>> -> memref<1x96x32xf32, #tpu.memory_space<vmem>>
        %get3A_415 = tpu.memref_squeeze %get3A_414 : memref<1x96x32xf32, #tpu.memory_space<vmem>> -> memref<96x32xf32, #tpu.memory_space<vmem>>
        %get3A_416 = arith.index_cast %add3A_411 : i32 to index
        %get3A_417 = arith.constant 16 : index
        %get3A_418 = tpu.vector_load %get3A_415[%get3A_416, %get3A_417] {strides = array<i32>} : memref<96x32xf32, #tpu.memory_space<vmem>>, vector<1x16xf32>,
        %get3A_419 = vector.shape_cast %get3A_418 : vector<1x16xf32> to vector<16xf32>
        %add3A_420 = arith.addf %scan3A_394, %get3A_419 : vector<16xf32>
        %add3A_421 = arith.constant 1 : i32
        %add3A_422 = arith.addi %multiple_of3A, %add3A_421 : i32
        %get3A_423 = arith.constant 0 : i32
        %get3A_424 = arith.constant 0 : i32
        %get3A_425 = tpu.memref_slice %arg7[%scan3A_359, %get3A_423, %get3A_424] : memref<4x96x32xf32, #tpu.memory_space<vmem>> -> memref<1x96x32xf32, #tpu.memory_space<vmem>>
        %get3A_426 = tpu.memref_squeeze %get3A_425 : memref<1x96x32xf32, #tpu.memory_space<vmem>> -> memref<96x32xf32, #tpu.memory_space<vmem>>
        %get3A_427 = arith.index_cast %add3A_422 : i32 to index
        %get3A_428 = arith.constant 0 : index
        %get3A_429 = tpu.vector_load %get3A_426[%get3A_427, %get3A_428] {strides = array<i32>} : memref<96x32xf32, #tpu.memory_space<vmem>>, vector<1x16xf32>,
        %get3A_430 = vector.shape_cast %get3A_429 : vector<1x16xf32> to vector<16xf32>
        %add3A_431 = arith.addf %scan3A_391, %get3A_430 : vector<16xf32>
        %add3A_432 = arith.constant 1 : i32
        %add3A_433 = arith.addi %multiple_of3A, %add3A_432 : i32
        %get3A_434 = arith.constant 0 : i32
        %get3A_435 = arith.constant 0 : i32
        %get3A_436 = tpu.memref_slice %arg7[%scan3A_359, %get3A_434, %get3A_435] : memref<4x96x32xf32, #tpu.memory_space<vmem>> -> memref<1x96x32xf32, #tpu.memory_space<vmem>>
        %get3A_437 = tpu.memref_squeeze %get3A_436 : memref<1x96x32xf32, #tpu.memory_space<vmem>> -> memref<96x32xf32, #tpu.memory_space<vmem>>
        %get3A_438 = arith.index_cast %add3A_433 : i32 to index
        %get3A_439 = arith.constant 16 : index
        %get3A_440 = tpu.vector_load %get3A_437[%get3A_438, %get3A_439] {strides = array<i32>} : memref<96x32xf32, #tpu.memory_space<vmem>>, vector<1x16xf32>,
        %get3A_441 = vector.shape_cast %get3A_440 : vector<1x16xf32> to vector<16xf32>
        %add3A_442 = arith.addf %scan3A_395, %get3A_441 : vector<16xf32>
        %add3A_443 = arith.constant 2 : i32
        %add3A_444 = arith.addi %multiple_of3A, %add3A_443 : i32
        %get3A_445 = arith.constant 0 : i32
        %get3A_446 = arith.constant 0 : i32
        %get3A_447 = tpu.memref_slice %arg7[%scan3A_359, %get3A_445, %get3A_446] : memref<4x96x32xf32, #tpu.memory_space<vmem>> -> memref<1x96x32xf32, #tpu.memory_space<vmem>>
        %get3A_448 = tpu.memref_squeeze %get3A_447 : memref<1x96x32xf32, #tpu.memory_space<vmem>> -> memref<96x32xf32, #tpu.memory_space<vmem>>
        %get3A_449 = arith.index_cast %add3A_444 : i32 to index
        %get3A_450 = arith.constant 0 : index
        %get3A_451 = tpu.vector_load %get3A_448[%get3A_449, %get3A_450] {strides = array<i32>} : memref<96x32xf32, #tpu.memory_space<vmem>>, vector<1x16xf32>,
        %get3A_452 = vector.shape_cast %get3A_451 : vector<1x16xf32> to vector<16xf32>
        %add3A_453 = arith.addf %scan3A_392, %get3A_452 : vector<16xf32>
        %add3A_454 = arith.constant 2 : i32
        %add3A_455 = arith.addi %multiple_of3A, %add3A_454 : i32
        %get3A_456 = arith.constant 0 : i32
        %get3A_457 = arith.constant 0 : i32
        %get3A_458 = tpu.memref_slice %arg7[%scan3A_359, %get3A_456, %get3A_457] : memref<4x96x32xf32, #tpu.memory_space<vmem>> -> memref<1x96x32xf32, #tpu.memory_space<vmem>>
        %get3A_459 = tpu.memref_squeeze %get3A_458 : memref<1x96x32xf32, #tpu.memory_space<vmem>> -> memref<96x32xf32, #tpu.memory_space<vmem>>
        %get3A_460 = arith.index_cast %add3A_455 : i32 to index
        %get3A_461 = arith.constant 16 : index
        %get3A_462 = tpu.vector_load %get3A_459[%get3A_460, %get3A_461] {strides = array<i32>} : memref<96x32xf32, #tpu.memory_space<vmem>>, vector<1x16xf32>,
        %get3A_463 = vector.shape_cast %get3A_462 : vector<1x16xf32> to vector<16xf32>
        %add3A_464 = arith.addf %scan3A_396, %get3A_463 : vector<16xf32>
        %add3A_465 = arith.constant 3 : i32
        %add3A_466 = arith.addi %multiple_of3A, %add3A_465 : i32
        %get3A_467 = arith.constant 0 : i32
        %get3A_468 = arith.constant 0 : i32
        %get3A_469 = tpu.memref_slice %arg7[%scan3A_359, %get3A_467, %get3A_468] : memref<4x96x32xf32, #tpu.memory_space<vmem>> -> memref<1x96x32xf32, #tpu.memory_space<vmem>>
        %get3A_470 = tpu.memref_squeeze %get3A_469 : memref<1x96x32xf32, #tpu.memory_space<vmem>> -> memref<96x32xf32, #tpu.memory_space<vmem>>
        %get3A_471 = arith.index_cast %add3A_466 : i32 to index
        %get3A_472 = arith.constant 0 : index
        %get3A_473 = tpu.vector_load %get3A_470[%get3A_471, %get3A_472] {strides = array<i32>} : memref<96x32xf32, #tpu.memory_space<vmem>>, vector<1x16xf32>,
        %get3A_474 = vector.shape_cast %get3A_473 : vector<1x16xf32> to vector<16xf32>
        %add3A_475 = arith.addf %scan3A_393, %get3A_474 : vector<16xf32>
        %add3A_476 = arith.constant 3 : i32
        %add3A_477 = arith.addi %multiple_of3A, %add3A_476 : i32
        %get3A_478 = arith.constant 0 : i32
        %get3A_479 = arith.constant 0 : i32
        %get3A_480 = tpu.memref_slice %arg7[%scan3A_359, %get3A_478, %get3A_479] : memref<4x96x32xf32, #tpu.memory_space<vmem>> -> memref<1x96x32xf32, #tpu.memory_space<vmem>>
        %get3A_481 = tpu.memref_squeeze %get3A_480 : memref<1x96x32xf32, #tpu.memory_space<vmem>> -> memref<96x32xf32, #tpu.memory_space<vmem>>
        %get3A_482 = arith.index_cast %add3A_477 : i32 to index
        %get3A_483 = arith.constant 16 : index
        %get3A_484 = tpu.vector_load %get3A_481[%get3A_482, %get3A_483] {strides = array<i32>} : memref<96x32xf32, #tpu.memory_space<vmem>>, vector<1x16xf32>,
        %get3A_485 = vector.shape_cast %get3A_484 : vector<1x16xf32> to vector<16xf32>
        %add3A_486 = arith.addf %scan3A_397, %get3A_485 : vector<16xf32>
        %add3A_487 = arith.constant 4 : i32
        %add3A_488 = arith.addi %multiple_of3A, %add3A_487 : i32
        %get3A_489 = arith.constant 0 : i32
        %get3A_490 = arith.constant 0 : i32
        %get3A_491 = tpu.memref_slice %arg7[%scan3A_359, %get3A_489, %get3A_490] : memref<4x96x32xf32, #tpu.memory_space<vmem>> -> memref<1x96x32xf32, #tpu.memory_space<vmem>>
        %get3A_492 = tpu.memref_squeeze %get3A_491 : memref<1x96x32xf32, #tpu.memory_space<vmem>> -> memref<96x32xf32, #tpu.memory_space<vmem>>
        %get3A_493 = arith.index_cast %add3A_488 : i32 to index
        %get3A_494 = arith.constant 0 : index
        %get3A_495 = tpu.vector_load %get3A_492[%get3A_493, %get3A_494] {strides = array<i32>} : memref<96x32xf32, #tpu.memory_space<vmem>>, vector<1x16xf32>,
        %get3A_496 = vector.shape_cast %get3A_495 : vector<1x16xf32> to vector<16xf32>
        %add3A_497 = arith.addf %add3A_409, %get3A_496 : vector<16xf32>
        %add3A_498 = arith.constant 4 : i32
        %add3A_499 = arith.addi %multiple_of3A, %add3A_498 : i32
        %get3A_500 = arith.constant 0 : i32
        %get3A_501 = arith.constant 0 : i32
        %get3A_502 = tpu.memref_slice %arg7[%scan3A_359, %get3A_500, %get3A_501] : memref<4x96x32xf32, #tpu.memory_space<vmem>> -> memref<1x96x32xf32, #tpu.memory_space<vmem>>
        %get3A_503 = tpu.memref_squeeze %get3A_502 : memref<1x96x32xf32, #tpu.memory_space<vmem>> -> memref<96x32xf32, #tpu.memory_space<vmem>>
        %get3A_504 = arith.index_cast %add3A_499 : i32 to index
        %get3A_505 = arith.constant 16 : index
        %get3A_506 = tpu.vector_load %get3A_503[%get3A_504, %get3A_505] {strides = array<i32>} : memref<96x32xf32, #tpu.memory_space<vmem>>, vector<1x16xf32>,
        %get3A_507 = vector.shape_cast %get3A_506 : vector<1x16xf32> to vector<16xf32>
        %add3A_508 = arith.addf %add3A_420, %get3A_507 : vector<16xf32>
        %add3A_509 = arith.constant 5 : i32
        %add3A_510 = arith.addi %multiple_of3A, %add3A_509 : i32
        %get3A_511 = arith.constant 0 : i32
        %get3A_512 = arith.constant 0 : i32
        %get3A_513 = tpu.memref_slice %arg7[%scan3A_359, %get3A_511, %get3A_512] : memref<4x96x32xf32, #tpu.memory_space<vmem>> -> memref<1x96x32xf32, #tpu.memory_space<vmem>>
        %get3A_514 = tpu.memref_squeeze %get3A_513 : memref<1x96x32xf32, #tpu.memory_space<vmem>> -> memref<96x32xf32, #tpu.memory_space<vmem>>
        %get3A_515 = arith.index_cast %add3A_510 : i32 to index
        %get3A_516 = arith.constant 0 : index
        %get3A_517 = tpu.vector_load %get3A_514[%get3A_515, %get3A_516] {strides = array<i32>} : memref<96x32xf32, #tpu.memory_space<vmem>>, vector<1x16xf32>,
        %get3A_518 = vector.shape_cast %get3A_517 : vector<1x16xf32> to vector<16xf32>
        %add3A_519 = arith.addf %add3A_431, %get3A_518 : vector<16xf32>
        %add3A_520 = arith.constant 5 : i32
        %add3A_521 = arith.addi %multiple_of3A, %add3A_520 : i32
        %get3A_522 = arith.constant 0 : i32
        %get3A_523 = arith.constant 0 : i32
        %get3A_524 = tpu.memref_slice %arg7[%scan3A_359, %get3A_522, %get3A_523] : memref<4x96x32xf32, #tpu.memory_space<vmem>> -> memref<1x96x32xf32, #tpu.memory_space<vmem>>
        %get3A_525 = tpu.memref_squeeze %get3A_524 : memref<1x96x32xf32, #tpu.memory_space<vmem>> -> memref<96x32xf32, #tpu.memory_space<vmem>>
        %get3A_526 = arith.index_cast %add3A_521 : i32 to index
        %get3A_527 = arith.constant 16 : index
        %get3A_528 = tpu.vector_load %get3A_525[%get3A_526, %get3A_527] {strides = array<i32>} : memref<96x32xf32, #tpu.memory_space<vmem>>, vector<1x16xf32>,
        %get3A_529 = vector.shape_cast %get3A_528 : vector<1x16xf32> to vector<16xf32>
        %add3A_530 = arith.addf %add3A_442, %get3A_529 : vector<16xf32>
        %add3A_531 = arith.constant 6 : i32
        %add3A_532 = arith.addi %multiple_of3A, %add3A_531 : i32
        %get3A_533 = arith.constant 0 : i32
        %get3A_534 = arith.constant 0 : i32
        %get3A_535 = tpu.memref_slice %arg7[%scan3A_359, %get3A_533, %get3A_534] : memref<4x96x32xf32, #tpu.memory_space<vmem>> -> memref<1x96x32xf32, #tpu.memory_space<vmem>>
        %get3A_536 = tpu.memref_squeeze %get3A_535 : memref<1x96x32xf32, #tpu.memory_space<vmem>> -> memref<96x32xf32, #tpu.memory_space<vmem>>
        %get3A_537 = arith.index_cast %add3A_532 : i32 to index
        %get3A_538 = arith.constant 0 : index
        %get3A_539 = tpu.vector_load %get3A_536[%get3A_537, %get3A_538] {strides = array<i32>} : memref<96x32xf32, #tpu.memory_space<vmem>>, vector<1x16xf32>,
        %get3A_540 = vector.shape_cast %get3A_539 : vector<1x16xf32> to vector<16xf32>
        %add3A_541 = arith.addf %add3A_453, %get3A_540 : vector<16xf32>
        %add3A_542 = arith.constant 6 : i32
        %add3A_543 = arith.addi %multiple_of3A, %add3A_542 : i32
        %get3A_544 = arith.constant 0 : i32
        %get3A_545 = arith.constant 0 : i32
        %get3A_546 = tpu.memref_slice %arg7[%scan3A_359, %get3A_544, %get3A_545] : memref<4x96x32xf32, #tpu.memory_space<vmem>> -> memref<1x96x32xf32, #tpu.memory_space<vmem>>
        %get3A_547 = tpu.memref_squeeze %get3A_546 : memref<1x96x32xf32, #tpu.memory_space<vmem>> -> memref<96x32xf32, #tpu.memory_space<vmem>>
        %get3A_548 = arith.index_cast %add3A_543 : i32 to index
        %get3A_549 = arith.constant 16 : index
        %get3A_550 = tpu.vector_load %get3A_547[%get3A_548, %get3A_549] {strides = array<i32>} : memref<96x32xf32, #tpu.memory_space<vmem>>, vector<1x16xf32>,
        %get3A_551 = vector.shape_cast %get3A_550 : vector<1x16xf32> to vector<16xf32>
        %add3A_552 = arith.addf %add3A_464, %get3A_551 : vector<16xf32>
        %add3A_553 = arith.constant 7 : i32
        %add3A_554 = arith.addi %multiple_of3A, %add3A_553 : i32
        %get3A_555 = arith.constant 0 : i32
        %get3A_556 = arith.constant 0 : i32
        %get3A_557 = tpu.memref_slice %arg7[%scan3A_359, %get3A_555, %get3A_556] : memref<4x96x32xf32, #tpu.memory_space<vmem>> -> memref<1x96x32xf32, #tpu.memory_space<vmem>>
        %get3A_558 = tpu.memref_squeeze %get3A_557 : memref<1x96x32xf32, #tpu.memory_space<vmem>> -> memref<96x32xf32, #tpu.memory_space<vmem>>
        %get3A_559 = arith.index_cast %add3A_554 : i32 to index
        %get3A_560 = arith.constant 0 : index
        %get3A_561 = tpu.vector_load %get3A_558[%get3A_559, %get3A_560] {strides = array<i32>} : memref<96x32xf32, #tpu.memory_space<vmem>>, vector<1x16xf32>,
        %get3A_562 = vector.shape_cast %get3A_561 : vector<1x16xf32> to vector<16xf32>
        %add3A_563 = arith.addf %add3A_475, %get3A_562 : vector<16xf32>
        %add3A_564 = arith.constant 7 : i32
        %add3A_565 = arith.addi %multiple_of3A, %add3A_564 : i32
        %get3A_566 = arith.constant 0 : i32
        %get3A_567 = arith.constant 0 : i32
        %get3A_568 = tpu.memref_slice %arg7[%scan3A_359, %get3A_566, %get3A_567] : memref<4x96x32xf32, #tpu.memory_space<vmem>> -> memref<1x96x32xf32, #tpu.memory_space<vmem>>
        %get3A_569 = tpu.memref_squeeze %get3A_568 : memref<1x96x32xf32, #tpu.memory_space<vmem>> -> memref<96x32xf32, #tpu.memory_space<vmem>>
        %get3A_570 = arith.index_cast %add3A_565 : i32 to index
        %get3A_571 = arith.constant 16 : index
        %get3A_572 = tpu.vector_load %get3A_569[%get3A_570, %get3A_571] {strides = array<i32>} : memref<96x32xf32, #tpu.memory_space<vmem>>, vector<1x16xf32>,
        %get3A_573 = vector.shape_cast %get3A_572 : vector<1x16xf32> to vector<16xf32>
        %add3A_574 = arith.addf %add3A_486, %get3A_573 : vector<16xf32>
        scf.yield %add3A_497, %add3A_519, %add3A_541, %add3A_563, %add3A_508, %add3A_530, %add3A_552, %add3A_574 : vector<16xf32>, vector<16xf32>, vector<16xf32>, vector<16xf32>, vector<16xf32>, vector<16xf32>, vector<16xf32>, vector<16xf32>
      }
      %scan3A_365 = arith.constant 12 : i32
      %add3A_366 = arith.addf %scan3A_364#0, %scan3A_364#1 : vector<16xf32>
      %add3A_367 = arith.addf %scan3A_364#2, %scan3A_364#3 : vector<16xf32>
      %add3A_368 = arith.addf %add3A_366, %add3A_367 : vector<16xf32>
      %add3A_369 = arith.addf %scan3A_364#4, %scan3A_364#5 : vector<16xf32>
      %add3A_370 = arith.addf %scan3A_364#6, %scan3A_364#7 : vector<16xf32>
      %add3A_371 = arith.addf %add3A_369, %add3A_370 : vector<16xf32>
      %swap3A_372 = arith.index_cast %add3A_315 : i32 to index
      %swap3A_373 = arith.constant 0 : index
      %swap3A_374 = tpu.vector_load %arg8[%swap3A_372, %swap3A_373] {strides = array<i32>} : memref<128x32xf32, #tpu.memory_space<vmem>>, vector<1x16xf32>,
      %swap3A_375 = vector.shape_cast %swap3A_374 : vector<1x16xf32> to vector<16xf32>
      %swap3A_376 = vector.shape_cast %add3A_368 : vector<16xf32> to vector<1x16xf32>
      tpu.vector_store %arg8[%swap3A_372, %swap3A_373], %swap3A_376 {strides = array<i32>} : memref<128x32xf32, #tpu.memory_space<vmem>>, vector<1x16xf32>,
      %swap3A_377 = arith.index_cast %add3A_315 : i32 to index
      %swap3A_378 = arith.constant 16 : index
      %swap3A_379 = tpu.vector_load %arg8[%swap3A_377, %swap3A_378] {strides = array<i32>} : memref<128x32xf32, #tpu.memory_space<vmem>>, vector<1x16xf32>,
      %swap3A_380 = vector.shape_cast %swap3A_379 : vector<1x16xf32> to vector<16xf32>
      %swap3A_381 = vector.shape_cast %add3A_371 : vector<16xf32> to vector<1x16xf32>
      tpu.vector_store %arg8[%swap3A_377, %swap3A_378], %swap3A_381 {strides = array<i32>} : memref<128x32xf32, #tpu.memory_space<vmem>>, vector<1x16xf32>,
      %add3A_382 = arith.constant 4 : i32
      %add3A_383 = arith.addi %add3A_315, %add3A_382 : i32
      %lt3A_384 = arith.constant 128 : i32
      %lt3A_385 = arith.cmpi slt, %add3A_383, %lt3A_384 : i32
      %convert_element_type3A_386 = arith.extui %lt3A_385 : i1 to i32
      %cond3A_387 = arith.constant 0 : i32
      %cond3A_388 = arith.cmpi ne, %convert_element_type3A_386, %cond3A_387 : i32
      scf.if %cond3A_388 {
        %add3A_389 = arith.constant 4 : i32
        %add3A_390 = arith.addi %add3A_315, %add3A_389 : i32
        %mul3A_391 = arith.constant 200 : i32
        %mul3A_392 = arith.muli %add3A_390, %mul3A_391 : i32
        %dma_start3A_393 = arith.constant 3 : i32
        %dma_start3A_394 = arith.constant 0 : i32
        %dma_start3A_395 = arith.constant 0 : i32
        %dma_start3A_396 = tpu.memref_slice %arg6[%dma_start3A_393, %dma_start3A_394, %dma_start3A_395] : memref<4x104x32xf32, #tpu.memory_space<vmem>> -> memref<1x104x32xf32, #tpu.memory_space<vmem>>
        %dma_start3A_397 = tpu.memref_squeeze %dma_start3A_396 : memref<1x104x32xf32, #tpu.memory_space<vmem>> -> memref<104x32xf32, #tpu.memory_space<vmem>>
        %dma_start3A_398 = tpu.memref_slice %arg5[%mul3A_392] : memref<25600xi32, #tpu.memory_space<vmem>> -> memref<104xi32, #tpu.memory_space<vmem>>
        %dma_start3A_399 = arith.constant 0 : i32
        %dma_start3A_400 = arith.constant 0 : i32
        %dma_start3A_401 = tpu.memref_slice %arg3[%dma_start3A_399, %dma_start3A_400] : memref<1000000x32xf32, #tpu.memory_space<hbm>> -> memref<1000000x32xf32, #tpu.memory_space<hbm>>
        tpu.enqueue_indirect_dma source(%dma_start3A_401 : memref<1000000x32xf32, #tpu.memory_space<hbm>>) target(%dma_start3A_397 : memref<104x32xf32, #tpu.memory_space<vmem>>) offsets(%dma_start3A_398 : memref<104xi32, #tpu.memory_space<vmem>>) semaphore(%arg12 : memref<!tpu.dma_semaphore, #tpu.memory_space<semaphore_mem>>)
        %mul3A_402 = arith.constant 200 : i32
        %mul3A_403 = arith.muli %add3A_390, %mul3A_402 : i32
        %add3A_404 = arith.constant 104 : i32
        %add3A_405 = arith.addi %mul3A_403, %add3A_404 : i32
        %dma_start3A_406 = arith.constant 3 : i32
        %dma_start3A_407 = arith.constant 0 : i32
        %dma_start3A_408 = arith.constant 0 : i32
        %dma_start3A_409 = tpu.memref_slice %arg7[%dma_start3A_406, %dma_start3A_407, %dma_start3A_408] : memref<4x96x32xf32, #tpu.memory_space<vmem>> -> memref<1x96x32xf32, #tpu.memory_space<vmem>>
        %dma_start3A_410 = tpu.memref_squeeze %dma_start3A_409 : memref<1x96x32xf32, #tpu.memory_space<vmem>> -> memref<96x32xf32, #tpu.memory_space<vmem>>
        %dma_start3A_411 = tpu.memref_slice %arg5[%add3A_405] : memref<25600xi32, #tpu.memory_space<vmem>> -> memref<96xi32, #tpu.memory_space<vmem>>
        %dma_start3A_412 = arith.constant 0 : i32
        %dma_start3A_413 = arith.constant 0 : i32
        %dma_start3A_414 = tpu.memref_slice %arg3[%dma_start3A_412, %dma_start3A_413] : memref<1000000x32xf32, #tpu.memory_space<hbm>> -> memref<1000000x32xf32, #tpu.memory_space<hbm>>
        tpu.enqueue_indirect_dma source(%dma_start3A_414 : memref<1000000x32xf32, #tpu.memory_space<hbm>>) target(%dma_start3A_410 : memref<96x32xf32, #tpu.memory_space<vmem>>) offsets(%dma_start3A_411 : memref<96xi32, #tpu.memory_space<vmem>>) semaphore(%arg12 : memref<!tpu.dma_semaphore, #tpu.memory_space<semaphore_mem>>)
      } else {
      }
    }
    %scan3A_87 = arith.constant 32 : i32
    %mul3A_88 = arith.constant 128 : i32
    %mul3A_89 = arith.muli %add3A, %mul3A_88 : i32
    "tpu.region"() ({
      %run_scoped3A = tpu.sem_alloc : memref<!tpu.dma_semaphore, #tpu.memory_space<semaphore_mem>>
      %dma_start3A_90 = arith.constant 0 : i32
      %dma_start3A_91 = tpu.memref_slice %arg4[%mul3A_89, %dma_start3A_90] : memref<4096x32xf32, #tpu.memory_space<hbm>> -> memref<128x32xf32, #tpu.memory_space<hbm>>
      %dma_start3A_92 = arith.constant 0 : i32
      %dma_start3A_93 = tpu.memref_slice %arg4[%mul3A_89, %dma_start3A_92] : memref<4096x32xf32, #tpu.memory_space<hbm>> -> memref<128x32xf32, #tpu.memory_space<hbm>>
      tpu.enqueue_dma source(%arg8 : memref<128x32xf32, #tpu.memory_space<vmem>>) target(%dma_start3A_93 : memref<128x32xf32, #tpu.memory_space<hbm>>) target_semaphore(%run_scoped3A : memref<!tpu.dma_semaphore, #tpu.memory_space<semaphore_mem>>)
      %dma_wait3A = arith.constant 0 : i32
      %dma_wait3A_94 = tpu.memref_slice %arg4[%mul3A_89, %dma_wait3A] : memref<4096x32xf32, #tpu.memory_space<hbm>> -> memref<128x32xf32, #tpu.memory_space<hbm>>
      %dma_wait3A_95 = arith.constant 0 : i32
      %dma_wait3A_96 = tpu.memref_slice %arg4[%mul3A_89, %dma_wait3A_95] : memref<4096x32xf32, #tpu.memory_space<hbm>> -> memref<128x32xf32, #tpu.memory_space<hbm>>
      tpu.wait_dma2 semaphore(%run_scoped3A : memref<!tpu.dma_semaphore, #tpu.memory_space<semaphore_mem>>) src(%arg8 : memref<128x32xf32, #tpu.memory_space<vmem>>) dst(%dma_wait3A_96 : memref<128x32xf32, #tpu.memory_space<hbm>>)
      tpu.yield
    }) : () -> ()
    return
  }
}

module attributes {stable_mosaic.version = 14 : i64} {
  func.func @head_kernel(%arg0: memref<4096x32xf32, #tpu.memory_space<vmem>>, %arg1: memref<2x32xf32, #tpu.memory_space<vmem>>, %arg2: memref<1x2xf32, #tpu.memory_space<smem>>, %arg3: memref<4096x2xf32, #tpu.memory_space<vmem>>) attributes {dimension_semantics = [], scalar_prefetch = 0 : i64, scratch_operands = 0 : i64, tpu.core_type = #tpu.core_type<tc>} {
    %get3A = arith.constant 0 : index
    %get3A_0 = arith.constant 0 : index
    %get3A_1 = vector.load %arg0[%get3A, %get3A_0] : memref<4096x32xf32, #tpu.memory_space<vmem>>, vector<4096x32xf32>
    %mul3A = arith.constant 5.000000e-03 : f32
    %mul3A_2 = vector.broadcast %mul3A : f32 to vector<4096x32xf32>
    %mul3A_3 = arith.mulf %get3A_1, %mul3A_2 : vector<4096x32xf32>
    %get3A_4 = arith.constant 0 : index
    %get3A_5 = arith.constant 0 : index
    %get3A_6 = vector.load %arg1[%get3A_4, %get3A_5] : memref<2x32xf32, #tpu.memory_space<vmem>>, vector<2x32xf32>
    %slice3A = vector.extract_strided_slice %get3A_6 {offsets = [0, 0], sizes = [1, 32], strides = [1, 1]} : vector<2x32xf32> to vector<1x32xf32>
    %mul3A_7 = vector.broadcast %slice3A : vector<1x32xf32> to vector<4096x32xf32>
    %mul3A_8 = arith.mulf %mul3A_3, %mul3A_7 : vector<4096x32xf32>
    %reduce_sum3A = arith.constant dense<0.000000e+00> : vector<4096xf32>
    %reduce_sum3A_9 = vector.multi_reduction <add>, %mul3A_8, %reduce_sum3A [1] : vector<4096x32xf32> to vector<4096xf32>
    %broadcast_in_dim3A = vector.shape_cast %reduce_sum3A_9 : vector<4096xf32> to vector<4096x1xf32>
    %get3A_10 = arith.constant 0 : index
    %get3A_11 = arith.constant 0 : index
    %get3A_12 = memref.load %arg2[%get3A_10, %get3A_11] : memref<1x2xf32, #tpu.memory_space<smem>>
    %add3A = vector.broadcast %get3A_12 : f32 to vector<4096x1xf32>
    %add3A_13 = arith.addf %broadcast_in_dim3A, %add3A : vector<4096x1xf32>
    %slice3A_14 = vector.extract_strided_slice %get3A_6 {offsets = [1, 0], sizes = [1, 32], strides = [1, 1]} : vector<2x32xf32> to vector<1x32xf32>
    %mul3A_15 = vector.broadcast %slice3A_14 : vector<1x32xf32> to vector<4096x32xf32>
    %mul3A_16 = arith.mulf %mul3A_3, %mul3A_15 : vector<4096x32xf32>
    %reduce_sum3A_17 = arith.constant dense<0.000000e+00> : vector<4096xf32>
    %reduce_sum3A_18 = vector.multi_reduction <add>, %mul3A_16, %reduce_sum3A_17 [1] : vector<4096x32xf32> to vector<4096xf32>
    %broadcast_in_dim3A_19 = vector.shape_cast %reduce_sum3A_18 : vector<4096xf32> to vector<4096x1xf32>
    %get3A_20 = arith.constant 0 : index
    %get3A_21 = arith.constant 1 : index
    %get3A_22 = memref.load %arg2[%get3A_20, %get3A_21] : memref<1x2xf32, #tpu.memory_space<smem>>
    %add3A_23 = vector.broadcast %get3A_22 : f32 to vector<4096x1xf32>
    %add3A_24 = arith.addf %broadcast_in_dim3A_19, %add3A_23 : vector<4096x1xf32>
    %max3A = arith.maximumf %add3A_13, %add3A_24 : vector<4096x1xf32>
    %sub3A = arith.subf %add3A_13, %max3A : vector<4096x1xf32>
    %exp3A = math.exp %sub3A : vector<4096x1xf32>
    %sub3A_25 = arith.subf %add3A_24, %max3A : vector<4096x1xf32>
    %exp3A_26 = math.exp %sub3A_25 : vector<4096x1xf32>
    %add3A_27 = arith.addf %exp3A, %exp3A_26 : vector<4096x1xf32>
    %log3A = math.log %add3A_27 : vector<4096x1xf32>
    %add3A_28 = arith.addf %max3A, %log3A : vector<4096x1xf32>
    %sub3A_29 = arith.subf %add3A_13, %add3A_28 : vector<4096x1xf32>
    %sub3A_30 = arith.subf %add3A_24, %add3A_28 : vector<4096x1xf32>
    %concatenate3A = tpu.concatenate %sub3A_29, %sub3A_30 in 1 : vector<4096x1xf32>, vector<4096x1xf32> -> vector<4096x2xf32>
    %swap3A = arith.constant 0 : index
    %swap3A_31 = arith.constant 0 : index
    %swap3A_32 = vector.load %arg3[%swap3A, %swap3A_31] : memref<4096x2xf32, #tpu.memory_space<vmem>>, vector<4096x2xf32>
    tpu.vector_store %arg3[%swap3A, %swap3A_31], %concatenate3A {strides = array<i32>} : memref<4096x2xf32, #tpu.memory_space<vmem>>, vector<4096x2xf32>,
    return
  }
}

</mosaic_0001>

<sc_bundles>
// kernel: kernel.4.cloned.1.call-start
scs
__scs_entry_jumppad:
0x0: {  	(pc) =	sbr.rel $0x88, $3  }
0x1: {  	(tag) =	ssettag $0x0;
	lr =	simm.s32 $0x1  }
0x2: {  	[smem:$0x3F9D] =	sst lr;
	_ =	strace $0xD0000000  }
0x3: {  	_ = 	snop  }
0x4: {  	_ = 	snop  }
0x5: {  	_ = 	snop  }
0x6: {  	_ = 	snop  }
0x7: {  	_ = 	snop  }
__scs_overlays_trampoline_lowered:
0x8: {  	[smem:$0x3FAC] =	sst s0  }
0x9: {  	[smem:$0x3FAD] =	sst s1  }
0xa: {  	[smem:$0x3FAE] =	sst s2  }
0xb: {  	[smem:$0x3FAF] =	sst s3  }
0xc: {  	[smem:$0x3FB0] =	sst s4  }
0xd: {  	[smem:$0x3FB1] =	sst s5  }
0xe: {  	[smem:$0x3FB2] =	sst s6  }
0xf: {  	[smem:$0x3FB3] =	sst s7  }
0x10: {  	[smem:$0x3FB4] =	sst s8  }
0x11: {  	[smem:$0x3FB5] =	sst s9;
	s0 =	simm.s32 @!p0 $0x0  }
0x12: {  	s1 =	sld [smem:$0x3F9B];
	s0 =	simm.s32 @p0 $0x1  }
0x13: {  	[smem:$0x3FB6] =	sst s0;
	s0 =	simm.s32 @!p1 $0x0  }
0x14: {  	s2 =	sld [smem:$0x3F9A];
	s0 =	simm.s32 @p1 $0x1  }
0x15: {  	[smem:$0x3FB7] =	sst s0;
	s0 =	simm.s32 @!p2 $0x0  }
0x16: {  	s3 =	sld [smem:$0x3FDB];
	s0 =	simm.s32 @p2 $0x1  }
0x17: {  	s4 =	simm.s32 $0x1BF5;
	[smem:$0x3FB9] =	sst s0  }
0x18: {  	s0 =	sld [smem:$0x3F9C];
	_ =	swait.ge [sflag:s4], $0x0  }
0x19: {  	s7 =	sld [smem:$0x3F9D]  }
0x1a: {  	s8 =	sadd.s32 $0xFFFFE003, lr  }
0x1b: {  	s9 =	sadd.s32 $0xFFFFFEF7, lr;
	s5 =	simm.s32 $0xFFFFFFFF;
	p2 =	slt.u32 s8, $0xFFFFF086  }
0x1c: {  	p1 =	slt.u32 s9, $0xF7A;
	s5 =	simm.s32 @!p2 $0x0  }
0x1d: {  	s5 =	simm.s32 @p1 $0x1;
	p0 =	seq.s32 s7, s2  }
0x1e: {  	s7 =	smul.u32 @!p0 $0xF7A, s2;
	p2 =	seq.s32 @!p0 s5, $0x0  }
0x1f: {  	s9 =	smul.u32 $0xF7A, s1;
	s8 =	simm.s32 @!p0 $0x1BF5;
	p2 =	por !p2, p0  }
0x20: {  	[sflag:s8] =	ssyncset.s32 @!p0 $0xFFFFF086;
	s6 =	sadd.s32 @!p0 s3, s7;
	s7 =	simm.s32 @!p0 $0x108  }
0x21: {  	s3 =	sadd.s32 s3, s9;
	s6 =	sadd.s32 @!p0 $0x88, s6;
	s7 =	simm.s32 @p2 $0x1082  }
0x22: {  	[simem:s7], [sflag:s8] =	dma.local @!p0 [hbm:s6], $0xF7A  }
0x23: {  	s9 =	sor.u32 $0xD0000000, s2;
	s6 =	simm.s32 $0x108;
	_ =	swait.ge @!p0 [sflag:s8], $0x0  }
0x24: {  	s3 =	sadd.s32 $0x88, s3;
	s6 =	simm.s32 @!p1 $0x1082;
	[sflag:s4] =	ssyncset.s32 $0xFFFFF086  }
0x25: {  	[simem:s6], [sflag:s4] =	dma.local [hbm:s3], $0xF7A  }
0x26: {  	[smem:$0x3F9D] =	sst s1;
	(tag) =	ssettag s2;
	_ =	strace s9  }
0x27: {  	s1 =	sld [smem:$0x3FAD]  }
0x28: {  	s2 =	sld [smem:$0x3FAE]  }
0x29: {  	s4 =	sld [smem:$0x3FB0]  }
0x2a: {  	p0 =	seq.s32 s5, $0x0;
	s5 =	sld [smem:$0x3FB1]  }
0x2b: {  	s6 =	sld [smem:$0x3FB2]  }
0x2c: {  	s7 =	sld [smem:$0x3FB3]  }
0x2d: {  	s3 =	simm.s32 $0x108;
	s8 =	sld [smem:$0x3FB4]  }
0x2e: {  	s3 =	simm.s32 @!p0 $0x1082;
	s9 =	sld [smem:$0x3FB5]  }
0x2f: {  	lr =	sadd.s32 s0, s3;
	s0 =	sld [smem:$0x3FAC]  }
0x30: {  	s3 =	sld [smem:$0x3FAF]  }
0x31: {  	[smem:$0x3FB8] =	sst s10  }
0x32: {  	s10 =	sld [smem:$0x3FB6];
	_ =	sdelay $0x3  }
0x33: {  	p0 =	seq.s32 s10, $0x1;
	s10 =	sld [smem:$0x3FB8];
	_ =	sdelay $0x3  }
0x34: {  	[smem:$0x3FB8] =	sst s10  }
0x35: {  	s10 =	sld [smem:$0x3FB7];
	_ =	sdelay $0x3  }
0x36: {  	p1 =	seq.s32 s10, $0x1;
	s10 =	sld [smem:$0x3FB8];
	_ =	sdelay $0x3  }
0x37: {  	[smem:$0x3FB8] =	sst s10  }
0x38: {  	s10 =	sld [smem:$0x3FB9]  }
0x39: {  	_ = 	snop;
	(pc) =	sbr.ind lr, $3  }
0x3a: {  	_ = 	snop  }
0x3b: {  	_ = 	snop  }
0x3c: {  	p2 =	seq.s32 s10, $0x1;
	s10 =	sld [smem:$0x3FB8]  }
0x3d: {  	_ =	shalt  }
0x3e: {  	_ =	shalt  }
0x3f: {  	_ =	shalt  }
0x40: {  	_ =	shalt  }
0x41: {  	_ =	shalt  }
0x42: {  	_ =	shalt  }
0x43: {  	_ =	shalt  }
0x44: {  	_ =	shalt  }
0x45: {  	_ =	shalt  }
0x46: {  	_ =	shalt  }
0x47: {  	_ =	shalt  }
0x48: {  	_ =	shalt  }
0x49: {  	_ =	shalt  }
0x4a: {  	_ =	shalt  }
0x4b: {  	_ =	shalt  }
0x4c: {  	_ =	shalt  }
0x4d: {  	_ =	shalt  }
0x4e: {  	_ =	shalt  }
0x4f: {  	_ =	shalt  }
0x50: {  	_ =	shalt  }
0x51: {  	_ =	shalt  }
0x52: {  	_ =	shalt  }
0x53: {  	_ =	shalt  }
0x54: {  	_ =	shalt  }
0x55: {  	_ =	shalt  }
0x56: {  	_ =	shalt  }
0x57: {  	_ =	shalt  }
0x58: {  	_ =	shalt  }
0x59: {  	_ =	shalt  }
0x5a: {  	_ =	shalt  }
0x5b: {  	_ =	shalt  }
0x5c: {  	_ =	shalt  }
0x5d: {  	_ =	shalt  }
0x5e: {  	_ =	shalt  }
0x5f: {  	_ =	shalt  }
0x60: {  	_ =	shalt  }
0x61: {  	_ =	shalt  }
0x62: {  	_ =	shalt  }
0x63: {  	_ =	shalt  }
0x64: {  	_ =	shalt  }
0x65: {  	_ =	shalt  }
0x66: {  	_ =	shalt  }
0x67: {  	_ =	shalt  }
0x68: {  	_ =	shalt  }
0x69: {  	_ =	shalt  }
0x6a: {  	_ =	shalt  }
0x6b: {  	_ =	shalt  }
0x6c: {  	_ =	shalt  }
0x6d: {  	_ =	shalt  }
0x6e: {  	_ =	shalt  }
0x6f: {  	_ =	shalt  }
0x70: {  	_ =	shalt  }
0x71: {  	_ =	shalt  }
0x72: {  	_ =	shalt  }
0x73: {  	_ =	shalt  }
0x74: {  	_ =	shalt  }
0x75: {  	_ =	shalt  }
0x76: {  	_ =	shalt  }
0x77: {  	_ =	shalt  }
0x78: {  	_ =	shalt  }
0x79: {  	_ =	shalt  }
0x7a: {  	_ =	shalt  }
0x7b: {  	_ =	shalt  }
0x7c: {  	_ =	shalt  }
0x7d: {  	_ =	shalt  }
0x7e: {  	_ =	shalt  }
0x7f: {  	_ =	shalt  }
0x80: {  	_ =	shalt  }
0x81: {  	_ =	shalt  }
0x82: {  	_ =	shalt  }
0x83: {  	_ =	shalt  }
0x84: {  	_ =	shalt  }
0x85: {  	_ =	shalt  }
0x86: {  	_ =	shalt  }
0x87: {  	_ =	shalt  }
.Lfunc_end0:
.L_simem_size_0:
called_computation_lowered:
.L_overlay_start_0:
0x88: {  	s2 =	sld [smem:$0x3FD9]  }
0x89: {  	s3 =	sld [smem:$0x3FFE];
	_ =	sdelay $0x1  }
0x8a: {  	s1 =	srdreg.scid  }
0x8b: {  	s0 =	sand.u32 $0x1, s1  }
0x8c: {  	s16 =	sshll.u32 s0, $0xA;
	s2 =	sadd.s32 s3, s2  }
0x8d: {  	s2 =	sadd.s32 s2, s16  }
0x8e: {  	[smem:$0x3FC4] =	sst s2  }
0x8f: {  	_ = 	snop  }
0x90: {  	(tm) =	ssettm $0x1  }
0x91: {  	s17 =	sld [smem:$0x3FFB];
	_ =	sdelay $0x3  }
0x92: {  	_ =	strace s17  }
0x93: {  	s2 =	sld [smem:$0x3FFC];
	_ =	sdelay $0x3  }
0x94: {  	_ =	strace s2  }
0x95: {  	s2 =	sld [smem:$0x3FFD];
	_ =	sdelay $0x3  }
0x96: {  	_ =	strace s2  }
0x97: {  	_ =	strace $0x8FFFFFFF  }
0x98: {  	s18 =	sld [smem:$0x3FDB];
	_ =	sdelay $0x1  }
0x99: {  	s19 =	simm.s32 $_scs_section_size  }
0x9a: {  	s4 =	simm.s32 $_size__tile_overlayer_lowered;
	s5 =	simm.s32 $_tile_overlayer_lowered  }
0x9b: {  	s22 =	simm.s32 $0x1BFF;
	s21 =	sshll.u32 s5, $0x1;
	s2 =	sadd.s32 s19, s18  }
0x9c: {  	s6 =	simm.s32 $0x0;
	s20 =	sshll.u32 s4, $0x1;
	s4 =	sadd.s32 s21, s2  }
0x9d: {  	[timem:s6], [sflag:s22] =	dma.local [hbm:s4], s20  }
0x9e: {  	_ =	swait.ge [sflag:s22], s20  }
0x9f: {  	s3 =	ssub.s32 $0x0, s20;
	[sflag:s22] =	ssyncset.done $0x0  }
0xa0: {  	[sflag:s22] =	ssyncadd.s32 s3;
	_ =	sdelay $0x1  }
0xa1: {  	s23 =	simm.s32 $0x1B8B  }
0xa2: {  	_ =	swait.ge [sflag:s23], $0x1  }
0xa3: {  	[sflag:s23] =	ssyncset.done $0x0  }
0xa4: {  	s25 =	simm.s32 $0x1B8E;
	s24 =	sld [smem:$0x3FFE];
	[sflag:s23] =	ssyncadd.s32 $0xFFFFFFFF  }
0xa5: {  	s26 =	simm.s32 $execute0_lowered;
	[smem:$0x3FD2] =	sst s25  }
0xa6: {  	s4 =	sshll.u32 s26, $0x1;
	_ =	strace $0x80000046;
	[dreg:$0x1] =	wrdreg $0xFFFFFFFF  }
0xa7: {  	s28 =	simm.s32 $_size_execute0_lowered;
	s2 =	sadd.s32 s2, s4;
	[dreg:$0x0] =	wrdreg $0x0  }
0xa8: {  	s4 =	sshll.u32 s28, $0x1;
	[dreg:$0x2] =	wrdreg s2  }
0xa9: {  	[dreg:$0x3] =	wrdreg s4  }
0xaa: {  	[dreg:$0x4] =	wrdreg $0xC0  }
0xab: {  	_ =	task [dreg:s6], $0x5FFFF  }
0xac: {  	[dreg:$0x1] =	wrdreg $0xFFFFFFFF  }
0xad: {  	[dreg:$0x0] =	wrdreg $0x60  }
0xae: {  	[dreg:$0x2] =	wrdreg s24  }
0xaf: {  	[dreg:$0x3] =	wrdreg $0x9  }
0xb0: {  	_ =	task.clear_ibuf [dreg:s6], $0x4FFFF;
	_ =	strace $0x90000046  }
0xb1: {  	s29 =	simm.s32 $0x9;
	_ =	strace $0x80000048  }
0xb2: {  	_ =	swait.ge [sflag:s29], $0x1  }
0xb3: {  	[sflag:s29] =	ssyncadd.s32 $0xFFFFFFFF  }
0xb4: {  	_ =	strace $0x90000048  }
0xb5: {  	_ =	sfence  }
0xb6: {  	s30 =	sld [smem:$0x0];
	_ =	sdelay $0x2  }
0xb7: {  	s31 =	sshll.u32 s1, $0xD;
	s1 =	sshrl.u32 s1, $0x2  }
0xb8: {  	s3 =	sand.u32 $0x4000, s31;
	s1 =	sadd.s32 s1, s30  }
0xb9: {  	s0 =	sor.u32 s3, s0;
	s1 =	sshll.u32 s1, $0x11  }
0xba: {  	s0 =	sor.u32 s1, s0  }
0xbb: {  	s0 =	sadd.s32 $0x8F2B, s0  }
0xbc: {  	[sflag:s0] =	ssyncadd.remote.s32 $0x1  }
0xbd: {  	_ =	sfence.sel $0xFFFF  }
0xbe: {  	[dreg:$0x0] =	wrdreg $0xFFFFFFFF;
	(pc) =	sbr.abs _section_cstart, $3  }
0xbf: {  	[dreg:$0x1] =	wrdreg $0xFFFFFFFF  }
0xc0: {  	_ =	task.clear_ibuf [dreg:s6], $0x2FFFF;
	_ =	strace $0x9FFFFFFF  }
0xc1: {  	(tm) =	ssettm $0x7FFFFFFF  }
tec
execute0_lowered:
.L_overlay_start_1:
0x0: {  	(tag) =	ssettag $0x1  }
0x1: {  	s0 =	srdreg.scid;
	s2 =	stileid.u32  }
0x2: {  	s1 =	rddreg [dreg:$0x0];
	s7 =	simm.s32 $0x5;
	s8 =	simm.s32 $0x68  }
0x3: {  	s10 =	simm.s32 $0x60;
	s13 =	simm.s32 $0x7100;
	s14 =	simm.s32 $0x130  }
0x4: {  	s15 =	simm.s32 $0xA400;
	s16 =	simm.s32 $0x190;
	s17 =	simm.s32 $0x7E00  }
0x5: {  	s18 =	simm.s32 $0x1F8;
	s19 =	simm.s32 $0xB000;
	s20 =	simm.s32 $0x258  }
0x6: {  	s21 =	simm.s32 $0x8B00;
	s22 =	simm.s32 $0x2C0;
	s23 =	simm.s32 $0xBC00  }
0x7: {  	s24 =	simm.s32 $0x1;
	s25 =	simm.s32 $0x2;
	s26 =	simm.s32 $0x3  }
0x8: {  	s28 =	simm.s32 $0x4;
	s29 =	simm.s32 $0xC800;
	s30 =	simm.s32 $0x0  }
0x9: {  	s0 =	sand.u32 $0x1, s0;
	s3 =	sshll.u32 s2, $0x1;
	s2 =	simm.s32 $0x0  }
.Ltmp0:
0xa: {  	s3 =	sor.u32 s0, s3;
	[smem:$0x7FF] =	sst s2;
	(pc) =	sbr.rel .LBB2_1-.Ltmp0, $4  }
0xb: {  	s0 =	ssub.s32 $0x2, s0;
	s4 =	smul.u32 $0xC80, s3;
	_ =	strace $0x80000047  }
0xc: {  	s5 =	sshll.u32 s3, $0x9;
	s3 =	sadd.s32 $0xF42E00, s1;
	s31 =	sshrl.u32 s0, $0x1  }
0xd: {  	s0 =	ssub.s32 s0, s31;
	s4 =	sadd.s32 s4, s1;
	s1 =	sadd.s32 s5, s1  }
0xe: {  	s6 =	smax.u32 s0, $0x1;
	s4 =	sadd.s32 $0xA00, s4;
	s5 =	sadd.s32 $0x19A00, s1  }
.LBB2_20:
0xf: {  	s30 =	sadd.s32 $0x1, s30  }
0x10: {  	p0 =	sne.s32 s30, s6  }
.Ltmp1:
0x11: {  	_ = 	snop;
	(pc) =	sbr.rel @!p0 .LBB2_21-.Ltmp1, $4  }
0x12: {  	[hbm4b:s5+s2] =	stream.linear.scatter [tilespmem:s29], [sflag:$0x5], $0x1000, $0x38;
	[tilespmem:$0xD800] =	vst v63  }
0x13: {  	_ =	swait.ge [sflag:s7], $0x1000  }
0x14: {  	[sflag:s7] =	ssyncset.done $0x0  }
0x15: {  	[sflag:s7] =	ssyncadd.s32 $0xFFFFF000  }
.LBB2_1:
0x16: {  	[tilespmem:s2], [sflag:$0x5] =	stream.linear.gather [hbm4b:s4+s2], $0x6400, $0x38;
	[tilespmem:$0xD800] =	vst v63  }
0x17: {  	_ =	swait.ge [sflag:s7], $0x6400  }
0x18: {  	[sflag:s7] =	ssyncset.done $0x0  }
0x19: {  	s0 =	simm.s32 $0x6400;
	[sflag:s7] =	ssyncadd.s32 $0xFFFF9C00  }
0x1a: {  	[tilespmem:s0], [sflag:$0x1] =	stream.indirect.gather [hbm4b:s3+s8], $0x20, s2, s8, $0xb8;
	[tilespmem:$0xD800] =	vst v63  }
0x1b: {  	s11 =	simm.s32 $0x9800  }
0x1c: {  	[tilespmem:s11], [sflag:$0x1] =	stream.indirect.gather [hbm4b:s3+s10], $0x20, s8, s10, $0xb8;
	[tilespmem:$0xD800] =	vst v63  }
0x1d: {  	s12 =	simm.s32 $0xC8  }
0x1e: {  	[tilespmem:s13], [sflag:$0x2] =	stream.indirect.gather [hbm4b:s3+s8], $0x20, s12, s8, $0xb8;
	[tilespmem:$0xD800] =	vst v63  }
0x1f: {  	_ = 	snop  }
0x20: {  	[tilespmem:s15], [sflag:$0x2] =	stream.indirect.gather [hbm4b:s3+s10], $0x20, s14, s10, $0xb8;
	[tilespmem:$0xD800] =	vst v63  }
0x21: {  	_ = 	snop  }
0x22: {  	[tilespmem:s17], [sflag:$0x3] =	stream.indirect.gather [hbm4b:s3+s8], $0x20, s16, s8, $0xb8;
	[tilespmem:$0xD800] =	vst v63  }
0x23: {  	_ = 	snop  }
0x24: {  	[tilespmem:s19], [sflag:$0x3] =	stream.indirect.gather [hbm4b:s3+s10], $0x20, s18, s10, $0xb8;
	[tilespmem:$0xD800] =	vst v63  }
0x25: {  	_ = 	snop  }
0x26: {  	[tilespmem:s21], [sflag:$0x4] =	stream.indirect.gather [hbm4b:s3+s8], $0x20, s20, s8, $0xb8;
	[tilespmem:$0xD800] =	vst v63  }
0x27: {  	s31 =	simm.s32 $0x0  }
0x28: {  	[tilespmem:s23], [sflag:$0x4] =	stream.indirect.gather [hbm4b:s3+s10], $0x20, s22, s10, $0xb8;
	[tilespmem:$0xD800] =	vst v63  }
.LBB2_2:
0x29: {  	_ =	swait.ge [sflag:s24], $0xD00  }
0x2a: {  	[sflag:s24] =	ssyncset.done $0x0  }
0x2b: {  	[sflag:s24] =	ssyncadd.s32 $0xFFFFF300  }
0x2c: {  	_ =	swait.ge [sflag:s24], $0xC00  }
0x2d: {  	[sflag:s24] =	ssyncset.done $0x0  }
0x2e: {  	s0 =	simm.s32 $0x0;
	[sflag:s24] =	ssyncadd.s32 $0xFFFFF400  }
0x2f: {  	v1 =	vld [tilespmem:s0+$0x6480]  }
0x30: {  	v4 =	vld [tilespmem:s0+$0x6490]  }
0x31: {  	v5 =	vld [tilespmem:s0+$0x64A0]  }
0x32: {  	v6 =	vld [tilespmem:s0+$0x64B0]  }
0x33: {  	v2 =	vld [tilespmem:s0+$0x64C0]  }
0x34: {  	v3 =	vld [tilespmem:s0+$0x64D0]  }
0x35: {  	v19 =	vld [tilespmem:s0+$0x6400]  }
0x36: {  	v20 =	vld [tilespmem:s0+$0x6410]  }
0x37: {  	v17 =	vld [tilespmem:s0+$0x6420]  }
0x38: {  	v18 =	vld [tilespmem:s0+$0x6430]  }
0x39: {  	v0 =	vimm.f32 $0.0e+00;
	v11 =	vimm.f32 $0.0e+00;
	v14 =	vld [tilespmem:s0+$0x6440]  }
0x3a: {  	v12 =	vimm.f32 $0.0e+00;
	v13 =	vimm.f32 $0.0e+00;
	v7 =	vimm.f32 $0.0e+00;
	v15 =	vld [tilespmem:s0+$0x6450]  }
0x3b: {  	s1 =	simm.s32 $0x400;
	v8 =	vimm.f32 $0.0e+00;
	v10 =	vimm.f32 $0.0e+00;
	v9 =	vimm.f32 $0.0e+00;
	v16 =	vld [tilespmem:s0+$0x6460]  }
.LBB2_3:
0x3c: {  	p0 =	sne.s32 s1, $0x3000;
	v0 =	vadd.f32 v19, v0;
	v11 =	vadd.f32 v20, v11;
	v19 =	vld [tilespmem:s0+$0x6470]  }
0x3d: {  	v12 =	vadd.f32 v17, v12;
	v13 =	vadd.f32 v18, v13;
	v17 =	vld [tilespmem:s0+$0x64E0]  }
0x3e: {  	v0 =	vadd.f32 v1, v0;
	v11 =	vadd.f32 v4, v11;
	v18 =	vld [tilespmem:s0+$0x64F0];
	s0 =	sshra.s32 s1, $0x2  }
0x3f: {  	v12 =	vadd.f32 v5, v12;
	v1 =	vld [tilespmem:s0+$0x6480];
	v13 =	vadd.f32 v6, v13  }
0x40: {  	v7 =	vadd.f32 v14, v7;
	v8 =	vadd.f32 v15, v8;
	v4 =	vld [tilespmem:s0+$0x6490]  }
0x41: {  	v10 =	vadd.f32 v16, v10;
	v5 =	vld [tilespmem:s0+$0x64A0];
	v9 =	vadd.f32 v19, v9  }
0x42: {  	v7 =	vadd.f32 v2, v7;
	v8 =	vadd.f32 v3, v8;
	v6 =	vld [tilespmem:s0+$0x64B0]  }
0x43: {  	v10 =	vadd.f32 v17, v10;
	v2 =	vld [tilespmem:s0+$0x64C0];
	v9 =	vadd.f32 v18, v9  }
0x44: {  	v3 =	vld [tilespmem:s0+$0x64D0]  }
0x45: {  	v19 =	vld [tilespmem:s0+$0x6400]  }
0x46: {  	v20 =	vld [tilespmem:s0+$0x6410]  }
.Ltmp2:
0x47: {  	v17 =	vld [tilespmem:s0+$0x6420];
	(pc) =	sbr.rel @p0 .LBB2_3-.Ltmp2, $4  }
0x48: {  	v18 =	vld [tilespmem:s0+$0x6430]  }
0x49: {  	v14 =	vld [tilespmem:s0+$0x6440]  }
0x4a: {  	v15 =	vld [tilespmem:s0+$0x6450]  }
0x4b: {  	s1 =	sadd.s32 $0x400, s1;
	v16 =	vld [tilespmem:s0+$0x6460]  }
0x4c: {  	v21 =	vld [tilespmem:s0+$0x6470]  }
0x4d: {  	v22 =	vld [tilespmem:s0+$0x64E0]  }
0x4e: {  	v11 =	vadd.f32 v20, v11;
	v20 =	vld [tilespmem:s0+$0x64F0];
	s0 =	simm.s32 $0x0  }
0x4f: {  	v19 =	vadd.f32 v19, v0;
	v0 =	vld [tilespmem:s0+$0x9880]  }
0x50: {  	v12 =	vadd.f32 v17, v12;
	v13 =	vadd.f32 v18, v13;
	v17 =	vld [tilespmem:s0+$0x9800]  }
0x51: {  	v18 =	vadd.f32 v1, v19;
	v11 =	vadd.f32 v4, v11;
	v4 =	vld [tilespmem:s0+$0x9890]  }
0x52: {  	v12 =	vadd.f32 v5, v12;
	v5 =	vld [tilespmem:s0+$0x98A0];
	v7 =	vadd.f32 v14, v7  }
0x53: {  	v1 =	vld [tilespmem:s0+$0x98C0];
	v13 =	vadd.f32 v6, v13;
	v8 =	vadd.f32 v15, v8  }
0x54: {  	v19 =	vld [tilespmem:s0+$0x9820];
	v10 =	vadd.f32 v16, v10;
	v9 =	vadd.f32 v21, v9  }
0x55: {  	v14 =	vld [tilespmem:s0+$0x9840];
	v7 =	vadd.f32 v2, v7;
	v3 =	vadd.f32 v3, v8  }
0x56: {  	v6 =	vld [tilespmem:s0+$0x98B0];
	v10 =	vadd.f32 v22, v10;
	v8 =	vadd.f32 v20, v9  }
0x57: {  	v11 =	vadd.f32 v13, v11;
	v9 =	vadd.f32 v12, v18;
	v18 =	vld [tilespmem:s0+$0x9810]  }
0x58: {  	v20 =	vld [tilespmem:s0+$0x9830];
	v7 =	vadd.f32 v10, v7;
	v3 =	vadd.f32 v8, v3  }
0x59: {  	v15 =	vld [tilespmem:s0+$0x9850];
	v13 =	vimm.f32 $0.0e+00;
	v12 =	vimm.f32 $0.0e+00  }
0x5a: {  	v2 =	vld [tilespmem:s0+$0x98D0];
	v8 =	vimm.f32 $0.0e+00;
	v10 =	vadd.f32 v7, v9;
	v11 =	vadd.f32 v3, v11  }
0x5b: {  	s1 =	simm.s32 $0x400;
	v16 =	vld [tilespmem:s0+$0x9860];
	v7 =	vimm.f32 $0.0e+00;
	v9 =	vimm.f32 $0.0e+00;
	v3 =	vimm.f32 $0.0e+00  }
.LBB2_5:
0x5c: {  	p0 =	sne.s32 s1, $0x2C00;
	v10 =	vadd.f32 v17, v10;
	v11 =	vadd.f32 v18, v11;
	v17 =	vld [tilespmem:s0+$0x9870]  }
0x5d: {  	v12 =	vadd.f32 v19, v12;
	v13 =	vadd.f32 v20, v13;
	v18 =	vld [tilespmem:s0+$0x98E0]  }
0x5e: {  	v10 =	vadd.f32 v0, v10;
	v11 =	vadd.f32 v4, v11;
	v19 =	vld [tilespmem:s0+$0x98F0];
	s0 =	sshra.s32 s1, $0x2  }
0x5f: {  	v12 =	vadd.f32 v5, v12;
	v0 =	vld [tilespmem:s0+$0x9880];
	v13 =	vadd.f32 v6, v13  }
0x60: {  	v3 =	vadd.f32 v14, v3;
	v7 =	vadd.f32 v15, v7;
	v4 =	vld [tilespmem:s0+$0x9890]  }
0x61: {  	v9 =	vadd.f32 v16, v9;
	v5 =	vld [tilespmem:s0+$0x98A0];
	v8 =	vadd.f32 v17, v8  }
0x62: {  	v3 =	vadd.f32 v1, v3;
	v7 =	vadd.f32 v2, v7;
	v6 =	vld [tilespmem:s0+$0x98B0]  }
0x63: {  	v9 =	vadd.f32 v18, v9;
	v1 =	vld [tilespmem:s0+$0x98C0];
	v8 =	vadd.f32 v19, v8  }
0x64: {  	v2 =	vld [tilespmem:s0+$0x98D0]  }
0x65: {  	v17 =	vld [tilespmem:s0+$0x9800]  }
0x66: {  	v18 =	vld [tilespmem:s0+$0x9810]  }
.Ltmp3:
0x67: {  	v19 =	vld [tilespmem:s0+$0x9820];
	(pc) =	sbr.rel @p0 .LBB2_5-.Ltmp3, $4  }
0x68: {  	v20 =	vld [tilespmem:s0+$0x9830]  }
0x69: {  	v14 =	vld [tilespmem:s0+$0x9840]  }
0x6a: {  	v15 =	vld [tilespmem:s0+$0x9850]  }
0x6b: {  	s1 =	sadd.s32 $0x400, s1;
	v16 =	vld [tilespmem:s0+$0x9860]  }
0x6c: {  	v10 =	vadd.f32 v17, v10;
	v11 =	vadd.f32 v18, v11;
	v17 =	vld [tilespmem:s0+$0x9870]  }
0x6d: {  	v12 =	vadd.f32 v19, v12;
	v18 =	vld [tilespmem:s0+$0x98E0];
	v13 =	vadd.f32 v20, v13  }
0x6e: {  	v0 =	vadd.f32 v0, v10;
	v4 =	vadd.f32 v4, v11;
	v10 =	vld [tilespmem:s0+$0x98F0]  }
0x6f: {  	v5 =	vadd.f32 v5, v12;
	v3 =	vadd.f32 v14, v3  }
0x70: {  	v6 =	vadd.f32 v6, v13;
	v9 =	vadd.f32 v16, v9  }
0x71: {  	v7 =	vadd.f32 v15, v7;
	v8 =	vadd.f32 v17, v8  }
0x72: {  	v1 =	vadd.f32 v1, v3;
	v3 =	vadd.f32 v18, v9  }
0x73: {  	v2 =	vadd.f32 v2, v7;
	v7 =	vadd.f32 v10, v8  }
0x74: {  	v0 =	vadd.f32 v5, v0;
	v1 =	vadd.f32 v3, v1  }
0x75: {  	p0 =	seq.s32 s31, $0x1F;
	v3 =	vadd.f32 v6, v4;
	v2 =	vadd.f32 v7, v2  }
0x76: {  	s12 =	sshll.u32 s31, $0x7;
	s9 =	smul.u32 @!p0 $0xC80, s31;
	v0 =	vadd.f32 v1, v0  }
0x77: {  	s1 =	sand.u32 $0x3FFFFF80, s12;
	v1 =	vadd.f32 v2, v3  }
0x78: {  	s0 =	sshra.s32 @!p0 s9, $0x2;
	[tilespmem:s1+$0xC800] =	vst v0  }
0x79: {  	s11 =	simm.s32 @!p0 $0x68;
	s12 =	simm.s32 @!p0 $0x6400;
	s9 =	sadd.s32 @!p0 $0x320, s0;
	[tilespmem:s1+$0xC810] =	vst v1  }
0x7a: {  	[tilespmem:s12], [sflag:$0x1] =	stream.indirect.gather @!p0 [hbm4b:s3+s11], $0x20, s9, s11, $0xb8;
	[tilespmem:$0xD800] =	vst v63  }
0x7b: {  	s9 =	sadd.s32 @!p0 $0x388, s0;
	s11 =	simm.s32 @!p0 $0x60;
	s12 =	simm.s32 @!p0 $0x9800  }
0x7c: {  	[tilespmem:s12], [sflag:$0x1] =	stream.indirect.gather @!p0 [hbm4b:s3+s11], $0x20, s9, s11, $0xb8;
	[tilespmem:$0xD800] =	vst v63  }
0x7d: {  	_ =	swait.ge [sflag:s25], $0xD00  }
0x7e: {  	[sflag:s25] =	ssyncset.done $0x0  }
0x7f: {  	[sflag:s25] =	ssyncadd.s32 $0xFFFFF300  }
0x80: {  	_ =	swait.ge [sflag:s25], $0xC00  }
0x81: {  	[sflag:s25] =	ssyncset.done $0x0  }
0x82: {  	s9 =	simm.s32 $0x0;
	[sflag:s25] =	ssyncadd.s32 $0xFFFFF400  }
0x83: {  	v1 =	vld [tilespmem:s9+$0x7180]  }
0x84: {  	v4 =	vld [tilespmem:s9+$0x7190]  }
0x85: {  	v5 =	vld [tilespmem:s9+$0x71A0]  }
0x86: {  	v6 =	vld [tilespmem:s9+$0x71B0]  }
0x87: {  	v2 =	vld [tilespmem:s9+$0x71C0]  }
0x88: {  	v3 =	vld [tilespmem:s9+$0x71D0]  }
0x89: {  	v19 =	vld [tilespmem:s9+$0x7100]  }
0x8a: {  	v20 =	vld [tilespmem:s9+$0x7110]  }
0x8b: {  	v17 =	vld [tilespmem:s9+$0x7120]  }
0x8c: {  	v18 =	vld [tilespmem:s9+$0x7130]  }
0x8d: {  	v11 =	vimm.f32 $0.0e+00;
	v12 =	vimm.f32 $0.0e+00;
	v14 =	vld [tilespmem:s9+$0x7140]  }
0x8e: {  	v13 =	vimm.f32 $0.0e+00;
	v9 =	vimm.f32 $0.0e+00;
	v8 =	vimm.f32 $0.0e+00;
	v15 =	vld [tilespmem:s9+$0x7150]  }
0x8f: {  	v10 =	vimm.f32 $0.0e+00;
	v7 =	vimm.f32 $0.0e+00;
	v0 =	vimm.f32 $0.0e+00;
	s11 =	simm.s32 $0x400;
	v16 =	vld [tilespmem:s9+$0x7160]  }
.LBB2_7:
0x90: {  	p1 =	sne.s32 s11, $0x3000;
	v0 =	vadd.f32 v19, v0;
	v11 =	vadd.f32 v20, v11;
	v19 =	vld [tilespmem:s9+$0x7170]  }
0x91: {  	v12 =	vadd.f32 v17, v12;
	v13 =	vadd.f32 v18, v13;
	v17 =	vld [tilespmem:s9+$0x71E0]  }
0x92: {  	v0 =	vadd.f32 v1, v0;
	v11 =	vadd.f32 v4, v11;
	v18 =	vld [tilespmem:s9+$0x71F0];
	s9 =	sshra.s32 s11, $0x2  }
0x93: {  	v12 =	vadd.f32 v5, v12;
	v1 =	vld [tilespmem:s9+$0x7180];
	v13 =	vadd.f32 v6, v13  }
0x94: {  	v7 =	vadd.f32 v14, v7;
	v8 =	vadd.f32 v15, v8;
	v4 =	vld [tilespmem:s9+$0x7190]  }
0x95: {  	v10 =	vadd.f32 v16, v10;
	v5 =	vld [tilespmem:s9+$0x71A0];
	v9 =	vadd.f32 v19, v9  }
0x96: {  	v7 =	vadd.f32 v2, v7;
	v8 =	vadd.f32 v3, v8;
	v6 =	vld [tilespmem:s9+$0x71B0]  }
0x97: {  	v10 =	vadd.f32 v17, v10;
	v2 =	vld [tilespmem:s9+$0x71C0];
	v9 =	vadd.f32 v18, v9  }
0x98: {  	v3 =	vld [tilespmem:s9+$0x71D0]  }
0x99: {  	v19 =	vld [tilespmem:s9+$0x7100]  }
0x9a: {  	v20 =	vld [tilespmem:s9+$0x7110]  }
.Ltmp4:
0x9b: {  	v17 =	vld [tilespmem:s9+$0x7120];
	(pc) =	sbr.rel @p1 .LBB2_7-.Ltmp4, $4  }
0x9c: {  	v18 =	vld [tilespmem:s9+$0x7130]  }
0x9d: {  	v14 =	vld [tilespmem:s9+$0x7140]  }
0x9e: {  	v15 =	vld [tilespmem:s9+$0x7150]  }
0x9f: {  	s11 =	sadd.s32 $0x400, s11;
	v16 =	vld [tilespmem:s9+$0x7160]  }
0xa0: {  	v21 =	vld [tilespmem:s9+$0x7170]  }
0xa1: {  	v22 =	vld [tilespmem:s9+$0x71E0]  }
0xa2: {  	v11 =	vadd.f32 v20, v11;
	v20 =	vld [tilespmem:s9+$0x71F0];
	s9 =	simm.s32 $0x0  }
0xa3: {  	v19 =	vadd.f32 v19, v0;
	v0 =	vld [tilespmem:s9+$0xA480]  }
0xa4: {  	v12 =	vadd.f32 v17, v12;
	v13 =	vadd.f32 v18, v13;
	v17 =	vld [tilespmem:s9+$0xA400]  }
0xa5: {  	v18 =	vadd.f32 v1, v19;
	v11 =	vadd.f32 v4, v11;
	v4 =	vld [tilespmem:s9+$0xA490]  }
0xa6: {  	v12 =	vadd.f32 v5, v12;
	v5 =	vld [tilespmem:s9+$0xA4A0];
	v7 =	vadd.f32 v14, v7  }
0xa7: {  	v1 =	vld [tilespmem:s9+$0xA4C0];
	v13 =	vadd.f32 v6, v13;
	v8 =	vadd.f32 v15, v8  }
0xa8: {  	v19 =	vld [tilespmem:s9+$0xA420];
	v10 =	vadd.f32 v16, v10;
	v9 =	vadd.f32 v21, v9  }
0xa9: {  	v14 =	vld [tilespmem:s9+$0xA440];
	v7 =	vadd.f32 v2, v7;
	v3 =	vadd.f32 v3, v8  }
0xaa: {  	v6 =	vld [tilespmem:s9+$0xA4B0];
	v10 =	vadd.f32 v22, v10;
	v8 =	vadd.f32 v20, v9  }
0xab: {  	v11 =	vadd.f32 v13, v11;
	v9 =	vadd.f32 v12, v18;
	v18 =	vld [tilespmem:s9+$0xA410]  }
0xac: {  	v20 =	vld [tilespmem:s9+$0xA430];
	v7 =	vadd.f32 v10, v7;
	v3 =	vadd.f32 v8, v3  }
0xad: {  	v15 =	vld [tilespmem:s9+$0xA450];
	v13 =	vimm.f32 $0.0e+00;
	v12 =	vimm.f32 $0.0e+00  }
0xae: {  	v2 =	vld [tilespmem:s9+$0xA4D0];
	v8 =	vimm.f32 $0.0e+00;
	v10 =	vadd.f32 v7, v9;
	v11 =	vadd.f32 v3, v11  }
0xaf: {  	s11 =	simm.s32 $0x400;
	v16 =	vld [tilespmem:s9+$0xA460];
	v7 =	vimm.f32 $0.0e+00;
	v9 =	vimm.f32 $0.0e+00;
	v3 =	vimm.f32 $0.0e+00  }
.LBB2_9:
0xb0: {  	p1 =	sne.s32 s11, $0x2C00;
	v10 =	vadd.f32 v17, v10;
	v11 =	vadd.f32 v18, v11;
	v17 =	vld [tilespmem:s9+$0xA470]  }
0xb1: {  	v12 =	vadd.f32 v19, v12;
	v13 =	vadd.f32 v20, v13;
	v18 =	vld [tilespmem:s9+$0xA4E0]  }
0xb2: {  	v10 =	vadd.f32 v0, v10;
	v11 =	vadd.f32 v4, v11;
	v19 =	vld [tilespmem:s9+$0xA4F0];
	s9 =	sshra.s32 s11, $0x2  }
0xb3: {  	v12 =	vadd.f32 v5, v12;
	v0 =	vld [tilespmem:s9+$0xA480];
	v13 =	vadd.f32 v6, v13  }
0xb4: {  	v3 =	vadd.f32 v14, v3;
	v7 =	vadd.f32 v15, v7;
	v4 =	vld [tilespmem:s9+$0xA490]  }
0xb5: {  	v9 =	vadd.f32 v16, v9;
	v5 =	vld [tilespmem:s9+$0xA4A0];
	v8 =	vadd.f32 v17, v8  }
0xb6: {  	v3 =	vadd.f32 v1, v3;
	v7 =	vadd.f32 v2, v7;
	v6 =	vld [tilespmem:s9+$0xA4B0]  }
0xb7: {  	v9 =	vadd.f32 v18, v9;
	v1 =	vld [tilespmem:s9+$0xA4C0];
	v8 =	vadd.f32 v19, v8  }
0xb8: {  	v2 =	vld [tilespmem:s9+$0xA4D0]  }
0xb9: {  	v17 =	vld [tilespmem:s9+$0xA400]  }
0xba: {  	v18 =	vld [tilespmem:s9+$0xA410]  }
.Ltmp5:
0xbb: {  	v19 =	vld [tilespmem:s9+$0xA420];
	(pc) =	sbr.rel @p1 .LBB2_9-.Ltmp5, $4  }
0xbc: {  	v20 =	vld [tilespmem:s9+$0xA430]  }
0xbd: {  	v14 =	vld [tilespmem:s9+$0xA440]  }
0xbe: {  	v15 =	vld [tilespmem:s9+$0xA450]  }
0xbf: {  	s11 =	sadd.s32 $0x400, s11;
	v16 =	vld [tilespmem:s9+$0xA460]  }
0xc0: {  	v10 =	vadd.f32 v17, v10;
	v11 =	vadd.f32 v18, v11;
	v17 =	vld [tilespmem:s9+$0xA470]  }
0xc1: {  	v12 =	vadd.f32 v19, v12;
	v18 =	vld [tilespmem:s9+$0xA4E0];
	v13 =	vadd.f32 v20, v13  }
0xc2: {  	v0 =	vadd.f32 v0, v10;
	v4 =	vadd.f32 v4, v11;
	v10 =	vld [tilespmem:s9+$0xA4F0]  }
0xc3: {  	v5 =	vadd.f32 v5, v12;
	v3 =	vadd.f32 v14, v3  }
0xc4: {  	v6 =	vadd.f32 v6, v13;
	v9 =	vadd.f32 v16, v9  }
0xc5: {  	v7 =	vadd.f32 v15, v7;
	v8 =	vadd.f32 v17, v8  }
0xc6: {  	v1 =	vadd.f32 v1, v3;
	v3 =	vadd.f32 v18, v9  }
0xc7: {  	v2 =	vadd.f32 v2, v7;
	v7 =	vadd.f32 v10, v8  }
0xc8: {  	v0 =	vadd.f32 v5, v0;
	v1 =	vadd.f32 v3, v1  }
0xc9: {  	v3 =	vadd.f32 v6, v4;
	v2 =	vadd.f32 v7, v2  }
0xca: {  	v0 =	vadd.f32 v1, v0  }
0xcb: {  	v1 =	vadd.f32 v2, v3  }
0xcc: {  	[tilespmem:s1+$0xC820] =	vst v0  }
0xcd: {  	s11 =	simm.s32 @!p0 $0x68;
	s12 =	simm.s32 @!p0 $0x7100;
	s9 =	sadd.s32 @!p0 $0x3E8, s0;
	[tilespmem:s1+$0xC830] =	vst v1  }
0xce: {  	[tilespmem:s12], [sflag:$0x2] =	stream.indirect.gather @!p0 [hbm4b:s3+s11], $0x20, s9, s11, $0xb8;
	[tilespmem:$0xD800] =	vst v63  }
0xcf: {  	s9 =	sadd.s32 @!p0 $0x450, s0;
	s11 =	simm.s32 @!p0 $0x60;
	s12 =	simm.s32 @!p0 $0xA400  }
0xd0: {  	[tilespmem:s12], [sflag:$0x2] =	stream.indirect.gather @!p0 [hbm4b:s3+s11], $0x20, s9, s11, $0xb8;
	[tilespmem:$0xD800] =	vst v63  }
0xd1: {  	_ =	swait.ge [sflag:s26], $0xD00  }
0xd2: {  	[sflag:s26] =	ssyncset.done $0x0  }
0xd3: {  	[sflag:s26] =	ssyncadd.s32 $0xFFFFF300  }
0xd4: {  	_ =	swait.ge [sflag:s26], $0xC00  }
0xd5: {  	[sflag:s26] =	ssyncset.done $0x0  }
0xd6: {  	s9 =	simm.s32 $0x0;
	[sflag:s26] =	ssyncadd.s32 $0xFFFFF400  }
0xd7: {  	v1 =	vld [tilespmem:s9+$0x7E80]  }
0xd8: {  	v4 =	vld [tilespmem:s9+$0x7E90]  }
0xd9: {  	v5 =	vld [tilespmem:s9+$0x7EA0]  }
0xda: {  	v6 =	vld [tilespmem:s9+$0x7EB0]  }
0xdb: {  	v2 =	vld [tilespmem:s9+$0x7EC0]  }
0xdc: {  	v3 =	vld [tilespmem:s9+$0x7ED0]  }
0xdd: {  	v19 =	vld [tilespmem:s9+$0x7E00]  }
0xde: {  	v20 =	vld [tilespmem:s9+$0x7E10]  }
0xdf: {  	v17 =	vld [tilespmem:s9+$0x7E20]  }
0xe0: {  	v18 =	vld [tilespmem:s9+$0x7E30]  }
0xe1: {  	v11 =	vimm.f32 $0.0e+00;
	v12 =	vimm.f32 $0.0e+00;
	v14 =	vld [tilespmem:s9+$0x7E40]  }
0xe2: {  	v13 =	vimm.f32 $0.0e+00;
	v9 =	vimm.f32 $0.0e+00;
	v8 =	vimm.f32 $0.0e+00;
	v15 =	vld [tilespmem:s9+$0x7E50]  }
0xe3: {  	v10 =	vimm.f32 $0.0e+00;
	v7 =	vimm.f32 $0.0e+00;
	v0 =	vimm.f32 $0.0e+00;
	s11 =	simm.s32 $0x400;
	v16 =	vld [tilespmem:s9+$0x7E60]  }
.LBB2_11:
0xe4: {  	p1 =	sne.s32 s11, $0x3000;
	v0 =	vadd.f32 v19, v0;
	v11 =	vadd.f32 v20, v11;
	v19 =	vld [tilespmem:s9+$0x7E70]  }
0xe5: {  	v12 =	vadd.f32 v17, v12;
	v13 =	vadd.f32 v18, v13;
	v17 =	vld [tilespmem:s9+$0x7EE0]  }
0xe6: {  	v0 =	vadd.f32 v1, v0;
	v11 =	vadd.f32 v4, v11;
	v18 =	vld [tilespmem:s9+$0x7EF0];
	s9 =	sshra.s32 s11, $0x2  }
0xe7: {  	v12 =	vadd.f32 v5, v12;
	v1 =	vld [tilespmem:s9+$0x7E80];
	v13 =	vadd.f32 v6, v13  }
0xe8: {  	v7 =	vadd.f32 v14, v7;
	v8 =	vadd.f32 v15, v8;
	v4 =	vld [tilespmem:s9+$0x7E90]  }
0xe9: {  	v10 =	vadd.f32 v16, v10;
	v5 =	vld [tilespmem:s9+$0x7EA0];
	v9 =	vadd.f32 v19, v9  }
0xea: {  	v7 =	vadd.f32 v2, v7;
	v8 =	vadd.f32 v3, v8;
	v6 =	vld [tilespmem:s9+$0x7EB0]  }
0xeb: {  	v10 =	vadd.f32 v17, v10;
	v2 =	vld [tilespmem:s9+$0x7EC0];
	v9 =	vadd.f32 v18, v9  }
0xec: {  	v3 =	vld [tilespmem:s9+$0x7ED0]  }
0xed: {  	v19 =	vld [tilespmem:s9+$0x7E00]  }
0xee: {  	v20 =	vld [tilespmem:s9+$0x7E10]  }
.Ltmp6:
0xef: {  	v17 =	vld [tilespmem:s9+$0x7E20];
	(pc) =	sbr.rel @p1 .LBB2_11-.Ltmp6, $4  }
0xf0: {  	v18 =	vld [tilespmem:s9+$0x7E30]  }
0xf1: {  	v14 =	vld [tilespmem:s9+$0x7E40]  }
0xf2: {  	v15 =	vld [tilespmem:s9+$0x7E50]  }
0xf3: {  	s11 =	sadd.s32 $0x400, s11;
	v16 =	vld [tilespmem:s9+$0x7E60]  }
0xf4: {  	v21 =	vld [tilespmem:s9+$0x7E70]  }
0xf5: {  	v22 =	vld [tilespmem:s9+$0x7EE0]  }
0xf6: {  	v11 =	vadd.f32 v20, v11;
	v20 =	vld [tilespmem:s9+$0x7EF0];
	s9 =	simm.s32 $0x0  }
0xf7: {  	v19 =	vadd.f32 v19, v0;
	v0 =	vld [tilespmem:s9+$0xB080]  }
0xf8: {  	v12 =	vadd.f32 v17, v12;
	v13 =	vadd.f32 v18, v13;
	v17 =	vld [tilespmem:s9+$0xB000]  }
0xf9: {  	v18 =	vadd.f32 v1, v19;
	v11 =	vadd.f32 v4, v11;
	v4 =	vld [tilespmem:s9+$0xB090]  }
0xfa: {  	v12 =	vadd.f32 v5, v12;
	v5 =	vld [tilespmem:s9+$0xB0A0];
	v7 =	vadd.f32 v14, v7  }
0xfb: {  	v1 =	vld [tilespmem:s9+$0xB0C0];
	v13 =	vadd.f32 v6, v13;
	v8 =	vadd.f32 v15, v8  }
0xfc: {  	v19 =	vld [tilespmem:s9+$0xB020];
	v10 =	vadd.f32 v16, v10;
	v9 =	vadd.f32 v21, v9  }
0xfd: {  	v14 =	vld [tilespmem:s9+$0xB040];
	v7 =	vadd.f32 v2, v7;
	v3 =	vadd.f32 v3, v8  }
0xfe: {  	v6 =	vld [tilespmem:s9+$0xB0B0];
	v10 =	vadd.f32 v22, v10;
	v8 =	vadd.f32 v20, v9  }
0xff: {  	v11 =	vadd.f32 v13, v11;
	v9 =	vadd.f32 v12, v18;
	v18 =	vld [tilespmem:s9+$0xB010]  }
0x100: {  	v20 =	vld [tilespmem:s9+$0xB030];
	v7 =	vadd.f32 v10, v7;
	v3 =	vadd.f32 v8, v3  }
0x101: {  	v15 =	vld [tilespmem:s9+$0xB050];
	v13 =	vimm.f32 $0.0e+00;
	v12 =	vimm.f32 $0.0e+00  }
0x102: {  	v2 =	vld [tilespmem:s9+$0xB0D0];
	v8 =	vimm.f32 $0.0e+00;
	v10 =	vadd.f32 v7, v9;
	v11 =	vadd.f32 v3, v11  }
0x103: {  	s11 =	simm.s32 $0x400;
	v16 =	vld [tilespmem:s9+$0xB060];
	v7 =	vimm.f32 $0.0e+00;
	v9 =	vimm.f32 $0.0e+00;
	v3 =	vimm.f32 $0.0e+00  }
.LBB2_13:
0x104: {  	p1 =	sne.s32 s11, $0x2C00;
	v10 =	vadd.f32 v17, v10;
	v11 =	vadd.f32 v18, v11;
	v17 =	vld [tilespmem:s9+$0xB070]  }
0x105: {  	v12 =	vadd.f32 v19, v12;
	v13 =	vadd.f32 v20, v13;
	v18 =	vld [tilespmem:s9+$0xB0E0]  }
0x106: {  	v10 =	vadd.f32 v0, v10;
	v11 =	vadd.f32 v4, v11;
	v19 =	vld [tilespmem:s9+$0xB0F0];
	s9 =	sshra.s32 s11, $0x2  }
0x107: {  	v12 =	vadd.f32 v5, v12;
	v0 =	vld [tilespmem:s9+$0xB080];
	v13 =	vadd.f32 v6, v13  }
0x108: {  	v3 =	vadd.f32 v14, v3;
	v7 =	vadd.f32 v15, v7;
	v4 =	vld [tilespmem:s9+$0xB090]  }
0x109: {  	v9 =	vadd.f32 v16, v9;
	v5 =	vld [tilespmem:s9+$0xB0A0];
	v8 =	vadd.f32 v17, v8  }
0x10a: {  	v3 =	vadd.f32 v1, v3;
	v7 =	vadd.f32 v2, v7;
	v6 =	vld [tilespmem:s9+$0xB0B0]  }
0x10b: {  	v9 =	vadd.f32 v18, v9;
	v1 =	vld [tilespmem:s9+$0xB0C0];
	v8 =	vadd.f32 v19, v8  }
0x10c: {  	v2 =	vld [tilespmem:s9+$0xB0D0]  }
0x10d: {  	v17 =	vld [tilespmem:s9+$0xB000]  }
0x10e: {  	v18 =	vld [tilespmem:s9+$0xB010]  }
.Ltmp7:
0x10f: {  	v19 =	vld [tilespmem:s9+$0xB020];
	(pc) =	sbr.rel @p1 .LBB2_13-.Ltmp7, $4  }
0x110: {  	v20 =	vld [tilespmem:s9+$0xB030]  }
0x111: {  	v14 =	vld [tilespmem:s9+$0xB040]  }
0x112: {  	v15 =	vld [tilespmem:s9+$0xB050]  }
0x113: {  	s11 =	sadd.s32 $0x400, s11;
	v16 =	vld [tilespmem:s9+$0xB060]  }
0x114: {  	v10 =	vadd.f32 v17, v10;
	v11 =	vadd.f32 v18, v11;
	v17 =	vld [tilespmem:s9+$0xB070]  }
0x115: {  	v12 =	vadd.f32 v19, v12;
	v18 =	vld [tilespmem:s9+$0xB0E0];
	v13 =	vadd.f32 v20, v13  }
0x116: {  	v0 =	vadd.f32 v0, v10;
	v4 =	vadd.f32 v4, v11;
	v10 =	vld [tilespmem:s9+$0xB0F0]  }
0x117: {  	v5 =	vadd.f32 v5, v12;
	v3 =	vadd.f32 v14, v3  }
0x118: {  	v6 =	vadd.f32 v6, v13;
	v9 =	vadd.f32 v16, v9  }
0x119: {  	v7 =	vadd.f32 v15, v7;
	v8 =	vadd.f32 v17, v8  }
0x11a: {  	v1 =	vadd.f32 v1, v3;
	v3 =	vadd.f32 v18, v9  }
0x11b: {  	v2 =	vadd.f32 v2, v7;
	v7 =	vadd.f32 v10, v8  }
0x11c: {  	v0 =	vadd.f32 v5, v0;
	v1 =	vadd.f32 v3, v1  }
0x11d: {  	v3 =	vadd.f32 v6, v4;
	v2 =	vadd.f32 v7, v2  }
0x11e: {  	v0 =	vadd.f32 v1, v0  }
0x11f: {  	v1 =	vadd.f32 v2, v3  }
0x120: {  	[tilespmem:s1+$0xC840] =	vst v0  }
0x121: {  	s11 =	simm.s32 @!p0 $0x68;
	s12 =	simm.s32 @!p0 $0x7E00;
	s9 =	sadd.s32 @!p0 $0x4B0, s0;
	[tilespmem:s1+$0xC850] =	vst v1  }
0x122: {  	[tilespmem:s12], [sflag:$0x3] =	stream.indirect.gather @!p0 [hbm4b:s3+s11], $0x20, s9, s11, $0xb8;
	[tilespmem:$0xD800] =	vst v63  }
0x123: {  	s0 =	sadd.s32 @!p0 $0x518, s0;
	s9 =	simm.s32 @!p0 $0x60;
	s11 =	simm.s32 @!p0 $0xB000  }
0x124: {  	[tilespmem:s11], [sflag:$0x3] =	stream.indirect.gather @!p0 [hbm4b:s3+s9], $0x20, s0, s9, $0xb8;
	[tilespmem:$0xD800] =	vst v63  }
0x125: {  	_ =	swait.ge [sflag:s28], $0xD00  }
0x126: {  	[sflag:s28] =	ssyncset.done $0x0  }
0x127: {  	[sflag:s28] =	ssyncadd.s32 $0xFFFFF300  }
0x128: {  	_ =	swait.ge [sflag:s28], $0xC00  }
0x129: {  	[sflag:s28] =	ssyncset.done $0x0  }
0x12a: {  	s0 =	simm.s32 $0x0;
	[sflag:s28] =	ssyncadd.s32 $0xFFFFF400  }
0x12b: {  	v1 =	vld [tilespmem:s0+$0x8B80]  }
0x12c: {  	v4 =	vld [tilespmem:s0+$0x8B90]  }
0x12d: {  	v5 =	vld [tilespmem:s0+$0x8BA0]  }
0x12e: {  	v6 =	vld [tilespmem:s0+$0x8BB0]  }
0x12f: {  	v2 =	vld [tilespmem:s0+$0x8BC0]  }
0x130: {  	v3 =	vld [tilespmem:s0+$0x8BD0]  }
0x131: {  	v19 =	vld [tilespmem:s0+$0x8B00]  }
0x132: {  	v20 =	vld [tilespmem:s0+$0x8B10]  }
0x133: {  	v17 =	vld [tilespmem:s0+$0x8B20]  }
0x134: {  	v18 =	vld [tilespmem:s0+$0x8B30]  }
0x135: {  	v11 =	vimm.f32 $0.0e+00;
	v12 =	vimm.f32 $0.0e+00;
	v14 =	vld [tilespmem:s0+$0x8B40]  }
0x136: {  	v13 =	vimm.f32 $0.0e+00;
	v9 =	vimm.f32 $0.0e+00;
	v8 =	vimm.f32 $0.0e+00;
	v15 =	vld [tilespmem:s0+$0x8B50]  }
0x137: {  	v10 =	vimm.f32 $0.0e+00;
	v7 =	vimm.f32 $0.0e+00;
	v0 =	vimm.f32 $0.0e+00;
	s9 =	simm.s32 $0x400;
	v16 =	vld [tilespmem:s0+$0x8B60]  }
.LBB2_15:
0x138: {  	p1 =	sne.s32 s9, $0x3000;
	v0 =	vadd.f32 v19, v0;
	v11 =	vadd.f32 v20, v11;
	v19 =	vld [tilespmem:s0+$0x8B70]  }
0x139: {  	v12 =	vadd.f32 v17, v12;
	v13 =	vadd.f32 v18, v13;
	v17 =	vld [tilespmem:s0+$0x8BE0]  }
0x13a: {  	v0 =	vadd.f32 v1, v0;
	v11 =	vadd.f32 v4, v11;
	v18 =	vld [tilespmem:s0+$0x8BF0];
	s0 =	sshra.s32 s9, $0x2  }
0x13b: {  	v12 =	vadd.f32 v5, v12;
	v1 =	vld [tilespmem:s0+$0x8B80];
	v13 =	vadd.f32 v6, v13  }
0x13c: {  	v7 =	vadd.f32 v14, v7;
	v8 =	vadd.f32 v15, v8;
	v4 =	vld [tilespmem:s0+$0x8B90]  }
0x13d: {  	v10 =	vadd.f32 v16, v10;
	v5 =	vld [tilespmem:s0+$0x8BA0];
	v9 =	vadd.f32 v19, v9  }
0x13e: {  	v7 =	vadd.f32 v2, v7;
	v8 =	vadd.f32 v3, v8;
	v6 =	vld [tilespmem:s0+$0x8BB0]  }
0x13f: {  	v10 =	vadd.f32 v17, v10;
	v2 =	vld [tilespmem:s0+$0x8BC0];
	v9 =	vadd.f32 v18, v9  }
0x140: {  	v3 =	vld [tilespmem:s0+$0x8BD0]  }
0x141: {  	v19 =	vld [tilespmem:s0+$0x8B00]  }
0x142: {  	v20 =	vld [tilespmem:s0+$0x8B10]  }
.Ltmp8:
0x143: {  	v17 =	vld [tilespmem:s0+$0x8B20];
	(pc) =	sbr.rel @p1 .LBB2_15-.Ltmp8, $4  }
0x144: {  	v18 =	vld [tilespmem:s0+$0x8B30]  }
0x145: {  	v14 =	vld [tilespmem:s0+$0x8B40]  }
0x146: {  	v15 =	vld [tilespmem:s0+$0x8B50]  }
0x147: {  	s9 =	sadd.s32 $0x400, s9;
	v16 =	vld [tilespmem:s0+$0x8B60]  }
0x148: {  	v21 =	vld [tilespmem:s0+$0x8B70]  }
0x149: {  	v22 =	vld [tilespmem:s0+$0x8BE0]  }
0x14a: {  	v11 =	vadd.f32 v20, v11;
	v20 =	vld [tilespmem:s0+$0x8BF0];
	s0 =	simm.s32 $0x0  }
0x14b: {  	v19 =	vadd.f32 v19, v0;
	v0 =	vld [tilespmem:s0+$0xBC80]  }
0x14c: {  	v12 =	vadd.f32 v17, v12;
	v13 =	vadd.f32 v18, v13;
	v17 =	vld [tilespmem:s0+$0xBC00]  }
0x14d: {  	v18 =	vadd.f32 v1, v19;
	v11 =	vadd.f32 v4, v11;
	v4 =	vld [tilespmem:s0+$0xBC90]  }
0x14e: {  	v12 =	vadd.f32 v5, v12;
	v5 =	vld [tilespmem:s0+$0xBCA0];
	v7 =	vadd.f32 v14, v7  }
0x14f: {  	v1 =	vld [tilespmem:s0+$0xBCC0];
	v13 =	vadd.f32 v6, v13;
	v8 =	vadd.f32 v15, v8  }
0x150: {  	v19 =	vld [tilespmem:s0+$0xBC20];
	v10 =	vadd.f32 v16, v10;
	v9 =	vadd.f32 v21, v9  }
0x151: {  	v14 =	vld [tilespmem:s0+$0xBC40];
	v7 =	vadd.f32 v2, v7;
	v3 =	vadd.f32 v3, v8  }
0x152: {  	v6 =	vld [tilespmem:s0+$0xBCB0];
	v10 =	vadd.f32 v22, v10;
	v8 =	vadd.f32 v20, v9  }
0x153: {  	v11 =	vadd.f32 v13, v11;
	v9 =	vadd.f32 v12, v18;
	v18 =	vld [tilespmem:s0+$0xBC10]  }
0x154: {  	v20 =	vld [tilespmem:s0+$0xBC30];
	v7 =	vadd.f32 v10, v7;
	v3 =	vadd.f32 v8, v3  }
0x155: {  	v15 =	vld [tilespmem:s0+$0xBC50];
	v13 =	vimm.f32 $0.0e+00;
	v12 =	vimm.f32 $0.0e+00  }
0x156: {  	v2 =	vld [tilespmem:s0+$0xBCD0];
	v8 =	vimm.f32 $0.0e+00;
	v10 =	vadd.f32 v7, v9;
	v11 =	vadd.f32 v3, v11  }
0x157: {  	s9 =	simm.s32 $0x400;
	v16 =	vld [tilespmem:s0+$0xBC60];
	v7 =	vimm.f32 $0.0e+00;
	v9 =	vimm.f32 $0.0e+00;
	v3 =	vimm.f32 $0.0e+00  }
.LBB2_17:
0x158: {  	p1 =	sne.s32 s9, $0x2C00;
	v10 =	vadd.f32 v17, v10;
	v11 =	vadd.f32 v18, v11;
	v17 =	vld [tilespmem:s0+$0xBC70]  }
0x159: {  	v12 =	vadd.f32 v19, v12;
	v13 =	vadd.f32 v20, v13;
	v18 =	vld [tilespmem:s0+$0xBCE0]  }
0x15a: {  	v10 =	vadd.f32 v0, v10;
	v11 =	vadd.f32 v4, v11;
	v19 =	vld [tilespmem:s0+$0xBCF0];
	s0 =	sshra.s32 s9, $0x2  }
0x15b: {  	v12 =	vadd.f32 v5, v12;
	v0 =	vld [tilespmem:s0+$0xBC80];
	v13 =	vadd.f32 v6, v13  }
0x15c: {  	v3 =	vadd.f32 v14, v3;
	v7 =	vadd.f32 v15, v7;
	v4 =	vld [tilespmem:s0+$0xBC90]  }
0x15d: {  	v9 =	vadd.f32 v16, v9;
	v5 =	vld [tilespmem:s0+$0xBCA0];
	v8 =	vadd.f32 v17, v8  }
0x15e: {  	v3 =	vadd.f32 v1, v3;
	v7 =	vadd.f32 v2, v7;
	v6 =	vld [tilespmem:s0+$0xBCB0]  }
0x15f: {  	v9 =	vadd.f32 v18, v9;
	v1 =	vld [tilespmem:s0+$0xBCC0];
	v8 =	vadd.f32 v19, v8  }
0x160: {  	v2 =	vld [tilespmem:s0+$0xBCD0]  }
0x161: {  	v17 =	vld [tilespmem:s0+$0xBC00]  }
0x162: {  	v18 =	vld [tilespmem:s0+$0xBC10]  }
.Ltmp9:
0x163: {  	v19 =	vld [tilespmem:s0+$0xBC20];
	(pc) =	sbr.rel @p1 .LBB2_17-.Ltmp9, $4  }
0x164: {  	v20 =	vld [tilespmem:s0+$0xBC30]  }
0x165: {  	v14 =	vld [tilespmem:s0+$0xBC40]  }
0x166: {  	v15 =	vld [tilespmem:s0+$0xBC50]  }
0x167: {  	s9 =	sadd.s32 $0x400, s9;
	v16 =	vld [tilespmem:s0+$0xBC60]  }
0x168: {  	v10 =	vadd.f32 v17, v10;
	v11 =	vadd.f32 v18, v11;
	v57 =	vld [tilespmem:s0+$0xBC70]  }
0x169: {  	v12 =	vadd.f32 v19, v12;
	v58 =	vld [tilespmem:s0+$0xBCE0];
	v13 =	vadd.f32 v20, v13  }
0x16a: {  	v59 =	vld [tilespmem:s0+$0xBCF0];
	v0 =	vadd.f32 v0, v10;
	v4 =	vadd.f32 v4, v11  }
0x16b: {  	v5 =	vadd.f32 v5, v12;
	v3 =	vadd.f32 v14, v3  }
0x16c: {  	v6 =	vadd.f32 v6, v13;
	v9 =	vadd.f32 v16, v9  }
0x16d: {  	v7 =	vadd.f32 v15, v7;
	v8 =	vadd.f32 v57, v8  }
0x16e: {  	v1 =	vadd.f32 v1, v3;
	v60 =	vadd.f32 v58, v9  }
0x16f: {  	v2 =	vadd.f32 v2, v7;
	v61 =	vadd.f32 v59, v8  }
0x170: {  	v0 =	vadd.f32 v5, v0;
	v1 =	vadd.f32 v60, v1  }
.Ltmp10:
0x171: {  	v62 =	vadd.f32 v6, v4;
	v2 =	vadd.f32 v61, v2;
	(pc) =	sbr.rel @p0 .LBB2_20-.Ltmp10, $4  }
0x172: {  	v0 =	vadd.f32 v1, v0  }
0x173: {  	v63 =	vadd.f32 v2, v62  }
0x174: {  	[tilespmem:s1+$0xC860] =	vst v0  }
0x175: {  	[tilespmem:s1+$0xC870] =	vst v63  }
0x176: {  	s0 =	smul.u32 $0xC80, s31;
	_ =	sdelay $0x1  }
.Ltmp11:
0x177: {  	s0 =	sshra.s32 s0, $0x2;
	(pc) =	sbr.rel .LBB2_2-.Ltmp11, $4  }
0x178: {  	s1 =	sadd.s32 $0x578, s0  }
0x179: {  	[tilespmem:s21], [sflag:$0x4] =	stream.indirect.gather [hbm4b:s3+s8], $0x20, s1, s8, $0xb8;
	[tilespmem:$0xD800] =	vst v63  }
0x17a: {  	s31 =	sadd.s32 $0x1, s31;
	s0 =	sadd.s32 $0x5E0, s0  }
0x17b: {  	[tilespmem:s23], [sflag:$0x4] =	stream.indirect.gather [hbm4b:s3+s10], $0x20, s0, s10, $0xb8;
	[tilespmem:$0xD800] =	vst v63  }
.LBB2_21:
0x17c: {  	_ =	sfence.sel $0x180000  }
0x17d: {  	[bflag:$0x0] =	sbarrier.arrive $0xFFFF  }
0x17e: {  	_ =	strace $0x90000047  }
0x17f: {  	s0 =	stileid.u32;
	[bflag:$0x2] =	sbarrier.arrive $0xFFFF  }
0x180: {  	p0 =	sne.s32 s0, $0x0;
	s0 =	rddreg [dreg:$0x1]  }
0x181: {  	s0 =	sadd.s32 @!p0 $0x100000, s0  }
0x182: {  	[sflag:s0] =	ssyncadd.tile.s32 @!p0 $0x1;
	_ =	shalt  }
.Lfunc_end2:
_tile_overlayer_lowered:
.L_overlay_start_2:
0x183: {  	(tag) =	ssettag $0x2  }
0x184: {  	s0 =	rddreg [dreg:$0x0];
	s2 =	stileid.u32  }
0x185: {  	s1 =	rddreg [dreg:$0x1];
	p0 =	sne.s32 s2, $0x0  }
0x186: {  	s3 =	rddreg [dreg:$0x2];
	[bflag:$0x3] =	sbarrier.arrive $0xFFFF;
	s2 =	simm.s32 @!p0 $0x1C05  }
0x187: {  	[timem:s3], [sflag:s2] =	dma.local @!p0 [hbm:s0], s1  }
0x188: {  	s0 =	simm.s32 @!p0 $0x5  }
0x189: {  	_ =	swait.ge @!p0 [sflag:s0], s1  }
0x18a: {  	s1 =	ssub.s32 @!p0 $0x0, s1;
	[sflag:s0] =	ssyncset.done @!p0 $0x0  }
0x18b: {  	[sflag:s0] =	ssyncadd.s32 @!p0 s1  }
0x18c: {  	[bflag:$0x3] =	sbarrier.arrive $0xFFFF  }
0x18d: {  	_ =	shalt  }

</sc_bundles>
